<compile_context>
chip_gen: v7x
topology: tpu7x:2x2x1
jax: 0.10.2.dev20260603
libtpu: 0.0.44.dev20260713+nightly
codegen_flags: <defaults>
</compile_context>

<pallas_src>
import functools

import jax
import jax.numpy as jnp
from jax import lax
from jax.experimental import pallas as pl
from jax.experimental.pallas import tpu as pltpu
from jax.experimental.pallas import tpu_sc as plsc

N = 10000
E = 320000
D = 128
DE = 16
H = 128

NC = 2
NS = 16
NW = NC * NS
EPW = E // NW
GB = 80
SB = 80
NP = 10240
HALF = NP // 2
ACC_R = 5376
NPT = ACC_R // NS
DPT = HALF // NS
EPT = E // NS

def _pq_body(h_ref, wa_ref, wb_ref, be1_ref, p_ref, q_ref):
    hb = h_ref[...]
    p_ref[...] = hb @ wa_ref[...] + be1_ref[...]
    q_ref[...] = hb @ wb_ref[...]


def _pq_call(h, wa, wb, be1):
    nb = 1000
    return pl.pallas_call(
        _pq_body,
        grid=(N // nb,),
        in_specs=[
            pl.BlockSpec((nb, D), lambda i: (i, 0)),
            pl.BlockSpec((D, H), lambda i: (0, 0)),
            pl.BlockSpec((D, H), lambda i: (0, 0)),
            pl.BlockSpec((1, H), lambda i: (0, 0)),
        ],
        out_specs=[
            pl.BlockSpec((nb, H), lambda i: (i, 0)),
            pl.BlockSpec((nb, H), lambda i: (i, 0)),
        ],
        out_shape=[
            jax.ShapeDtypeStruct((N, H), jnp.float32),
            jax.ShapeDtypeStruct((N, H), jnp.float32),
        ],
    )(h, wa, wb, be1)


def _gather_body(row_hbm, col_hbm, p_hbm, q_hbm, c4_hbm,
                 s_hbm, d4_hbm,
                 idxr, idxc, bufp0, bufp1, bufq0, bufq1, ctab, d4b0, d4b1,
                 semg, semw0, semw1, semd0, semd1):
    wid = lax.axis_index("s") * NC + lax.axis_index("c")
    base = wid * EPW
    bufp = (bufp0, bufp1)
    bufq = (bufq0, bufq1)
    d4b = (d4b0, d4b1)
    semw = (semw0, semw1)
    semd = (semd0, semd1)
    NCH = EPW // GB

    pltpu.sync_copy(row_hbm.at[pl.ds(base, EPW)], idxr)
    pltpu.sync_copy(col_hbm.at[pl.ds(base, EPW)], idxc)
    pltpu.sync_copy(c4_hbm, ctab)
    lane4 = lax.iota(jnp.int32, 16) * 4

    def do_chunk(i, b, drain):
        off = base + i * GB
        ioff = i * GB
        if drain:
            pltpu.make_async_copy(bufp[b], s_hbm.at[pl.ds(0, GB)], semw[b]).wait()
            pltpu.make_async_copy(d4b[b], d4_hbm.at[pl.ds(0, GB * 4)], semd[b]).wait()
        cpp = pltpu.async_copy(p_hbm.at[idxr.at[pl.ds(ioff, GB)]], bufp[b], semg)
        cpq = pltpu.async_copy(q_hbm.at[idxc.at[pl.ds(ioff, GB)]], bufq[b], semg)

        def jloop(j, _):
            r16 = idxr[pl.ds(ioff + j * 16, 16)]
            c16 = idxc[pl.ds(ioff + j * 16, 16)]
            rad = jnp.zeros((16,), jnp.float32)
            r4 = r16 * 4
            c4i = c16 * 4
            for c in range(3):
                d = (plsc.load_gather(ctab, [r4 + c])
                     - plsc.load_gather(ctab, [c4i + c]))
                plsc.store_scatter(d4b[b], [lane4 + (j * 64 + c)], d)
                rad = rad + d * d
            plsc.store_scatter(d4b[b], [lane4 + (j * 64 + 3)], rad)
            return _
        lax.fori_loop(0, GB // 16, jloop, None)

        cpp.wait()
        cpq.wait()

        def aloop(t, _):
            j = t // 8
            k = (t % 8) * 16
            bufp[b][j, pl.ds(k, 16)] = (bufp[b][j, pl.ds(k, 16)]
                                        + bufq[b][j, pl.ds(k, 16)])
            return _
        lax.fori_loop(0, GB * 8, aloop, None)

        pltpu.async_copy(bufp[b], s_hbm.at[pl.ds(off, GB)], semw[b])
        pltpu.async_copy(d4b[b], d4_hbm.at[pl.ds(off * 4, GB * 4)], semd[b])

    do_chunk(0, 0, False)
    do_chunk(1, 1, False)

    def pair(t, _):
        do_chunk(2 * t + 2, 0, True)
        do_chunk(2 * t + 3, 1, True)
        return _
    lax.fori_loop(0, (NCH - 3) // 2, pair, None)
    do_chunk(NCH - 1, 0, True)

    pltpu.make_async_copy(bufp[0], s_hbm.at[pl.ds(0, GB)], semw0).wait()
    pltpu.make_async_copy(d4b0, d4_hbm.at[pl.ds(0, GB * 4)], semd0).wait()
    pltpu.make_async_copy(bufp[1], s_hbm.at[pl.ds(0, GB)], semw1).wait()
    pltpu.make_async_copy(d4b1, d4_hbm.at[pl.ds(0, GB * 4)], semd1).wait()


def _gather_call(row, col, p, q, c4):
    mesh = plsc.VectorSubcoreMesh(core_axis_name="c", subcore_axis_name="s")
    f = pl.kernel(
        _gather_body,
        out_type=[
            jax.ShapeDtypeStruct((E, H), jnp.float32),
            jax.ShapeDtypeStruct((E * 4,), jnp.float32),
        ],
        mesh=mesh,
        compiler_params=pltpu.CompilerParams(needs_layout_passes=False),
        scratch_types=[
            pltpu.VMEM((EPW,), jnp.int32),
            pltpu.VMEM((EPW,), jnp.int32),
            pltpu.VMEM((GB, H), jnp.float32),
            pltpu.VMEM((GB, H), jnp.float32),
            pltpu.VMEM((GB, H), jnp.float32),
            pltpu.VMEM((GB, H), jnp.float32),
            pltpu.VMEM((N * 4,), jnp.float32),
            pltpu.VMEM((GB * 4,), jnp.float32),
            pltpu.VMEM((GB * 4,), jnp.float32),
            pltpu.SemaphoreType.DMA,
            pltpu.SemaphoreType.DMA,
            pltpu.SemaphoreType.DMA,
            pltpu.SemaphoreType.DMA,
            pltpu.SemaphoreType.DMA,
        ],
    )
    return f(row, col, p, q, c4)


def _edge_body(s_ref, d4_ref, ea_ref,
               wr_ref, wa2_ref, we2_ref, be2_ref,
               wc1_ref, bc1_ref, wc2_ref, bc2_ref,
               m_ref, t4_ref):
    d4 = d4_ref[...]
    radial = d4[:, 3:4]
    pre = (s_ref[...] + radial * wr_ref[...]
           + ea_ref[...] @ wa2_ref[...])
    m1 = jnp.maximum(pre, 0.0)
    m = jnp.maximum(m1 @ we2_ref[...] + be2_ref[...], 0.0)
    m_ref[...] = m
    cw = (jnp.maximum(m @ wc1_ref[...] + bc1_ref[...], 0.0) @ wc2_ref[...]
          + bc2_ref[...])
    lane = lax.broadcasted_iota(jnp.int32, d4.shape, 1)
    t4_ref[...] = jnp.where(lane < 3, d4 * cw, 1.0)


def _edge_call(sarr, d4, ea, wr, wa2, we2, be2, wc1, bc1, wc2, bc2):
    eb = 2000
    full = lambda r, c: pl.BlockSpec((r, c), lambda i: (0, 0))
    return pl.pallas_call(
        _edge_body,
        grid=(E // eb,),
        in_specs=[
            pl.BlockSpec((eb, H), lambda i: (i, 0)),
            pl.BlockSpec((eb, 4), lambda i: (i, 0)),
            pl.BlockSpec((eb, DE), lambda i: (i, 0)),
            full(1, H), full(DE, H), full(H, H), full(1, H),
            full(H, H), full(1, H), full(H, 1), full(1, 1),
        ],
        out_specs=[
            pl.BlockSpec((eb, H), lambda i: (i, 0)),
            pl.BlockSpec((eb, 4), lambda i: (i, 0)),
        ],
        out_shape=[
            jax.ShapeDtypeStruct((E, H), jnp.float32),
            jax.ShapeDtypeStruct((E, 4), jnp.float32),
        ],
    )(sarr, d4, ea, wr, wa2, we2, be2, wc1, bc1, wc2, bc2)


def _scatter_body(row_hbm, m_hbm, t4f_hbm, z2d_hbm,
                  agg_hbm, t4p_hbm,
                  idxa, idxs0, idxs1, mbuf0, mbuf1, t4b0, t4b1, acc4, agg_sp,
                  semm0, semm1, sema0, sema1, semt0, semt1):
    cid = lax.axis_index("c")
    sid = lax.axis_index("s")
    base = sid * EPT
    idxs = (idxs0, idxs1)
    mbuf = (mbuf0, mbuf1)
    t4b = (t4b0, t4b1)
    semm = (semm0, semm1)
    sema = (sema0, sema1)
    semt = (semt0, semt1)
    NCH = EPT // SB

    @pl.when(cid == 0)
    def _z4():
        def z4(t, _):
            acc4[pl.ds(t * 16, 16)] = jnp.zeros((16,), jnp.float32)
            return _
        lax.fori_loop(0, (4 * N) // 16, z4, None)

    pltpu.sync_copy(z2d_hbm, agg_sp.at[pl.ds(sid * NPT, NPT)])
    pltpu.sync_copy(row_hbm.at[pl.ds(base, EPT)], idxa)
    plsc.subcore_barrier()

    lane16 = lax.iota(jnp.int32, 16)
    ones16 = jnp.ones((16,), jnp.float32)
    lo = cid * HALF

    def do_chunk(i, b, drain, prefetch_t4):
        off = base + i * SB
        ioff = i * SB
        if drain:
            pltpu.make_async_copy(mbuf[b], agg_sp.at[idxs[b]], sema[b]).wait()
        pltpu.async_copy(m_hbm.at[pl.ds(off, SB)], mbuf[b], semm[b])

        def kloop(k, _):
            v = idxa[pl.ds(ioff + k * 16, 16)] - lo
            ok = jnp.logical_and(v >= 0, v < HALF)
            idxs[b][pl.ds(k * 16, 16)] = jnp.where(ok, v, HALF)
            return _
        lax.fori_loop(0, SB // 16, kloop, None)

        @pl.when(cid == 0)
        def _t4pre():
            if prefetch_t4:
                pltpu.async_copy(
                    t4f_hbm.at[pl.ds((off + SB) * 4, SB * 4)],
                    t4b[1 - b], semt[1 - b])

        pltpu.make_async_copy(m_hbm.at[pl.ds(0, SB)], mbuf[b], semm[b]).wait()
        pltpu.async_copy(mbuf[b], agg_sp.at[idxs[b]], sema[b], add=True)

        @pl.when(cid == 0)
        def _t4():
            pltpu.make_async_copy(t4f_hbm.at[pl.ds(0, SB * 4)],
                                  t4b[b], semt[b]).wait()

            def jloop(j, _):
                nid = idxa[pl.ds(ioff + j * 16, 16)]
                tgt = nid * 4
                src = lane16 * 4 + j * 64
                for c in range(3):
                    val = plsc.load_gather(t4b[b], [src + c])
                    plsc.addupdate_scatter(acc4, [tgt + c], val)
                plsc.addupdate_scatter(acc4, [tgt + 3], ones16)
                return _
            lax.fori_loop(0, SB // 16, jloop, None)

    @pl.when(cid == 0)
    def _t4prime():
        pltpu.async_copy(t4f_hbm.at[pl.ds(base * 4, SB * 4)], t4b[0], semt[0])

    do_chunk(0, 0, False, True)
    do_chunk(1, 1, False, True)

    def pair(t, _):
        do_chunk(2 * t + 2, 0, True, True)
        do_chunk(2 * t + 3, 1, True, True)
        return _
    lax.fori_loop(0, (NCH - 4) // 2, pair, None)
    do_chunk(NCH - 2, 0, True, True)
    do_chunk(NCH - 1, 1, True, False)

    pltpu.make_async_copy(mbuf[0], agg_sp.at[idxs[0]], sema[0]).wait()
    pltpu.make_async_copy(mbuf[1], agg_sp.at[idxs[1]], sema[1]).wait()
    plsc.subcore_barrier()

    pltpu.sync_copy(agg_sp.at[pl.ds(sid * DPT, DPT)],
                    agg_hbm.at[pl.ds(cid * HALF + sid * DPT, DPT)])

    @pl.when(cid == 0)
    def _d4():
        def dump4(k, _):
            pltpu.sync_copy(acc4.at[pl.ds(k * 5000, 5000)],
                            t4p_hbm.at[pl.ds(sid * 4 * N + k * 5000, 5000)])
            return _
        lax.fori_loop(0, 8, dump4, None)


def _scatter_call(row, m, t4f, z2d):
    mesh = plsc.VectorSubcoreMesh(core_axis_name="c", subcore_axis_name="s")
    f = pl.kernel(
        _scatter_body,
        out_type=[
            jax.ShapeDtypeStruct((NP, H), jnp.float32),
            jax.ShapeDtypeStruct((NS * 4 * N,), jnp.float32),
        ],
        mesh=mesh,
        compiler_params=pltpu.CompilerParams(needs_layout_passes=False),
        scratch_types=[
            pltpu.VMEM((EPT,), jnp.int32),
            pltpu.VMEM((SB,), jnp.int32),
            pltpu.VMEM((SB,), jnp.int32),
            pltpu.VMEM((SB, H), jnp.float32),
            pltpu.VMEM((SB, H), jnp.float32),
            pltpu.VMEM((SB * 4,), jnp.float32),
            pltpu.VMEM((SB * 4,), jnp.float32),
            pltpu.VMEM((4 * N,), jnp.float32),
            pltpu.VMEM_SHARED((ACC_R, H), jnp.float32),
            pltpu.SemaphoreType.DMA,
            pltpu.SemaphoreType.DMA,
            pltpu.SemaphoreType.DMA,
            pltpu.SemaphoreType.DMA,
            pltpu.SemaphoreType.DMA,
            pltpu.SemaphoreType.DMA,
        ],
    )
    return f(row, m, t4f, z2d)


def _node_body(h_ref, agg_ref, trp_ref, coord_ref,
               wn1h_ref, wn1a_ref, bn1_ref, wn2_ref, bn2_ref,
               hout_ref, cout_ref):
    t1 = jnp.maximum(h_ref[...] @ wn1h_ref[...] + agg_ref[...] @ wn1a_ref[...]
                     + bn1_ref[...], 0.0)
    hout_ref[...] = t1 @ wn2_ref[...] + bn2_ref[...]
    tr = jnp.sum(trp_ref[...], axis=0)
    cnt = jnp.maximum(tr[:, 3:4], 1.0)
    cout_ref[...] = coord_ref[...] + tr[:, 0:3] / cnt


def _node_call(h, agg, trp, coord, wn1h, wn1a, bn1, wn2, bn2):
    nb = 1000
    full = lambda r, c: pl.BlockSpec((r, c), lambda i: (0, 0))
    return pl.pallas_call(
        _node_body,
        grid=(N // nb,),
        in_specs=[
            pl.BlockSpec((nb, D), lambda i: (i, 0)),
            pl.BlockSpec((nb, H), lambda i: (i, 0)),
            pl.BlockSpec((NS, nb, 4), lambda i: (0, i, 0)),
            pl.BlockSpec((nb, 3), lambda i: (i, 0)),
            full(D, H), full(H, H), full(1, H), full(H, H), full(1, H),
        ],
        out_specs=[
            pl.BlockSpec((nb, H), lambda i: (i, 0)),
            pl.BlockSpec((nb, 3), lambda i: (i, 0)),
        ],
        out_shape=[
            jax.ShapeDtypeStruct((N, H), jnp.float32),
            jax.ShapeDtypeStruct((N, 3), jnp.float32),
        ],
    )(h, agg, trp, coord, wn1h, wn1a, bn1, wn2, bn2)


@jax.jit
def kernel(h, edge_index, coord, edge_attr,
           W_e1, b_e1, W_e2, b_e2,
           W_n1, b_n1, W_n2, b_n2,
           W_c1, b_c1, W_c2, b_c2):
    row = edge_index[0]
    col = edge_index[1]

    wa = W_e1[:D]
    wb = W_e1[D:2 * D]
    wr = W_e1[2 * D:2 * D + 1]
    wa2 = W_e1[2 * D + 1:]

    p, q = _pq_call(h, wa, wb, b_e1.reshape(1, H))

    c4 = jnp.pad(coord, ((0, 0), (0, 1))).reshape(N * 4)
    sarr, d4f = _gather_call(row, col, p, q, c4)

    m_ij, t4 = _edge_call(
        sarr, d4f.reshape(E, 4), edge_attr,
        wr, wa2, W_e2, b_e2.reshape(1, H),
        W_c1, b_c1.reshape(1, H), W_c2, b_c2.reshape(1, 1))

    z2d = jnp.zeros((NPT, H), jnp.float32)
    agg, t4p = _scatter_call(row, m_ij, t4.reshape(E * 4), z2d)

    h_out, coord_out = _node_call(
        h, agg, t4p.reshape(NS, N, 4), coord,
        W_n1[:D], W_n1[D:], b_n1.reshape(1, H),
        W_n2, b_n2.reshape(1, H))

    return (h_out, coord_out, m_ij)

# --- scband reference (transcript-rebuilt; emitter-appended) ---
"""Pipeline reference for scband-e-gcl-3204045602850 (READ-ONLY COPY).

The authoritative reference and input builder live on the scoring server;
editing this copy changes nothing except your own understanding.
"""

import jax, jax.numpy as jnp
import numpy as np

N = 10000
E = 320000
D = 128
DE = 16
H = 128


def _glorot(key, fan_in, fan_out, gain=1.0):
    bound = gain * np.sqrt(6.0 / (fan_in + fan_out))
    return jax.random.uniform(key, (fan_in, fan_out), jnp.float32, -bound, bound)


def setup_inputs(seed: int = 0):
    key = jax.random.key(seed)
    ks = jax.random.split(key, 12)
    h = jax.random.normal(ks[0], (N, D), jnp.float32)
    coord = jax.random.normal(ks[1], (N, 3), jnp.float32)
    edge_index = jax.random.randint(ks[2], (2, E), 0, N, jnp.int32)
    edge_attr = jax.random.normal(ks[3], (E, DE), jnp.float32)
    # edge_mlp: Dense(2*D + 1 + DE -> H), Dense(H -> H)
    W_e1 = _glorot(ks[4], 2 * D + 1 + DE, H)
    b_e1 = jnp.zeros((H,), jnp.float32)
    W_e2 = _glorot(ks[5], H, H)
    b_e2 = jnp.zeros((H,), jnp.float32)
    # node_mlp: Dense(D + H -> H), Dense(H -> H)
    W_n1 = _glorot(ks[6], D + H, H)
    b_n1 = jnp.zeros((H,), jnp.float32)
    W_n2 = _glorot(ks[7], H, H)
    b_n2 = jnp.zeros((H,), jnp.float32)
    # coord_mlp: Dense(H -> H), Dense(H -> 1, xavier gain=0.001)
    W_c1 = _glorot(ks[8], H, H)
    b_c1 = jnp.zeros((H,), jnp.float32)
    W_c2 = _glorot(ks[9], H, 1, gain=0.001)
    b_c2 = jnp.zeros((1,), jnp.float32)
    return {
        'h': h, 'edge_index': edge_index, 'coord': coord, 'edge_attr': edge_attr,
        'W_e1': W_e1, 'b_e1': b_e1, 'W_e2': W_e2, 'b_e2': b_e2,
        'W_n1': W_n1, 'b_n1': b_n1, 'W_n2': W_n2, 'b_n2': b_n2,
        'W_c1': W_c1, 'b_c1': b_c1, 'W_c2': W_c2, 'b_c2': b_c2,
    }


def reference(h, edge_index, coord, edge_attr,
              W_e1, b_e1, W_e2, b_e2,
              W_n1, b_n1, W_n2, b_n2,
              W_c1, b_c1, W_c2, b_c2):
    row = edge_index[0]
    col = edge_index[1]
    n = h.shape[0]

    # edge_model
    source = h[row]
    target = h[col]
    radial = jnp.sum((coord[row] - coord[col]) ** 2, axis=1, keepdims=True)
    edge_in = jnp.concatenate([source, target, radial, edge_attr], axis=1)
    m_ij = jax.nn.relu(edge_in @ W_e1 + b_e1)
    m_ij = jax.nn.relu(m_ij @ W_e2 + b_e2)

    # node_model (unsorted_segment_sum over source nodes)
    agg = jax.ops.segment_sum(m_ij, row, num_segments=n)
    node_in = jnp.concatenate([h, agg], axis=1)
    h_out = jax.nn.relu(node_in @ W_n1 + b_n1) @ W_n2 + b_n2

    # coord_model (unsorted_segment_mean)
    coord_weight = jax.nn.relu(m_ij @ W_c1 + b_c1) @ W_c2 + b_c2
    trans = (coord[row] - coord[col]) * coord_weight
    seg_sum = jax.ops.segment_sum(trans, row, num_segments=n)
    seg_count = jax.ops.segment_sum(jnp.ones_like(trans), row, num_segments=n)
    seg_count = jnp.maximum(seg_count, 1)
    coord_out = coord + seg_sum / seg_count

    return (h_out, coord_out, m_ij)

if __name__ == "__main__":
    import jax
    _d = setup_inputs()
    print(jax.jit(kernel)(*tuple(_d.values())))

</pallas_src>

<mosaic_0001>
#map = affine_map<(d0, d1) -> (0)>
#map1 = affine_map<(d0, d1) -> (0, 0)>
module attributes {stable_mosaic.version = 14 : i64} {
  func.func @_scatter_body(%arg0: i32, %arg1: i32, %arg2: memref<320000xi32, #tpu.memory_space<hbm>>, %arg3: memref<320000x128xf32, #tpu.memory_space<hbm>>, %arg4: memref<1280000xf32, #tpu.memory_space<hbm>>, %arg5: memref<336x128xf32, #tpu.memory_space<hbm>>, %arg6: memref<10240x128xf32, #tpu.memory_space<hbm>>, %arg7: memref<640000xf32, #tpu.memory_space<hbm>>, %arg8: memref<20000xi32, #tpu.memory_space<vmem>>, %arg9: memref<80xi32, #tpu.memory_space<vmem>>, %arg10: memref<80xi32, #tpu.memory_space<vmem>>, %arg11: memref<80x128xf32, #tpu.memory_space<vmem>>, %arg12: memref<80x128xf32, #tpu.memory_space<vmem>>, %arg13: memref<320xf32, #tpu.memory_space<vmem>>, %arg14: memref<320xf32, #tpu.memory_space<vmem>>, %arg15: memref<40000xf32, #tpu.memory_space<vmem>>, %arg16: memref<5376x128xf32, #tpu.memory_space<vmem_shared>>, %arg17: memref<!tpu.dma_semaphore, #tpu.memory_space<semaphore_mem>>, %arg18: memref<!tpu.dma_semaphore, #tpu.memory_space<semaphore_mem>>, %arg19: memref<!tpu.dma_semaphore, #tpu.memory_space<semaphore_mem>>, %arg20: memref<!tpu.dma_semaphore, #tpu.memory_space<semaphore_mem>>, %arg21: memref<!tpu.dma_semaphore, #tpu.memory_space<semaphore_mem>>, %arg22: memref<!tpu.dma_semaphore, #tpu.memory_space<semaphore_mem>>) attributes {dimension_semantics = [#tpu.dimension_semantics<core_parallel>, #tpu.dimension_semantics<subcore_parallel>], iteration_bounds = array<i64: 2, 16>, scalar_prefetch = 0 : i64, scratch_operands = 15 : i64, tpu.core_type = #tpu.core_type<sc_vector_subcore>, window_params = [{transform_indices = #map}, {transform_indices = #map1}, {transform_indices = #map}, {transform_indices = #map1}, {transform_indices = #map1}, {transform_indices = #map}]} {
    %mul3A = arith.constant 20000 : i32
    %mul3A_0 = arith.muli %arg1, %mul3A : i32
    %eq3A = arith.constant 0 : i32
    %eq3A_1 = arith.cmpi eq, %arg0, %eq3A : i32
    %convert_element_type3A = arith.extui %eq3A_1 : i1 to i32
    %cond3A = arith.constant 0 : i32
    %cond3A_2 = arith.cmpi ne, %convert_element_type3A, %cond3A : i32
    scf.if %cond3A_2 {
      %scan3A_159 = arith.constant 0 : i32
      %scan3A_160 = arith.constant 2500 : i32
      %scan3A_161 = arith.addi %scan3A_159, %scan3A_160 : i32
      %scan3A_162 = arith.constant 1 : i32
      scf.for %scan3A_164 = %scan3A_159 to %scan3A_161 step %scan3A_162  : i32 {
        %broadcast_in_dim3A_165 = arith.constant 0.000000e+00 : f32
        %broadcast_in_dim3A_166 = vector.broadcast %broadcast_in_dim3A_165 : f32 to vector<16xf32>
        %mul3A_167 = arith.constant 16 : i32
        %mul3A_168 = arith.muli %scan3A_164, %mul3A_167 : i32
        %swap3A = arith.index_cast %mul3A_168 : i32 to index
        %swap3A_169 = tpu.vector_load %arg15[%swap3A] {strides = array<i32>} : memref<40000xf32, #tpu.memory_space<vmem>>, vector<16xf32>,
        tpu.vector_store %arg15[%swap3A], %broadcast_in_dim3A_166 {strides = array<i32>} : memref<40000xf32, #tpu.memory_space<vmem>>, vector<16xf32>,
      }
      %scan3A_163 = arith.constant 2500 : i32
    } else {
    }
    %mul3A_3 = arith.constant 336 : i32
    %mul3A_4 = arith.muli %arg1, %mul3A_3 : i32
    "tpu.region"() ({
      %run_scoped3A = tpu.sem_alloc : memref<!tpu.dma_semaphore, #tpu.memory_space<semaphore_mem>>
      %dma_start3A_159 = arith.constant 0 : i32
      %dma_start3A_160 = tpu.memref_slice %arg16[%mul3A_4, %dma_start3A_159] : memref<5376x128xf32, #tpu.memory_space<vmem_shared>> -> memref<336x128xf32, #tpu.memory_space<vmem_shared>>
      tpu.enqueue_dma source(%arg5 : memref<336x128xf32, #tpu.memory_space<hbm>>) target(%dma_start3A_160 : memref<336x128xf32, #tpu.memory_space<vmem_shared>>) target_semaphore(%run_scoped3A : memref<!tpu.dma_semaphore, #tpu.memory_space<semaphore_mem>>)
      %dma_wait3A_161 = arith.constant 0 : i32
      %dma_wait3A_162 = tpu.memref_slice %arg16[%mul3A_4, %dma_wait3A_161] : memref<5376x128xf32, #tpu.memory_space<vmem_shared>> -> memref<336x128xf32, #tpu.memory_space<vmem_shared>>
      tpu.wait_dma2 semaphore(%run_scoped3A : memref<!tpu.dma_semaphore, #tpu.memory_space<semaphore_mem>>) src(%arg5 : memref<336x128xf32, #tpu.memory_space<hbm>>) dst(%dma_wait3A_162 : memref<336x128xf32, #tpu.memory_space<vmem_shared>>)
      tpu.yield
    }) : () -> ()
    "tpu.region"() ({
      %run_scoped3A = tpu.sem_alloc : memref<!tpu.dma_semaphore, #tpu.memory_space<semaphore_mem>>
      %dma_start3A_159 = tpu.memref_slice %arg2[%mul3A_0] : memref<320000xi32, #tpu.memory_space<hbm>> -> memref<20000xi32, #tpu.memory_space<hbm>>
      %dma_start3A_160 = tpu.memref_slice %arg2[%mul3A_0] : memref<320000xi32, #tpu.memory_space<hbm>> -> memref<20000xi32, #tpu.memory_space<hbm>>
      tpu.enqueue_dma source(%dma_start3A_160 : memref<20000xi32, #tpu.memory_space<hbm>>) target(%arg8 : memref<20000xi32, #tpu.memory_space<vmem>>) target_semaphore(%run_scoped3A : memref<!tpu.dma_semaphore, #tpu.memory_space<semaphore_mem>>)
      %dma_wait3A_161 = tpu.memref_slice %arg2[%mul3A_0] : memref<320000xi32, #tpu.memory_space<hbm>> -> memref<20000xi32, #tpu.memory_space<hbm>>
      %dma_wait3A_162 = tpu.memref_slice %arg2[%mul3A_0] : memref<320000xi32, #tpu.memory_space<hbm>> -> memref<20000xi32, #tpu.memory_space<hbm>>
      tpu.wait_dma2 semaphore(%run_scoped3A : memref<!tpu.dma_semaphore, #tpu.memory_space<semaphore_mem>>) src(%dma_wait3A_162 : memref<20000xi32, #tpu.memory_space<hbm>>) dst(%arg8 : memref<20000xi32, #tpu.memory_space<vmem>>)
      tpu.yield
    }) : () -> ()
    %barrier3A = arith.constant 0 : index
    tpu.barrier barrier_id(%barrier3A)
    %iota3A = tpu.iota {dimensions = array<i32: 0>} : vector<16xi32>
    %broadcast_in_dim3A = arith.constant 1.000000e+00 : f32
    %broadcast_in_dim3A_5 = vector.broadcast %broadcast_in_dim3A : f32 to vector<16xf32>
    %mul3A_6 = arith.constant 5120 : i32
    %mul3A_7 = arith.muli %arg0, %mul3A_6 : i32
    %eq3A_8 = arith.constant 0 : i32
    %eq3A_9 = arith.cmpi eq, %arg0, %eq3A_8 : i32
    %convert_element_type3A_10 = arith.extui %eq3A_9 : i1 to i32
    %cond3A_11 = arith.constant 0 : i32
    %cond3A_12 = arith.cmpi ne, %convert_element_type3A_10, %cond3A_11 : i32
    scf.if %cond3A_12 {
      %mul3A_159 = arith.constant 4 : i32
      %mul3A_160 = arith.muli %mul3A_0, %mul3A_159 : i32
      %dma_start3A_161 = tpu.memref_slice %arg4[%mul3A_160] : memref<1280000xf32, #tpu.memory_space<hbm>> -> memref<320xf32, #tpu.memory_space<hbm>>
      %dma_start3A_162 = tpu.memref_slice %arg4[%mul3A_160] : memref<1280000xf32, #tpu.memory_space<hbm>> -> memref<320xf32, #tpu.memory_space<hbm>>
      tpu.enqueue_dma source(%dma_start3A_162 : memref<320xf32, #tpu.memory_space<hbm>>) target(%arg13 : memref<320xf32, #tpu.memory_space<vmem>>) target_semaphore(%arg21 : memref<!tpu.dma_semaphore, #tpu.memory_space<semaphore_mem>>)
    } else {
    }
    %add3A = arith.constant 0 : i32
    %add3A_13 = arith.addi %mul3A_0, %add3A : i32
    %dma_start3A = arith.constant 0 : i32
    %dma_start3A_14 = tpu.memref_slice %arg3[%add3A_13, %dma_start3A] : memref<320000x128xf32, #tpu.memory_space<hbm>> -> memref<80x128xf32, #tpu.memory_space<hbm>>
    %dma_start3A_15 = arith.constant 0 : i32
    %dma_start3A_16 = tpu.memref_slice %arg3[%add3A_13, %dma_start3A_15] : memref<320000x128xf32, #tpu.memory_space<hbm>> -> memref<80x128xf32, #tpu.memory_space<hbm>>
    tpu.enqueue_dma source(%dma_start3A_16 : memref<80x128xf32, #tpu.memory_space<hbm>>) target(%arg11 : memref<80x128xf32, #tpu.memory_space<vmem>>) target_semaphore(%arg17 : memref<!tpu.dma_semaphore, #tpu.memory_space<semaphore_mem>>)
    %scan3A = arith.constant 0 : i32
    %scan3A_17 = arith.constant 5 : i32
    %scan3A_18 = arith.addi %scan3A, %scan3A_17 : i32
    %scan3A_19 = arith.constant 1 : i32
    scf.for %scan3A_159 = %scan3A to %scan3A_18 step %scan3A_19  : i32 {
      %mul3A_160 = arith.constant 16 : i32
      %mul3A_161 = arith.muli %scan3A_159, %mul3A_160 : i32
      %add3A_162 = arith.constant 0 : i32
      %add3A_163 = arith.addi %add3A_162, %mul3A_161 : i32
      %get3A = arith.index_cast %add3A_163 : i32 to index
      %get3A_164 = tpu.vector_load %arg8[%get3A] {strides = array<i32>} : memref<20000xi32, #tpu.memory_space<vmem>>, vector<16xi32>,
      %sub3A = vector.broadcast %mul3A_7 : i32 to vector<16xi32>
      %sub3A_165 = arith.subi %get3A_164, %sub3A : vector<16xi32>
      %ge3A = arith.constant 0 : i32
      %ge3A_166 = vector.broadcast %ge3A : i32 to vector<16xi32>
      %ge3A_167 = arith.cmpi sge, %sub3A_165, %ge3A_166 : vector<16xi32>
      %lt3A = arith.constant 5120 : i32
      %lt3A_168 = vector.broadcast %lt3A : i32 to vector<16xi32>
      %lt3A_169 = arith.cmpi slt, %sub3A_165, %lt3A_168 : vector<16xi32>
      %and3A = arith.andi %ge3A_167, %lt3A_169 : vector<16xi1>
      %jit3A = arith.constant 5120 : i32
      %broadcast_in_dim3A_170 = vector.broadcast %jit3A : i32 to vector<16xi32>
      %select_n3A = arith.select %and3A, %sub3A_165, %broadcast_in_dim3A_170 : vector<16xi1>, vector<16xi32>
      %mul3A_171 = arith.constant 16 : i32
      %mul3A_172 = arith.muli %scan3A_159, %mul3A_171 : i32
      %swap3A = arith.index_cast %mul3A_172 : i32 to index
      %swap3A_173 = tpu.vector_load %arg9[%swap3A] {strides = array<i32>} : memref<80xi32, #tpu.memory_space<vmem>>, vector<16xi32>,
      tpu.vector_store %arg9[%swap3A], %select_n3A {strides = array<i32>} : memref<80xi32, #tpu.memory_space<vmem>>, vector<16xi32>,
    }
    %scan3A_20 = arith.constant 5 : i32
    %eq3A_21 = arith.constant 0 : i32
    %eq3A_22 = arith.cmpi eq, %arg0, %eq3A_21 : i32
    %convert_element_type3A_23 = arith.extui %eq3A_22 : i1 to i32
    %cond3A_24 = arith.constant 0 : i32
    %cond3A_25 = arith.cmpi ne, %convert_element_type3A_23, %cond3A_24 : i32
    scf.if %cond3A_25 {
      %add3A_159 = arith.constant 80 : i32
      %add3A_160 = arith.addi %add3A_13, %add3A_159 : i32
      %mul3A_161 = arith.constant 4 : i32
      %mul3A_162 = arith.muli %add3A_160, %mul3A_161 : i32
      %dma_start3A_163 = tpu.memref_slice %arg4[%mul3A_162] : memref<1280000xf32, #tpu.memory_space<hbm>> -> memref<320xf32, #tpu.memory_space<hbm>>
      %dma_start3A_164 = tpu.memref_slice %arg4[%mul3A_162] : memref<1280000xf32, #tpu.memory_space<hbm>> -> memref<320xf32, #tpu.memory_space<hbm>>
      tpu.enqueue_dma source(%dma_start3A_164 : memref<320xf32, #tpu.memory_space<hbm>>) target(%arg14 : memref<320xf32, #tpu.memory_space<vmem>>) target_semaphore(%arg22 : memref<!tpu.dma_semaphore, #tpu.memory_space<semaphore_mem>>)
    } else {
    }
    %dma_wait3A = arith.constant 0 : i32
    %dma_wait3A_26 = arith.constant 0 : i32
    %dma_wait3A_27 = tpu.memref_slice %arg3[%dma_wait3A, %dma_wait3A_26] : memref<320000x128xf32, #tpu.memory_space<hbm>> -> memref<80x128xf32, #tpu.memory_space<hbm>>
    %dma_wait3A_28 = arith.constant 0 : i32
    %dma_wait3A_29 = arith.constant 0 : i32
    %dma_wait3A_30 = tpu.memref_slice %arg3[%dma_wait3A_28, %dma_wait3A_29] : memref<320000x128xf32, #tpu.memory_space<hbm>> -> memref<80x128xf32, #tpu.memory_space<hbm>>
    tpu.wait_dma2 semaphore(%arg17 : memref<!tpu.dma_semaphore, #tpu.memory_space<semaphore_mem>>) src(%dma_wait3A_30 : memref<80x128xf32, #tpu.memory_space<hbm>>) dst(%arg11 : memref<80x128xf32, #tpu.memory_space<vmem>>)
    %dma_start3A_31 = arith.constant 0 : i32
    %dma_start3A_32 = arith.constant 0 : i32
    %dma_start3A_33 = tpu.memref_slice %arg16[%dma_start3A_31, %dma_start3A_32] : memref<5376x128xf32, #tpu.memory_space<vmem_shared>> -> memref<5376x128xf32, #tpu.memory_space<vmem_shared>>
    tpu.enqueue_indirect_dma source(%arg11 : memref<80x128xf32, #tpu.memory_space<vmem>>) target(%dma_start3A_33 : memref<5376x128xf32, #tpu.memory_space<vmem_shared>>) offsets(%arg9 : memref<80xi32, #tpu.memory_space<vmem>>) semaphore(%arg19 : memref<!tpu.dma_semaphore, #tpu.memory_space<semaphore_mem>>) {add = true}
    %eq3A_34 = arith.constant 0 : i32
    %eq3A_35 = arith.cmpi eq, %arg0, %eq3A_34 : i32
    %convert_element_type3A_36 = arith.extui %eq3A_35 : i1 to i32
    %cond3A_37 = arith.constant 0 : i32
    %cond3A_38 = arith.cmpi ne, %convert_element_type3A_36, %cond3A_37 : i32
    scf.if %cond3A_38 {
      %dma_wait3A_159 = arith.constant 0 : i32
      %dma_wait3A_160 = tpu.memref_slice %arg4[%dma_wait3A_159] : memref<1280000xf32, #tpu.memory_space<hbm>> -> memref<320xf32, #tpu.memory_space<hbm>>
      %dma_wait3A_161 = arith.constant 0 : i32
      %dma_wait3A_162 = tpu.memref_slice %arg4[%dma_wait3A_161] : memref<1280000xf32, #tpu.memory_space<hbm>> -> memref<320xf32, #tpu.memory_space<hbm>>
      tpu.wait_dma2 semaphore(%arg21 : memref<!tpu.dma_semaphore, #tpu.memory_space<semaphore_mem>>) src(%dma_wait3A_162 : memref<320xf32, #tpu.memory_space<hbm>>) dst(%arg13 : memref<320xf32, #tpu.memory_space<vmem>>)
      %scan3A_163 = arith.constant 0 : i32
      %scan3A_164 = arith.constant 5 : i32
      %scan3A_165 = arith.addi %scan3A_163, %scan3A_164 : i32
      %scan3A_166 = arith.constant 1 : i32
      scf.for %scan3A_168 = %scan3A_163 to %scan3A_165 step %scan3A_166  : i32 {
        %mul3A_169 = arith.constant 16 : i32
        %mul3A_170 = arith.muli %scan3A_168, %mul3A_169 : i32
        %add3A_171 = arith.constant 0 : i32
        %add3A_172 = arith.addi %add3A_171, %mul3A_170 : i32
        %get3A = arith.index_cast %add3A_172 : i32 to index
        %get3A_173 = tpu.vector_load %arg8[%get3A] {strides = array<i32>} : memref<20000xi32, #tpu.memory_space<vmem>>, vector<16xi32>,
        %mul3A_174 = arith.constant 4 : i32
        %mul3A_175 = vector.broadcast %mul3A_174 : i32 to vector<16xi32>
        %mul3A_176 = arith.muli %get3A_173, %mul3A_175 : vector<16xi32>
        %mul3A_177 = arith.constant 4 : i32
        %mul3A_178 = vector.broadcast %mul3A_177 : i32 to vector<16xi32>
        %mul3A_179 = arith.muli %iota3A, %mul3A_178 : vector<16xi32>
        %mul3A_180 = arith.constant 64 : i32
        %mul3A_181 = arith.muli %scan3A_168, %mul3A_180 : i32
        %add3A_182 = vector.broadcast %mul3A_181 : i32 to vector<16xi32>
        %add3A_183 = arith.addi %mul3A_179, %add3A_182 : vector<16xi32>
        %add3A_184 = arith.constant 0 : i32
        %add3A_185 = vector.broadcast %add3A_184 : i32 to vector<16xi32>
        %add3A_186 = arith.addi %add3A_183, %add3A_185 : vector<16xi32>
        %gather3A = tpu.vector_load_idx %arg13[%add3A_186] : memref<320xf32, #tpu.memory_space<vmem>>[vector<16xi32>], vector<16xf32>,
        %add3A_187 = arith.constant 0 : i32
        %add3A_188 = vector.broadcast %add3A_187 : i32 to vector<16xi32>
        %add3A_189 = arith.addi %mul3A_176, %add3A_188 : vector<16xi32>
        tpu.vector_store_idx %arg15[%add3A_189], %gather3A {add = true} : memref<40000xf32, #tpu.memory_space<vmem>>[vector<16xi32>], vector<16xf32>,
        %add3A_190 = arith.constant 1 : i32
        %add3A_191 = vector.broadcast %add3A_190 : i32 to vector<16xi32>
        %add3A_192 = arith.addi %add3A_183, %add3A_191 : vector<16xi32>
        %gather3A_193 = tpu.vector_load_idx %arg13[%add3A_192] : memref<320xf32, #tpu.memory_space<vmem>>[vector<16xi32>], vector<16xf32>,
        %add3A_194 = arith.constant 1 : i32
        %add3A_195 = vector.broadcast %add3A_194 : i32 to vector<16xi32>
        %add3A_196 = arith.addi %mul3A_176, %add3A_195 : vector<16xi32>
        tpu.vector_store_idx %arg15[%add3A_196], %gather3A_193 {add = true} : memref<40000xf32, #tpu.memory_space<vmem>>[vector<16xi32>], vector<16xf32>,
        %add3A_197 = arith.constant 2 : i32
        %add3A_198 = vector.broadcast %add3A_197 : i32 to vector<16xi32>
        %add3A_199 = arith.addi %add3A_183, %add3A_198 : vector<16xi32>
        %gather3A_200 = tpu.vector_load_idx %arg13[%add3A_199] : memref<320xf32, #tpu.memory_space<vmem>>[vector<16xi32>], vector<16xf32>,
        %add3A_201 = arith.constant 2 : i32
        %add3A_202 = vector.broadcast %add3A_201 : i32 to vector<16xi32>
        %add3A_203 = arith.addi %mul3A_176, %add3A_202 : vector<16xi32>
        tpu.vector_store_idx %arg15[%add3A_203], %gather3A_200 {add = true} : memref<40000xf32, #tpu.memory_space<vmem>>[vector<16xi32>], vector<16xf32>,
        %add3A_204 = arith.constant 3 : i32
        %add3A_205 = vector.broadcast %add3A_204 : i32 to vector<16xi32>
        %add3A_206 = arith.addi %mul3A_176, %add3A_205 : vector<16xi32>
        tpu.vector_store_idx %arg15[%add3A_206], %broadcast_in_dim3A_5 {add = true} : memref<40000xf32, #tpu.memory_space<vmem>>[vector<16xi32>], vector<16xf32>,
      }
      %scan3A_167 = arith.constant 5 : i32
    } else {
    }
    %add3A_39 = arith.constant 80 : i32
    %add3A_40 = arith.addi %mul3A_0, %add3A_39 : i32
    %dma_start3A_41 = arith.constant 0 : i32
    %dma_start3A_42 = tpu.memref_slice %arg3[%add3A_40, %dma_start3A_41] : memref<320000x128xf32, #tpu.memory_space<hbm>> -> memref<80x128xf32, #tpu.memory_space<hbm>>
    %dma_start3A_43 = arith.constant 0 : i32
    %dma_start3A_44 = tpu.memref_slice %arg3[%add3A_40, %dma_start3A_43] : memref<320000x128xf32, #tpu.memory_space<hbm>> -> memref<80x128xf32, #tpu.memory_space<hbm>>
    tpu.enqueue_dma source(%dma_start3A_44 : memref<80x128xf32, #tpu.memory_space<hbm>>) target(%arg12 : memref<80x128xf32, #tpu.memory_space<vmem>>) target_semaphore(%arg18 : memref<!tpu.dma_semaphore, #tpu.memory_space<semaphore_mem>>)
    %scan3A_45 = arith.constant 0 : i32
    %scan3A_46 = arith.constant 5 : i32
    %scan3A_47 = arith.addi %scan3A_45, %scan3A_46 : i32
    %scan3A_48 = arith.constant 1 : i32
    scf.for %scan3A_159 = %scan3A_45 to %scan3A_47 step %scan3A_48  : i32 {
      %mul3A_160 = arith.constant 16 : i32
      %mul3A_161 = arith.muli %scan3A_159, %mul3A_160 : i32
      %add3A_162 = arith.constant 80 : i32
      %add3A_163 = arith.addi %add3A_162, %mul3A_161 : i32
      %get3A = arith.index_cast %add3A_163 : i32 to index
      %get3A_164 = tpu.vector_load %arg8[%get3A] {strides = array<i32>} : memref<20000xi32, #tpu.memory_space<vmem>>, vector<16xi32>,
      %sub3A = vector.broadcast %mul3A_7 : i32 to vector<16xi32>
      %sub3A_165 = arith.subi %get3A_164, %sub3A : vector<16xi32>
      %ge3A = arith.constant 0 : i32
      %ge3A_166 = vector.broadcast %ge3A : i32 to vector<16xi32>
      %ge3A_167 = arith.cmpi sge, %sub3A_165, %ge3A_166 : vector<16xi32>
      %lt3A = arith.constant 5120 : i32
      %lt3A_168 = vector.broadcast %lt3A : i32 to vector<16xi32>
      %lt3A_169 = arith.cmpi slt, %sub3A_165, %lt3A_168 : vector<16xi32>
      %and3A = arith.andi %ge3A_167, %lt3A_169 : vector<16xi1>
      %jit3A = arith.constant 5120 : i32
      %broadcast_in_dim3A_170 = vector.broadcast %jit3A : i32 to vector<16xi32>
      %select_n3A = arith.select %and3A, %sub3A_165, %broadcast_in_dim3A_170 : vector<16xi1>, vector<16xi32>
      %mul3A_171 = arith.constant 16 : i32
      %mul3A_172 = arith.muli %scan3A_159, %mul3A_171 : i32
      %swap3A = arith.index_cast %mul3A_172 : i32 to index
      %swap3A_173 = tpu.vector_load %arg10[%swap3A] {strides = array<i32>} : memref<80xi32, #tpu.memory_space<vmem>>, vector<16xi32>,
      tpu.vector_store %arg10[%swap3A], %select_n3A {strides = array<i32>} : memref<80xi32, #tpu.memory_space<vmem>>, vector<16xi32>,
    }
    %scan3A_49 = arith.constant 5 : i32
    %eq3A_50 = arith.constant 0 : i32
    %eq3A_51 = arith.cmpi eq, %arg0, %eq3A_50 : i32
    %convert_element_type3A_52 = arith.extui %eq3A_51 : i1 to i32
    %cond3A_53 = arith.constant 0 : i32
    %cond3A_54 = arith.cmpi ne, %convert_element_type3A_52, %cond3A_53 : i32
    scf.if %cond3A_54 {
      %add3A_159 = arith.constant 80 : i32
      %add3A_160 = arith.addi %add3A_40, %add3A_159 : i32
      %mul3A_161 = arith.constant 4 : i32
      %mul3A_162 = arith.muli %add3A_160, %mul3A_161 : i32
      %dma_start3A_163 = tpu.memref_slice %arg4[%mul3A_162] : memref<1280000xf32, #tpu.memory_space<hbm>> -> memref<320xf32, #tpu.memory_space<hbm>>
      %dma_start3A_164 = tpu.memref_slice %arg4[%mul3A_162] : memref<1280000xf32, #tpu.memory_space<hbm>> -> memref<320xf32, #tpu.memory_space<hbm>>
      tpu.enqueue_dma source(%dma_start3A_164 : memref<320xf32, #tpu.memory_space<hbm>>) target(%arg13 : memref<320xf32, #tpu.memory_space<vmem>>) target_semaphore(%arg21 : memref<!tpu.dma_semaphore, #tpu.memory_space<semaphore_mem>>)
    } else {
    }
    %dma_wait3A_55 = arith.constant 0 : i32
    %dma_wait3A_56 = arith.constant 0 : i32
    %dma_wait3A_57 = tpu.memref_slice %arg3[%dma_wait3A_55, %dma_wait3A_56] : memref<320000x128xf32, #tpu.memory_space<hbm>> -> memref<80x128xf32, #tpu.memory_space<hbm>>
    %dma_wait3A_58 = arith.constant 0 : i32
    %dma_wait3A_59 = arith.constant 0 : i32
    %dma_wait3A_60 = tpu.memref_slice %arg3[%dma_wait3A_58, %dma_wait3A_59] : memref<320000x128xf32, #tpu.memory_space<hbm>> -> memref<80x128xf32, #tpu.memory_space<hbm>>
    tpu.wait_dma2 semaphore(%arg18 : memref<!tpu.dma_semaphore, #tpu.memory_space<semaphore_mem>>) src(%dma_wait3A_60 : memref<80x128xf32, #tpu.memory_space<hbm>>) dst(%arg12 : memref<80x128xf32, #tpu.memory_space<vmem>>)
    %dma_start3A_61 = arith.constant 0 : i32
    %dma_start3A_62 = arith.constant 0 : i32
    %dma_start3A_63 = tpu.memref_slice %arg16[%dma_start3A_61, %dma_start3A_62] : memref<5376x128xf32, #tpu.memory_space<vmem_shared>> -> memref<5376x128xf32, #tpu.memory_space<vmem_shared>>
    tpu.enqueue_indirect_dma source(%arg12 : memref<80x128xf32, #tpu.memory_space<vmem>>) target(%dma_start3A_63 : memref<5376x128xf32, #tpu.memory_space<vmem_shared>>) offsets(%arg10 : memref<80xi32, #tpu.memory_space<vmem>>) semaphore(%arg20 : memref<!tpu.dma_semaphore, #tpu.memory_space<semaphore_mem>>) {add = true}
    %eq3A_64 = arith.constant 0 : i32
    %eq3A_65 = arith.cmpi eq, %arg0, %eq3A_64 : i32
    %convert_element_type3A_66 = arith.extui %eq3A_65 : i1 to i32
    %cond3A_67 = arith.constant 0 : i32
    %cond3A_68 = arith.cmpi ne, %convert_element_type3A_66, %cond3A_67 : i32
    scf.if %cond3A_68 {
      %dma_wait3A_159 = arith.constant 0 : i32
      %dma_wait3A_160 = tpu.memref_slice %arg4[%dma_wait3A_159] : memref<1280000xf32, #tpu.memory_space<hbm>> -> memref<320xf32, #tpu.memory_space<hbm>>
      %dma_wait3A_161 = arith.constant 0 : i32
      %dma_wait3A_162 = tpu.memref_slice %arg4[%dma_wait3A_161] : memref<1280000xf32, #tpu.memory_space<hbm>> -> memref<320xf32, #tpu.memory_space<hbm>>
      tpu.wait_dma2 semaphore(%arg22 : memref<!tpu.dma_semaphore, #tpu.memory_space<semaphore_mem>>) src(%dma_wait3A_162 : memref<320xf32, #tpu.memory_space<hbm>>) dst(%arg14 : memref<320xf32, #tpu.memory_space<vmem>>)
      %scan3A_163 = arith.constant 0 : i32
      %scan3A_164 = arith.constant 5 : i32
      %scan3A_165 = arith.addi %scan3A_163, %scan3A_164 : i32
      %scan3A_166 = arith.constant 1 : i32
      scf.for %scan3A_168 = %scan3A_163 to %scan3A_165 step %scan3A_166  : i32 {
        %mul3A_169 = arith.constant 16 : i32
        %mul3A_170 = arith.muli %scan3A_168, %mul3A_169 : i32
        %add3A_171 = arith.constant 80 : i32
        %add3A_172 = arith.addi %add3A_171, %mul3A_170 : i32
        %get3A = arith.index_cast %add3A_172 : i32 to index
        %get3A_173 = tpu.vector_load %arg8[%get3A] {strides = array<i32>} : memref<20000xi32, #tpu.memory_space<vmem>>, vector<16xi32>,
        %mul3A_174 = arith.constant 4 : i32
        %mul3A_175 = vector.broadcast %mul3A_174 : i32 to vector<16xi32>
        %mul3A_176 = arith.muli %get3A_173, %mul3A_175 : vector<16xi32>
        %mul3A_177 = arith.constant 4 : i32
        %mul3A_178 = vector.broadcast %mul3A_177 : i32 to vector<16xi32>
        %mul3A_179 = arith.muli %iota3A, %mul3A_178 : vector<16xi32>
        %mul3A_180 = arith.constant 64 : i32
        %mul3A_181 = arith.muli %scan3A_168, %mul3A_180 : i32
        %add3A_182 = vector.broadcast %mul3A_181 : i32 to vector<16xi32>
        %add3A_183 = arith.addi %mul3A_179, %add3A_182 : vector<16xi32>
        %add3A_184 = arith.constant 0 : i32
        %add3A_185 = vector.broadcast %add3A_184 : i32 to vector<16xi32>
        %add3A_186 = arith.addi %add3A_183, %add3A_185 : vector<16xi32>
        %gather3A = tpu.vector_load_idx %arg14[%add3A_186] : memref<320xf32, #tpu.memory_space<vmem>>[vector<16xi32>], vector<16xf32>,
        %add3A_187 = arith.constant 0 : i32
        %add3A_188 = vector.broadcast %add3A_187 : i32 to vector<16xi32>
        %add3A_189 = arith.addi %mul3A_176, %add3A_188 : vector<16xi32>
        tpu.vector_store_idx %arg15[%add3A_189], %gather3A {add = true} : memref<40000xf32, #tpu.memory_space<vmem>>[vector<16xi32>], vector<16xf32>,
        %add3A_190 = arith.constant 1 : i32
        %add3A_191 = vector.broadcast %add3A_190 : i32 to vector<16xi32>
        %add3A_192 = arith.addi %add3A_183, %add3A_191 : vector<16xi32>
        %gather3A_193 = tpu.vector_load_idx %arg14[%add3A_192] : memref<320xf32, #tpu.memory_space<vmem>>[vector<16xi32>], vector<16xf32>,
        %add3A_194 = arith.constant 1 : i32
        %add3A_195 = vector.broadcast %add3A_194 : i32 to vector<16xi32>
        %add3A_196 = arith.addi %mul3A_176, %add3A_195 : vector<16xi32>
        tpu.vector_store_idx %arg15[%add3A_196], %gather3A_193 {add = true} : memref<40000xf32, #tpu.memory_space<vmem>>[vector<16xi32>], vector<16xf32>,
        %add3A_197 = arith.constant 2 : i32
        %add3A_198 = vector.broadcast %add3A_197 : i32 to vector<16xi32>
        %add3A_199 = arith.addi %add3A_183, %add3A_198 : vector<16xi32>
        %gather3A_200 = tpu.vector_load_idx %arg14[%add3A_199] : memref<320xf32, #tpu.memory_space<vmem>>[vector<16xi32>], vector<16xf32>,
        %add3A_201 = arith.constant 2 : i32
        %add3A_202 = vector.broadcast %add3A_201 : i32 to vector<16xi32>
        %add3A_203 = arith.addi %mul3A_176, %add3A_202 : vector<16xi32>
        tpu.vector_store_idx %arg15[%add3A_203], %gather3A_200 {add = true} : memref<40000xf32, #tpu.memory_space<vmem>>[vector<16xi32>], vector<16xf32>,
        %add3A_204 = arith.constant 3 : i32
        %add3A_205 = vector.broadcast %add3A_204 : i32 to vector<16xi32>
        %add3A_206 = arith.addi %mul3A_176, %add3A_205 : vector<16xi32>
        tpu.vector_store_idx %arg15[%add3A_206], %broadcast_in_dim3A_5 {add = true} : memref<40000xf32, #tpu.memory_space<vmem>>[vector<16xi32>], vector<16xf32>,
      }
      %scan3A_167 = arith.constant 5 : i32
    } else {
    }
    %scan3A_69 = arith.constant 0 : i32
    %scan3A_70 = arith.constant 123 : i32
    %scan3A_71 = arith.addi %scan3A_69, %scan3A_70 : i32
    %scan3A_72 = arith.constant 1 : i32
    scf.for %scan3A_159 = %scan3A_69 to %scan3A_71 step %scan3A_72  : i32 {
      %mul3A_160 = arith.constant 2 : i32
      %mul3A_161 = arith.muli %mul3A_160, %scan3A_159 : i32
      %add3A_162 = arith.constant 2 : i32
      %add3A_163 = arith.addi %mul3A_161, %add3A_162 : i32
      %mul3A_164 = arith.constant 80 : i32
      %mul3A_165 = arith.muli %add3A_163, %mul3A_164 : i32
      %add3A_166 = arith.addi %mul3A_0, %mul3A_165 : i32
      %mul3A_167 = arith.constant 80 : i32
      %mul3A_168 = arith.muli %add3A_163, %mul3A_167 : i32
      %dma_wait3A_169 = arith.constant 0 : i32
      %dma_wait3A_170 = arith.constant 0 : i32
      %dma_wait3A_171 = tpu.memref_slice %arg16[%dma_wait3A_169, %dma_wait3A_170] : memref<5376x128xf32, #tpu.memory_space<vmem_shared>> -> memref<5376x128xf32, #tpu.memory_space<vmem_shared>>
      tpu.wait_indirect_dma semaphore(%arg19 : memref<!tpu.dma_semaphore, #tpu.memory_space<semaphore_mem>>) src(%arg11 : memref<80x128xf32, #tpu.memory_space<vmem>>) dst(%dma_wait3A_171 : memref<5376x128xf32, #tpu.memory_space<vmem_shared>>)
      %dma_start3A_172 = arith.constant 0 : i32
      %dma_start3A_173 = tpu.memref_slice %arg3[%add3A_166, %dma_start3A_172] : memref<320000x128xf32, #tpu.memory_space<hbm>> -> memref<80x128xf32, #tpu.memory_space<hbm>>
      %dma_start3A_174 = arith.constant 0 : i32
      %dma_start3A_175 = tpu.memref_slice %arg3[%add3A_166, %dma_start3A_174] : memref<320000x128xf32, #tpu.memory_space<hbm>> -> memref<80x128xf32, #tpu.memory_space<hbm>>
      tpu.enqueue_dma source(%dma_start3A_175 : memref<80x128xf32, #tpu.memory_space<hbm>>) target(%arg11 : memref<80x128xf32, #tpu.memory_space<vmem>>) target_semaphore(%arg17 : memref<!tpu.dma_semaphore, #tpu.memory_space<semaphore_mem>>)
      %scan3A_176 = arith.constant 0 : i32
      %scan3A_177 = arith.constant 5 : i32
      %scan3A_178 = arith.addi %scan3A_176, %scan3A_177 : i32
      %scan3A_179 = arith.constant 1 : i32
      scf.for %scan3A_240 = %scan3A_176 to %scan3A_178 step %scan3A_179  : i32 {
        %mul3A_241 = arith.constant 16 : i32
        %mul3A_242 = arith.muli %scan3A_240, %mul3A_241 : i32
        %add3A_243 = arith.addi %mul3A_168, %mul3A_242 : i32
        %get3A = arith.index_cast %add3A_243 : i32 to index
        %get3A_244 = tpu.vector_load %arg8[%get3A] {strides = array<i32>} : memref<20000xi32, #tpu.memory_space<vmem>>, vector<16xi32>,
        %sub3A = vector.broadcast %mul3A_7 : i32 to vector<16xi32>
        %sub3A_245 = arith.subi %get3A_244, %sub3A : vector<16xi32>
        %ge3A = arith.constant 0 : i32
        %ge3A_246 = vector.broadcast %ge3A : i32 to vector<16xi32>
        %ge3A_247 = arith.cmpi sge, %sub3A_245, %ge3A_246 : vector<16xi32>
        %lt3A = arith.constant 5120 : i32
        %lt3A_248 = vector.broadcast %lt3A : i32 to vector<16xi32>
        %lt3A_249 = arith.cmpi slt, %sub3A_245, %lt3A_248 : vector<16xi32>
        %and3A = arith.andi %ge3A_247, %lt3A_249 : vector<16xi1>
        %jit3A = arith.constant 5120 : i32
        %broadcast_in_dim3A_250 = vector.broadcast %jit3A : i32 to vector<16xi32>
        %select_n3A = arith.select %and3A, %sub3A_245, %broadcast_in_dim3A_250 : vector<16xi1>, vector<16xi32>
        %mul3A_251 = arith.constant 16 : i32
        %mul3A_252 = arith.muli %scan3A_240, %mul3A_251 : i32
        %swap3A = arith.index_cast %mul3A_252 : i32 to index
        %swap3A_253 = tpu.vector_load %arg9[%swap3A] {strides = array<i32>} : memref<80xi32, #tpu.memory_space<vmem>>, vector<16xi32>,
        tpu.vector_store %arg9[%swap3A], %select_n3A {strides = array<i32>} : memref<80xi32, #tpu.memory_space<vmem>>, vector<16xi32>,
      }
      %scan3A_180 = arith.constant 5 : i32
      %eq3A_181 = arith.constant 0 : i32
      %eq3A_182 = arith.cmpi eq, %arg0, %eq3A_181 : i32
      %convert_element_type3A_183 = arith.extui %eq3A_182 : i1 to i32
      %cond3A_184 = arith.constant 0 : i32
      %cond3A_185 = arith.cmpi ne, %convert_element_type3A_183, %cond3A_184 : i32
      scf.if %cond3A_185 {
        %add3A_240 = arith.constant 80 : i32
        %add3A_241 = arith.addi %add3A_166, %add3A_240 : i32
        %mul3A_242 = arith.constant 4 : i32
        %mul3A_243 = arith.muli %add3A_241, %mul3A_242 : i32
        %dma_start3A_244 = tpu.memref_slice %arg4[%mul3A_243] : memref<1280000xf32, #tpu.memory_space<hbm>> -> memref<320xf32, #tpu.memory_space<hbm>>
        %dma_start3A_245 = tpu.memref_slice %arg4[%mul3A_243] : memref<1280000xf32, #tpu.memory_space<hbm>> -> memref<320xf32, #tpu.memory_space<hbm>>
        tpu.enqueue_dma source(%dma_start3A_245 : memref<320xf32, #tpu.memory_space<hbm>>) target(%arg14 : memref<320xf32, #tpu.memory_space<vmem>>) target_semaphore(%arg22 : memref<!tpu.dma_semaphore, #tpu.memory_space<semaphore_mem>>)
      } else {
      }
      %dma_wait3A_186 = arith.constant 0 : i32
      %dma_wait3A_187 = arith.constant 0 : i32
      %dma_wait3A_188 = tpu.memref_slice %arg3[%dma_wait3A_186, %dma_wait3A_187] : memref<320000x128xf32, #tpu.memory_space<hbm>> -> memref<80x128xf32, #tpu.memory_space<hbm>>
      %dma_wait3A_189 = arith.constant 0 : i32
      %dma_wait3A_190 = arith.constant 0 : i32
      %dma_wait3A_191 = tpu.memref_slice %arg3[%dma_wait3A_189, %dma_wait3A_190] : memref<320000x128xf32, #tpu.memory_space<hbm>> -> memref<80x128xf32, #tpu.memory_space<hbm>>
      tpu.wait_dma2 semaphore(%arg17 : memref<!tpu.dma_semaphore, #tpu.memory_space<semaphore_mem>>) src(%dma_wait3A_191 : memref<80x128xf32, #tpu.memory_space<hbm>>) dst(%arg11 : memref<80x128xf32, #tpu.memory_space<vmem>>)
      %dma_start3A_192 = arith.constant 0 : i32
      %dma_start3A_193 = arith.constant 0 : i32
      %dma_start3A_194 = tpu.memref_slice %arg16[%dma_start3A_192, %dma_start3A_193] : memref<5376x128xf32, #tpu.memory_space<vmem_shared>> -> memref<5376x128xf32, #tpu.memory_space<vmem_shared>>
      tpu.enqueue_indirect_dma source(%arg11 : memref<80x128xf32, #tpu.memory_space<vmem>>) target(%dma_start3A_194 : memref<5376x128xf32, #tpu.memory_space<vmem_shared>>) offsets(%arg9 : memref<80xi32, #tpu.memory_space<vmem>>) semaphore(%arg19 : memref<!tpu.dma_semaphore, #tpu.memory_space<semaphore_mem>>) {add = true}
      %eq3A_195 = arith.constant 0 : i32
      %eq3A_196 = arith.cmpi eq, %arg0, %eq3A_195 : i32
      %convert_element_type3A_197 = arith.extui %eq3A_196 : i1 to i32
      %cond3A_198 = arith.constant 0 : i32
      %cond3A_199 = arith.cmpi ne, %convert_element_type3A_197, %cond3A_198 : i32
      scf.if %cond3A_199 {
        %dma_wait3A_240 = arith.constant 0 : i32
        %dma_wait3A_241 = tpu.memref_slice %arg4[%dma_wait3A_240] : memref<1280000xf32, #tpu.memory_space<hbm>> -> memref<320xf32, #tpu.memory_space<hbm>>
        %dma_wait3A_242 = arith.constant 0 : i32
        %dma_wait3A_243 = tpu.memref_slice %arg4[%dma_wait3A_242] : memref<1280000xf32, #tpu.memory_space<hbm>> -> memref<320xf32, #tpu.memory_space<hbm>>
        tpu.wait_dma2 semaphore(%arg21 : memref<!tpu.dma_semaphore, #tpu.memory_space<semaphore_mem>>) src(%dma_wait3A_243 : memref<320xf32, #tpu.memory_space<hbm>>) dst(%arg13 : memref<320xf32, #tpu.memory_space<vmem>>)
        %scan3A_244 = arith.constant 0 : i32
        %scan3A_245 = arith.constant 5 : i32
        %scan3A_246 = arith.addi %scan3A_244, %scan3A_245 : i32
        %scan3A_247 = arith.constant 1 : i32
        scf.for %scan3A_249 = %scan3A_244 to %scan3A_246 step %scan3A_247  : i32 {
          %mul3A_250 = arith.constant 16 : i32
          %mul3A_251 = arith.muli %scan3A_249, %mul3A_250 : i32
          %add3A_252 = arith.addi %mul3A_168, %mul3A_251 : i32
          %get3A = arith.index_cast %add3A_252 : i32 to index
          %get3A_253 = tpu.vector_load %arg8[%get3A] {strides = array<i32>} : memref<20000xi32, #tpu.memory_space<vmem>>, vector<16xi32>,
          %mul3A_254 = arith.constant 4 : i32
          %mul3A_255 = vector.broadcast %mul3A_254 : i32 to vector<16xi32>
          %mul3A_256 = arith.muli %get3A_253, %mul3A_255 : vector<16xi32>
          %mul3A_257 = arith.constant 4 : i32
          %mul3A_258 = vector.broadcast %mul3A_257 : i32 to vector<16xi32>
          %mul3A_259 = arith.muli %iota3A, %mul3A_258 : vector<16xi32>
          %mul3A_260 = arith.constant 64 : i32
          %mul3A_261 = arith.muli %scan3A_249, %mul3A_260 : i32
          %add3A_262 = vector.broadcast %mul3A_261 : i32 to vector<16xi32>
          %add3A_263 = arith.addi %mul3A_259, %add3A_262 : vector<16xi32>
          %add3A_264 = arith.constant 0 : i32
          %add3A_265 = vector.broadcast %add3A_264 : i32 to vector<16xi32>
          %add3A_266 = arith.addi %add3A_263, %add3A_265 : vector<16xi32>
          %gather3A = tpu.vector_load_idx %arg13[%add3A_266] : memref<320xf32, #tpu.memory_space<vmem>>[vector<16xi32>], vector<16xf32>,
          %add3A_267 = arith.constant 0 : i32
          %add3A_268 = vector.broadcast %add3A_267 : i32 to vector<16xi32>
          %add3A_269 = arith.addi %mul3A_256, %add3A_268 : vector<16xi32>
          tpu.vector_store_idx %arg15[%add3A_269], %gather3A {add = true} : memref<40000xf32, #tpu.memory_space<vmem>>[vector<16xi32>], vector<16xf32>,
          %add3A_270 = arith.constant 1 : i32
          %add3A_271 = vector.broadcast %add3A_270 : i32 to vector<16xi32>
          %add3A_272 = arith.addi %add3A_263, %add3A_271 : vector<16xi32>
          %gather3A_273 = tpu.vector_load_idx %arg13[%add3A_272] : memref<320xf32, #tpu.memory_space<vmem>>[vector<16xi32>], vector<16xf32>,
          %add3A_274 = arith.constant 1 : i32
          %add3A_275 = vector.broadcast %add3A_274 : i32 to vector<16xi32>
          %add3A_276 = arith.addi %mul3A_256, %add3A_275 : vector<16xi32>
          tpu.vector_store_idx %arg15[%add3A_276], %gather3A_273 {add = true} : memref<40000xf32, #tpu.memory_space<vmem>>[vector<16xi32>], vector<16xf32>,
          %add3A_277 = arith.constant 2 : i32
          %add3A_278 = vector.broadcast %add3A_277 : i32 to vector<16xi32>
          %add3A_279 = arith.addi %add3A_263, %add3A_278 : vector<16xi32>
          %gather3A_280 = tpu.vector_load_idx %arg13[%add3A_279] : memref<320xf32, #tpu.memory_space<vmem>>[vector<16xi32>], vector<16xf32>,
          %add3A_281 = arith.constant 2 : i32
          %add3A_282 = vector.broadcast %add3A_281 : i32 to vector<16xi32>
          %add3A_283 = arith.addi %mul3A_256, %add3A_282 : vector<16xi32>
          tpu.vector_store_idx %arg15[%add3A_283], %gather3A_280 {add = true} : memref<40000xf32, #tpu.memory_space<vmem>>[vector<16xi32>], vector<16xf32>,
          %add3A_284 = arith.constant 3 : i32
          %add3A_285 = vector.broadcast %add3A_284 : i32 to vector<16xi32>
          %add3A_286 = arith.addi %mul3A_256, %add3A_285 : vector<16xi32>
          tpu.vector_store_idx %arg15[%add3A_286], %broadcast_in_dim3A_5 {add = true} : memref<40000xf32, #tpu.memory_space<vmem>>[vector<16xi32>], vector<16xf32>,
        }
        %scan3A_248 = arith.constant 5 : i32
      } else {
      }
      %mul3A_200 = arith.constant 2 : i32
      %mul3A_201 = arith.muli %mul3A_200, %scan3A_159 : i32
      %add3A_202 = arith.constant 3 : i32
      %add3A_203 = arith.addi %mul3A_201, %add3A_202 : i32
      %mul3A_204 = arith.constant 80 : i32
      %mul3A_205 = arith.muli %add3A_203, %mul3A_204 : i32
      %add3A_206 = arith.addi %mul3A_0, %mul3A_205 : i32
      %mul3A_207 = arith.constant 80 : i32
      %mul3A_208 = arith.muli %add3A_203, %mul3A_207 : i32
      %dma_wait3A_209 = arith.constant 0 : i32
      %dma_wait3A_210 = arith.constant 0 : i32
      %dma_wait3A_211 = tpu.memref_slice %arg16[%dma_wait3A_209, %dma_wait3A_210] : memref<5376x128xf32, #tpu.memory_space<vmem_shared>> -> memref<5376x128xf32, #tpu.memory_space<vmem_shared>>
      tpu.wait_indirect_dma semaphore(%arg20 : memref<!tpu.dma_semaphore, #tpu.memory_space<semaphore_mem>>) src(%arg12 : memref<80x128xf32, #tpu.memory_space<vmem>>) dst(%dma_wait3A_211 : memref<5376x128xf32, #tpu.memory_space<vmem_shared>>)
      %dma_start3A_212 = arith.constant 0 : i32
      %dma_start3A_213 = tpu.memref_slice %arg3[%add3A_206, %dma_start3A_212] : memref<320000x128xf32, #tpu.memory_space<hbm>> -> memref<80x128xf32, #tpu.memory_space<hbm>>
      %dma_start3A_214 = arith.constant 0 : i32
      %dma_start3A_215 = tpu.memref_slice %arg3[%add3A_206, %dma_start3A_214] : memref<320000x128xf32, #tpu.memory_space<hbm>> -> memref<80x128xf32, #tpu.memory_space<hbm>>
      tpu.enqueue_dma source(%dma_start3A_215 : memref<80x128xf32, #tpu.memory_space<hbm>>) target(%arg12 : memref<80x128xf32, #tpu.memory_space<vmem>>) target_semaphore(%arg18 : memref<!tpu.dma_semaphore, #tpu.memory_space<semaphore_mem>>)
      %scan3A_216 = arith.constant 0 : i32
      %scan3A_217 = arith.constant 5 : i32
      %scan3A_218 = arith.addi %scan3A_216, %scan3A_217 : i32
      %scan3A_219 = arith.constant 1 : i32
      scf.for %scan3A_240 = %scan3A_216 to %scan3A_218 step %scan3A_219  : i32 {
        %mul3A_241 = arith.constant 16 : i32
        %mul3A_242 = arith.muli %scan3A_240, %mul3A_241 : i32
        %add3A_243 = arith.addi %mul3A_208, %mul3A_242 : i32
        %get3A = arith.index_cast %add3A_243 : i32 to index
        %get3A_244 = tpu.vector_load %arg8[%get3A] {strides = array<i32>} : memref<20000xi32, #tpu.memory_space<vmem>>, vector<16xi32>,
        %sub3A = vector.broadcast %mul3A_7 : i32 to vector<16xi32>
        %sub3A_245 = arith.subi %get3A_244, %sub3A : vector<16xi32>
        %ge3A = arith.constant 0 : i32
        %ge3A_246 = vector.broadcast %ge3A : i32 to vector<16xi32>
        %ge3A_247 = arith.cmpi sge, %sub3A_245, %ge3A_246 : vector<16xi32>
        %lt3A = arith.constant 5120 : i32
        %lt3A_248 = vector.broadcast %lt3A : i32 to vector<16xi32>
        %lt3A_249 = arith.cmpi slt, %sub3A_245, %lt3A_248 : vector<16xi32>
        %and3A = arith.andi %ge3A_247, %lt3A_249 : vector<16xi1>
        %jit3A = arith.constant 5120 : i32
        %broadcast_in_dim3A_250 = vector.broadcast %jit3A : i32 to vector<16xi32>
        %select_n3A = arith.select %and3A, %sub3A_245, %broadcast_in_dim3A_250 : vector<16xi1>, vector<16xi32>
        %mul3A_251 = arith.constant 16 : i32
        %mul3A_252 = arith.muli %scan3A_240, %mul3A_251 : i32
        %swap3A = arith.index_cast %mul3A_252 : i32 to index
        %swap3A_253 = tpu.vector_load %arg10[%swap3A] {strides = array<i32>} : memref<80xi32, #tpu.memory_space<vmem>>, vector<16xi32>,
        tpu.vector_store %arg10[%swap3A], %select_n3A {strides = array<i32>} : memref<80xi32, #tpu.memory_space<vmem>>, vector<16xi32>,
      }
      %scan3A_220 = arith.constant 5 : i32
      %eq3A_221 = arith.constant 0 : i32
      %eq3A_222 = arith.cmpi eq, %arg0, %eq3A_221 : i32
      %convert_element_type3A_223 = arith.extui %eq3A_222 : i1 to i32
      %cond3A_224 = arith.constant 0 : i32
      %cond3A_225 = arith.cmpi ne, %convert_element_type3A_223, %cond3A_224 : i32
      scf.if %cond3A_225 {
        %add3A_240 = arith.constant 80 : i32
        %add3A_241 = arith.addi %add3A_206, %add3A_240 : i32
        %mul3A_242 = arith.constant 4 : i32
        %mul3A_243 = arith.muli %add3A_241, %mul3A_242 : i32
        %dma_start3A_244 = tpu.memref_slice %arg4[%mul3A_243] : memref<1280000xf32, #tpu.memory_space<hbm>> -> memref<320xf32, #tpu.memory_space<hbm>>
        %dma_start3A_245 = tpu.memref_slice %arg4[%mul3A_243] : memref<1280000xf32, #tpu.memory_space<hbm>> -> memref<320xf32, #tpu.memory_space<hbm>>
        tpu.enqueue_dma source(%dma_start3A_245 : memref<320xf32, #tpu.memory_space<hbm>>) target(%arg13 : memref<320xf32, #tpu.memory_space<vmem>>) target_semaphore(%arg21 : memref<!tpu.dma_semaphore, #tpu.memory_space<semaphore_mem>>)
      } else {
      }
      %dma_wait3A_226 = arith.constant 0 : i32
      %dma_wait3A_227 = arith.constant 0 : i32
      %dma_wait3A_228 = tpu.memref_slice %arg3[%dma_wait3A_226, %dma_wait3A_227] : memref<320000x128xf32, #tpu.memory_space<hbm>> -> memref<80x128xf32, #tpu.memory_space<hbm>>
      %dma_wait3A_229 = arith.constant 0 : i32
      %dma_wait3A_230 = arith.constant 0 : i32
      %dma_wait3A_231 = tpu.memref_slice %arg3[%dma_wait3A_229, %dma_wait3A_230] : memref<320000x128xf32, #tpu.memory_space<hbm>> -> memref<80x128xf32, #tpu.memory_space<hbm>>
      tpu.wait_dma2 semaphore(%arg18 : memref<!tpu.dma_semaphore, #tpu.memory_space<semaphore_mem>>) src(%dma_wait3A_231 : memref<80x128xf32, #tpu.memory_space<hbm>>) dst(%arg12 : memref<80x128xf32, #tpu.memory_space<vmem>>)
      %dma_start3A_232 = arith.constant 0 : i32
      %dma_start3A_233 = arith.constant 0 : i32
      %dma_start3A_234 = tpu.memref_slice %arg16[%dma_start3A_232, %dma_start3A_233] : memref<5376x128xf32, #tpu.memory_space<vmem_shared>> -> memref<5376x128xf32, #tpu.memory_space<vmem_shared>>
      tpu.enqueue_indirect_dma source(%arg12 : memref<80x128xf32, #tpu.memory_space<vmem>>) target(%dma_start3A_234 : memref<5376x128xf32, #tpu.memory_space<vmem_shared>>) offsets(%arg10 : memref<80xi32, #tpu.memory_space<vmem>>) semaphore(%arg20 : memref<!tpu.dma_semaphore, #tpu.memory_space<semaphore_mem>>) {add = true}
      %eq3A_235 = arith.constant 0 : i32
      %eq3A_236 = arith.cmpi eq, %arg0, %eq3A_235 : i32
      %convert_element_type3A_237 = arith.extui %eq3A_236 : i1 to i32
      %cond3A_238 = arith.constant 0 : i32
      %cond3A_239 = arith.cmpi ne, %convert_element_type3A_237, %cond3A_238 : i32
      scf.if %cond3A_239 {
        %dma_wait3A_240 = arith.constant 0 : i32
        %dma_wait3A_241 = tpu.memref_slice %arg4[%dma_wait3A_240] : memref<1280000xf32, #tpu.memory_space<hbm>> -> memref<320xf32, #tpu.memory_space<hbm>>
        %dma_wait3A_242 = arith.constant 0 : i32
        %dma_wait3A_243 = tpu.memref_slice %arg4[%dma_wait3A_242] : memref<1280000xf32, #tpu.memory_space<hbm>> -> memref<320xf32, #tpu.memory_space<hbm>>
        tpu.wait_dma2 semaphore(%arg22 : memref<!tpu.dma_semaphore, #tpu.memory_space<semaphore_mem>>) src(%dma_wait3A_243 : memref<320xf32, #tpu.memory_space<hbm>>) dst(%arg14 : memref<320xf32, #tpu.memory_space<vmem>>)
        %scan3A_244 = arith.constant 0 : i32
        %scan3A_245 = arith.constant 5 : i32
        %scan3A_246 = arith.addi %scan3A_244, %scan3A_245 : i32
        %scan3A_247 = arith.constant 1 : i32
        scf.for %scan3A_249 = %scan3A_244 to %scan3A_246 step %scan3A_247  : i32 {
          %mul3A_250 = arith.constant 16 : i32
          %mul3A_251 = arith.muli %scan3A_249, %mul3A_250 : i32
          %add3A_252 = arith.addi %mul3A_208, %mul3A_251 : i32
          %get3A = arith.index_cast %add3A_252 : i32 to index
          %get3A_253 = tpu.vector_load %arg8[%get3A] {strides = array<i32>} : memref<20000xi32, #tpu.memory_space<vmem>>, vector<16xi32>,
          %mul3A_254 = arith.constant 4 : i32
          %mul3A_255 = vector.broadcast %mul3A_254 : i32 to vector<16xi32>
          %mul3A_256 = arith.muli %get3A_253, %mul3A_255 : vector<16xi32>
          %mul3A_257 = arith.constant 4 : i32
          %mul3A_258 = vector.broadcast %mul3A_257 : i32 to vector<16xi32>
          %mul3A_259 = arith.muli %iota3A, %mul3A_258 : vector<16xi32>
          %mul3A_260 = arith.constant 64 : i32
          %mul3A_261 = arith.muli %scan3A_249, %mul3A_260 : i32
          %add3A_262 = vector.broadcast %mul3A_261 : i32 to vector<16xi32>
          %add3A_263 = arith.addi %mul3A_259, %add3A_262 : vector<16xi32>
          %add3A_264 = arith.constant 0 : i32
          %add3A_265 = vector.broadcast %add3A_264 : i32 to vector<16xi32>
          %add3A_266 = arith.addi %add3A_263, %add3A_265 : vector<16xi32>
          %gather3A = tpu.vector_load_idx %arg14[%add3A_266] : memref<320xf32, #tpu.memory_space<vmem>>[vector<16xi32>], vector<16xf32>,
          %add3A_267 = arith.constant 0 : i32
          %add3A_268 = vector.broadcast %add3A_267 : i32 to vector<16xi32>
          %add3A_269 = arith.addi %mul3A_256, %add3A_268 : vector<16xi32>
          tpu.vector_store_idx %arg15[%add3A_269], %gather3A {add = true} : memref<40000xf32, #tpu.memory_space<vmem>>[vector<16xi32>], vector<16xf32>,
          %add3A_270 = arith.constant 1 : i32
          %add3A_271 = vector.broadcast %add3A_270 : i32 to vector<16xi32>
          %add3A_272 = arith.addi %add3A_263, %add3A_271 : vector<16xi32>
          %gather3A_273 = tpu.vector_load_idx %arg14[%add3A_272] : memref<320xf32, #tpu.memory_space<vmem>>[vector<16xi32>], vector<16xf32>,
          %add3A_274 = arith.constant 1 : i32
          %add3A_275 = vector.broadcast %add3A_274 : i32 to vector<16xi32>
          %add3A_276 = arith.addi %mul3A_256, %add3A_275 : vector<16xi32>
          tpu.vector_store_idx %arg15[%add3A_276], %gather3A_273 {add = true} : memref<40000xf32, #tpu.memory_space<vmem>>[vector<16xi32>], vector<16xf32>,
          %add3A_277 = arith.constant 2 : i32
          %add3A_278 = vector.broadcast %add3A_277 : i32 to vector<16xi32>
          %add3A_279 = arith.addi %add3A_263, %add3A_278 : vector<16xi32>
          %gather3A_280 = tpu.vector_load_idx %arg14[%add3A_279] : memref<320xf32, #tpu.memory_space<vmem>>[vector<16xi32>], vector<16xf32>,
          %add3A_281 = arith.constant 2 : i32
          %add3A_282 = vector.broadcast %add3A_281 : i32 to vector<16xi32>
          %add3A_283 = arith.addi %mul3A_256, %add3A_282 : vector<16xi32>
          tpu.vector_store_idx %arg15[%add3A_283], %gather3A_280 {add = true} : memref<40000xf32, #tpu.memory_space<vmem>>[vector<16xi32>], vector<16xf32>,
          %add3A_284 = arith.constant 3 : i32
          %add3A_285 = vector.broadcast %add3A_284 : i32 to vector<16xi32>
          %add3A_286 = arith.addi %mul3A_256, %add3A_285 : vector<16xi32>
          tpu.vector_store_idx %arg15[%add3A_286], %broadcast_in_dim3A_5 {add = true} : memref<40000xf32, #tpu.memory_space<vmem>>[vector<16xi32>], vector<16xf32>,
        }
        %scan3A_248 = arith.constant 5 : i32
      } else {
      }
    }
    %scan3A_73 = arith.constant 123 : i32
    %add3A_74 = arith.constant 19840 : i32
    %add3A_75 = arith.addi %mul3A_0, %add3A_74 : i32
    %dma_wait3A_76 = arith.constant 0 : i32
    %dma_wait3A_77 = arith.constant 0 : i32
    %dma_wait3A_78 = tpu.memref_slice %arg16[%dma_wait3A_76, %dma_wait3A_77] : memref<5376x128xf32, #tpu.memory_space<vmem_shared>> -> memref<5376x128xf32, #tpu.memory_space<vmem_shared>>
    tpu.wait_indirect_dma semaphore(%arg19 : memref<!tpu.dma_semaphore, #tpu.memory_space<semaphore_mem>>) src(%arg11 : memref<80x128xf32, #tpu.memory_space<vmem>>) dst(%dma_wait3A_78 : memref<5376x128xf32, #tpu.memory_space<vmem_shared>>)
    %dma_start3A_79 = arith.constant 0 : i32
    %dma_start3A_80 = tpu.memref_slice %arg3[%add3A_75, %dma_start3A_79] : memref<320000x128xf32, #tpu.memory_space<hbm>> -> memref<80x128xf32, #tpu.memory_space<hbm>>
    %dma_start3A_81 = arith.constant 0 : i32
    %dma_start3A_82 = tpu.memref_slice %arg3[%add3A_75, %dma_start3A_81] : memref<320000x128xf32, #tpu.memory_space<hbm>> -> memref<80x128xf32, #tpu.memory_space<hbm>>
    tpu.enqueue_dma source(%dma_start3A_82 : memref<80x128xf32, #tpu.memory_space<hbm>>) target(%arg11 : memref<80x128xf32, #tpu.memory_space<vmem>>) target_semaphore(%arg17 : memref<!tpu.dma_semaphore, #tpu.memory_space<semaphore_mem>>)
    %scan3A_83 = arith.constant 0 : i32
    %scan3A_84 = arith.constant 5 : i32
    %scan3A_85 = arith.addi %scan3A_83, %scan3A_84 : i32
    %scan3A_86 = arith.constant 1 : i32
    scf.for %scan3A_159 = %scan3A_83 to %scan3A_85 step %scan3A_86  : i32 {
      %mul3A_160 = arith.constant 16 : i32
      %mul3A_161 = arith.muli %scan3A_159, %mul3A_160 : i32
      %add3A_162 = arith.constant 19840 : i32
      %add3A_163 = arith.addi %add3A_162, %mul3A_161 : i32
      %get3A = arith.index_cast %add3A_163 : i32 to index
      %get3A_164 = tpu.vector_load %arg8[%get3A] {strides = array<i32>} : memref<20000xi32, #tpu.memory_space<vmem>>, vector<16xi32>,
      %sub3A = vector.broadcast %mul3A_7 : i32 to vector<16xi32>
      %sub3A_165 = arith.subi %get3A_164, %sub3A : vector<16xi32>
      %ge3A = arith.constant 0 : i32
      %ge3A_166 = vector.broadcast %ge3A : i32 to vector<16xi32>
      %ge3A_167 = arith.cmpi sge, %sub3A_165, %ge3A_166 : vector<16xi32>
      %lt3A = arith.constant 5120 : i32
      %lt3A_168 = vector.broadcast %lt3A : i32 to vector<16xi32>
      %lt3A_169 = arith.cmpi slt, %sub3A_165, %lt3A_168 : vector<16xi32>
      %and3A = arith.andi %ge3A_167, %lt3A_169 : vector<16xi1>
      %jit3A = arith.constant 5120 : i32
      %broadcast_in_dim3A_170 = vector.broadcast %jit3A : i32 to vector<16xi32>
      %select_n3A = arith.select %and3A, %sub3A_165, %broadcast_in_dim3A_170 : vector<16xi1>, vector<16xi32>
      %mul3A_171 = arith.constant 16 : i32
      %mul3A_172 = arith.muli %scan3A_159, %mul3A_171 : i32
      %swap3A = arith.index_cast %mul3A_172 : i32 to index
      %swap3A_173 = tpu.vector_load %arg9[%swap3A] {strides = array<i32>} : memref<80xi32, #tpu.memory_space<vmem>>, vector<16xi32>,
      tpu.vector_store %arg9[%swap3A], %select_n3A {strides = array<i32>} : memref<80xi32, #tpu.memory_space<vmem>>, vector<16xi32>,
    }
    %scan3A_87 = arith.constant 5 : i32
    %eq3A_88 = arith.constant 0 : i32
    %eq3A_89 = arith.cmpi eq, %arg0, %eq3A_88 : i32
    %convert_element_type3A_90 = arith.extui %eq3A_89 : i1 to i32
    %cond3A_91 = arith.constant 0 : i32
    %cond3A_92 = arith.cmpi ne, %convert_element_type3A_90, %cond3A_91 : i32
    scf.if %cond3A_92 {
      %add3A_159 = arith.constant 80 : i32
      %add3A_160 = arith.addi %add3A_75, %add3A_159 : i32
      %mul3A_161 = arith.constant 4 : i32
      %mul3A_162 = arith.muli %add3A_160, %mul3A_161 : i32
      %dma_start3A_163 = tpu.memref_slice %arg4[%mul3A_162] : memref<1280000xf32, #tpu.memory_space<hbm>> -> memref<320xf32, #tpu.memory_space<hbm>>
      %dma_start3A_164 = tpu.memref_slice %arg4[%mul3A_162] : memref<1280000xf32, #tpu.memory_space<hbm>> -> memref<320xf32, #tpu.memory_space<hbm>>
      tpu.enqueue_dma source(%dma_start3A_164 : memref<320xf32, #tpu.memory_space<hbm>>) target(%arg14 : memref<320xf32, #tpu.memory_space<vmem>>) target_semaphore(%arg22 : memref<!tpu.dma_semaphore, #tpu.memory_space<semaphore_mem>>)
    } else {
    }
    %dma_wait3A_93 = arith.constant 0 : i32
    %dma_wait3A_94 = arith.constant 0 : i32
    %dma_wait3A_95 = tpu.memref_slice %arg3[%dma_wait3A_93, %dma_wait3A_94] : memref<320000x128xf32, #tpu.memory_space<hbm>> -> memref<80x128xf32, #tpu.memory_space<hbm>>
    %dma_wait3A_96 = arith.constant 0 : i32
    %dma_wait3A_97 = arith.constant 0 : i32
    %dma_wait3A_98 = tpu.memref_slice %arg3[%dma_wait3A_96, %dma_wait3A_97] : memref<320000x128xf32, #tpu.memory_space<hbm>> -> memref<80x128xf32, #tpu.memory_space<hbm>>
    tpu.wait_dma2 semaphore(%arg17 : memref<!tpu.dma_semaphore, #tpu.memory_space<semaphore_mem>>) src(%dma_wait3A_98 : memref<80x128xf32, #tpu.memory_space<hbm>>) dst(%arg11 : memref<80x128xf32, #tpu.memory_space<vmem>>)
    %dma_start3A_99 = arith.constant 0 : i32
    %dma_start3A_100 = arith.constant 0 : i32
    %dma_start3A_101 = tpu.memref_slice %arg16[%dma_start3A_99, %dma_start3A_100] : memref<5376x128xf32, #tpu.memory_space<vmem_shared>> -> memref<5376x128xf32, #tpu.memory_space<vmem_shared>>
    tpu.enqueue_indirect_dma source(%arg11 : memref<80x128xf32, #tpu.memory_space<vmem>>) target(%dma_start3A_101 : memref<5376x128xf32, #tpu.memory_space<vmem_shared>>) offsets(%arg9 : memref<80xi32, #tpu.memory_space<vmem>>) semaphore(%arg19 : memref<!tpu.dma_semaphore, #tpu.memory_space<semaphore_mem>>) {add = true}
    %eq3A_102 = arith.constant 0 : i32
    %eq3A_103 = arith.cmpi eq, %arg0, %eq3A_102 : i32
    %convert_element_type3A_104 = arith.extui %eq3A_103 : i1 to i32
    %cond3A_105 = arith.constant 0 : i32
    %cond3A_106 = arith.cmpi ne, %convert_element_type3A_104, %cond3A_105 : i32
    scf.if %cond3A_106 {
      %dma_wait3A_159 = arith.constant 0 : i32
      %dma_wait3A_160 = tpu.memref_slice %arg4[%dma_wait3A_159] : memref<1280000xf32, #tpu.memory_space<hbm>> -> memref<320xf32, #tpu.memory_space<hbm>>
      %dma_wait3A_161 = arith.constant 0 : i32
      %dma_wait3A_162 = tpu.memref_slice %arg4[%dma_wait3A_161] : memref<1280000xf32, #tpu.memory_space<hbm>> -> memref<320xf32, #tpu.memory_space<hbm>>
      tpu.wait_dma2 semaphore(%arg21 : memref<!tpu.dma_semaphore, #tpu.memory_space<semaphore_mem>>) src(%dma_wait3A_162 : memref<320xf32, #tpu.memory_space<hbm>>) dst(%arg13 : memref<320xf32, #tpu.memory_space<vmem>>)
      %scan3A_163 = arith.constant 0 : i32
      %scan3A_164 = arith.constant 5 : i32
      %scan3A_165 = arith.addi %scan3A_163, %scan3A_164 : i32
      %scan3A_166 = arith.constant 1 : i32
      scf.for %scan3A_168 = %scan3A_163 to %scan3A_165 step %scan3A_166  : i32 {
        %mul3A_169 = arith.constant 16 : i32
        %mul3A_170 = arith.muli %scan3A_168, %mul3A_169 : i32
        %add3A_171 = arith.constant 19840 : i32
        %add3A_172 = arith.addi %add3A_171, %mul3A_170 : i32
        %get3A = arith.index_cast %add3A_172 : i32 to index
        %get3A_173 = tpu.vector_load %arg8[%get3A] {strides = array<i32>} : memref<20000xi32, #tpu.memory_space<vmem>>, vector<16xi32>,
        %mul3A_174 = arith.constant 4 : i32
        %mul3A_175 = vector.broadcast %mul3A_174 : i32 to vector<16xi32>
        %mul3A_176 = arith.muli %get3A_173, %mul3A_175 : vector<16xi32>
        %mul3A_177 = arith.constant 4 : i32
        %mul3A_178 = vector.broadcast %mul3A_177 : i32 to vector<16xi32>
        %mul3A_179 = arith.muli %iota3A, %mul3A_178 : vector<16xi32>
        %mul3A_180 = arith.constant 64 : i32
        %mul3A_181 = arith.muli %scan3A_168, %mul3A_180 : i32
        %add3A_182 = vector.broadcast %mul3A_181 : i32 to vector<16xi32>
        %add3A_183 = arith.addi %mul3A_179, %add3A_182 : vector<16xi32>
        %add3A_184 = arith.constant 0 : i32
        %add3A_185 = vector.broadcast %add3A_184 : i32 to vector<16xi32>
        %add3A_186 = arith.addi %add3A_183, %add3A_185 : vector<16xi32>
        %gather3A = tpu.vector_load_idx %arg13[%add3A_186] : memref<320xf32, #tpu.memory_space<vmem>>[vector<16xi32>], vector<16xf32>,
        %add3A_187 = arith.constant 0 : i32
        %add3A_188 = vector.broadcast %add3A_187 : i32 to vector<16xi32>
        %add3A_189 = arith.addi %mul3A_176, %add3A_188 : vector<16xi32>
        tpu.vector_store_idx %arg15[%add3A_189], %gather3A {add = true} : memref<40000xf32, #tpu.memory_space<vmem>>[vector<16xi32>], vector<16xf32>,
        %add3A_190 = arith.constant 1 : i32
        %add3A_191 = vector.broadcast %add3A_190 : i32 to vector<16xi32>
        %add3A_192 = arith.addi %add3A_183, %add3A_191 : vector<16xi32>
        %gather3A_193 = tpu.vector_load_idx %arg13[%add3A_192] : memref<320xf32, #tpu.memory_space<vmem>>[vector<16xi32>], vector<16xf32>,
        %add3A_194 = arith.constant 1 : i32
        %add3A_195 = vector.broadcast %add3A_194 : i32 to vector<16xi32>
        %add3A_196 = arith.addi %mul3A_176, %add3A_195 : vector<16xi32>
        tpu.vector_store_idx %arg15[%add3A_196], %gather3A_193 {add = true} : memref<40000xf32, #tpu.memory_space<vmem>>[vector<16xi32>], vector<16xf32>,
        %add3A_197 = arith.constant 2 : i32
        %add3A_198 = vector.broadcast %add3A_197 : i32 to vector<16xi32>
        %add3A_199 = arith.addi %add3A_183, %add3A_198 : vector<16xi32>
        %gather3A_200 = tpu.vector_load_idx %arg13[%add3A_199] : memref<320xf32, #tpu.memory_space<vmem>>[vector<16xi32>], vector<16xf32>,
        %add3A_201 = arith.constant 2 : i32
        %add3A_202 = vector.broadcast %add3A_201 : i32 to vector<16xi32>
        %add3A_203 = arith.addi %mul3A_176, %add3A_202 : vector<16xi32>
        tpu.vector_store_idx %arg15[%add3A_203], %gather3A_200 {add = true} : memref<40000xf32, #tpu.memory_space<vmem>>[vector<16xi32>], vector<16xf32>,
        %add3A_204 = arith.constant 3 : i32
        %add3A_205 = vector.broadcast %add3A_204 : i32 to vector<16xi32>
        %add3A_206 = arith.addi %mul3A_176, %add3A_205 : vector<16xi32>
        tpu.vector_store_idx %arg15[%add3A_206], %broadcast_in_dim3A_5 {add = true} : memref<40000xf32, #tpu.memory_space<vmem>>[vector<16xi32>], vector<16xf32>,
      }
      %scan3A_167 = arith.constant 5 : i32
    } else {
    }
    %add3A_107 = arith.constant 19920 : i32
    %add3A_108 = arith.addi %mul3A_0, %add3A_107 : i32
    %dma_wait3A_109 = arith.constant 0 : i32
    %dma_wait3A_110 = arith.constant 0 : i32
    %dma_wait3A_111 = tpu.memref_slice %arg16[%dma_wait3A_109, %dma_wait3A_110] : memref<5376x128xf32, #tpu.memory_space<vmem_shared>> -> memref<5376x128xf32, #tpu.memory_space<vmem_shared>>
    tpu.wait_indirect_dma semaphore(%arg20 : memref<!tpu.dma_semaphore, #tpu.memory_space<semaphore_mem>>) src(%arg12 : memref<80x128xf32, #tpu.memory_space<vmem>>) dst(%dma_wait3A_111 : memref<5376x128xf32, #tpu.memory_space<vmem_shared>>)
    %dma_start3A_112 = arith.constant 0 : i32
    %dma_start3A_113 = tpu.memref_slice %arg3[%add3A_108, %dma_start3A_112] : memref<320000x128xf32, #tpu.memory_space<hbm>> -> memref<80x128xf32, #tpu.memory_space<hbm>>
    %dma_start3A_114 = arith.constant 0 : i32
    %dma_start3A_115 = tpu.memref_slice %arg3[%add3A_108, %dma_start3A_114] : memref<320000x128xf32, #tpu.memory_space<hbm>> -> memref<80x128xf32, #tpu.memory_space<hbm>>
    tpu.enqueue_dma source(%dma_start3A_115 : memref<80x128xf32, #tpu.memory_space<hbm>>) target(%arg12 : memref<80x128xf32, #tpu.memory_space<vmem>>) target_semaphore(%arg18 : memref<!tpu.dma_semaphore, #tpu.memory_space<semaphore_mem>>)
    %scan3A_116 = arith.constant 0 : i32
    %scan3A_117 = arith.constant 5 : i32
    %scan3A_118 = arith.addi %scan3A_116, %scan3A_117 : i32
    %scan3A_119 = arith.constant 1 : i32
    scf.for %scan3A_159 = %scan3A_116 to %scan3A_118 step %scan3A_119  : i32 {
      %mul3A_160 = arith.constant 16 : i32
      %mul3A_161 = arith.muli %scan3A_159, %mul3A_160 : i32
      %add3A_162 = arith.constant 19920 : i32
      %add3A_163 = arith.addi %add3A_162, %mul3A_161 : i32
      %get3A = arith.index_cast %add3A_163 : i32 to index
      %get3A_164 = tpu.vector_load %arg8[%get3A] {strides = array<i32>} : memref<20000xi32, #tpu.memory_space<vmem>>, vector<16xi32>,
      %sub3A = vector.broadcast %mul3A_7 : i32 to vector<16xi32>
      %sub3A_165 = arith.subi %get3A_164, %sub3A : vector<16xi32>
      %ge3A = arith.constant 0 : i32
      %ge3A_166 = vector.broadcast %ge3A : i32 to vector<16xi32>
      %ge3A_167 = arith.cmpi sge, %sub3A_165, %ge3A_166 : vector<16xi32>
      %lt3A = arith.constant 5120 : i32
      %lt3A_168 = vector.broadcast %lt3A : i32 to vector<16xi32>
      %lt3A_169 = arith.cmpi slt, %sub3A_165, %lt3A_168 : vector<16xi32>
      %and3A = arith.andi %ge3A_167, %lt3A_169 : vector<16xi1>
      %jit3A = arith.constant 5120 : i32
      %broadcast_in_dim3A_170 = vector.broadcast %jit3A : i32 to vector<16xi32>
      %select_n3A = arith.select %and3A, %sub3A_165, %broadcast_in_dim3A_170 : vector<16xi1>, vector<16xi32>
      %mul3A_171 = arith.constant 16 : i32
      %mul3A_172 = arith.muli %scan3A_159, %mul3A_171 : i32
      %swap3A = arith.index_cast %mul3A_172 : i32 to index
      %swap3A_173 = tpu.vector_load %arg10[%swap3A] {strides = array<i32>} : memref<80xi32, #tpu.memory_space<vmem>>, vector<16xi32>,
      tpu.vector_store %arg10[%swap3A], %select_n3A {strides = array<i32>} : memref<80xi32, #tpu.memory_space<vmem>>, vector<16xi32>,
    }
    %scan3A_120 = arith.constant 5 : i32
    %eq3A_121 = arith.constant 0 : i32
    %eq3A_122 = arith.cmpi eq, %arg0, %eq3A_121 : i32
    %convert_element_type3A_123 = arith.extui %eq3A_122 : i1 to i32
    %cond3A_124 = arith.constant 0 : i32
    %cond3A_125 = arith.cmpi ne, %convert_element_type3A_123, %cond3A_124 : i32
    scf.if %cond3A_125 {
    } else {
    }
    %dma_wait3A_126 = arith.constant 0 : i32
    %dma_wait3A_127 = arith.constant 0 : i32
    %dma_wait3A_128 = tpu.memref_slice %arg3[%dma_wait3A_126, %dma_wait3A_127] : memref<320000x128xf32, #tpu.memory_space<hbm>> -> memref<80x128xf32, #tpu.memory_space<hbm>>
    %dma_wait3A_129 = arith.constant 0 : i32
    %dma_wait3A_130 = arith.constant 0 : i32
    %dma_wait3A_131 = tpu.memref_slice %arg3[%dma_wait3A_129, %dma_wait3A_130] : memref<320000x128xf32, #tpu.memory_space<hbm>> -> memref<80x128xf32, #tpu.memory_space<hbm>>
    tpu.wait_dma2 semaphore(%arg18 : memref<!tpu.dma_semaphore, #tpu.memory_space<semaphore_mem>>) src(%dma_wait3A_131 : memref<80x128xf32, #tpu.memory_space<hbm>>) dst(%arg12 : memref<80x128xf32, #tpu.memory_space<vmem>>)
    %dma_start3A_132 = arith.constant 0 : i32
    %dma_start3A_133 = arith.constant 0 : i32
    %dma_start3A_134 = tpu.memref_slice %arg16[%dma_start3A_132, %dma_start3A_133] : memref<5376x128xf32, #tpu.memory_space<vmem_shared>> -> memref<5376x128xf32, #tpu.memory_space<vmem_shared>>
    tpu.enqueue_indirect_dma source(%arg12 : memref<80x128xf32, #tpu.memory_space<vmem>>) target(%dma_start3A_134 : memref<5376x128xf32, #tpu.memory_space<vmem_shared>>) offsets(%arg10 : memref<80xi32, #tpu.memory_space<vmem>>) semaphore(%arg20 : memref<!tpu.dma_semaphore, #tpu.memory_space<semaphore_mem>>) {add = true}
    %eq3A_135 = arith.constant 0 : i32
    %eq3A_136 = arith.cmpi eq, %arg0, %eq3A_135 : i32
    %convert_element_type3A_137 = arith.extui %eq3A_136 : i1 to i32
    %cond3A_138 = arith.constant 0 : i32
    %cond3A_139 = arith.cmpi ne, %convert_element_type3A_137, %cond3A_138 : i32
    scf.if %cond3A_139 {
      %dma_wait3A_159 = arith.constant 0 : i32
      %dma_wait3A_160 = tpu.memref_slice %arg4[%dma_wait3A_159] : memref<1280000xf32, #tpu.memory_space<hbm>> -> memref<320xf32, #tpu.memory_space<hbm>>
      %dma_wait3A_161 = arith.constant 0 : i32
      %dma_wait3A_162 = tpu.memref_slice %arg4[%dma_wait3A_161] : memref<1280000xf32, #tpu.memory_space<hbm>> -> memref<320xf32, #tpu.memory_space<hbm>>
      tpu.wait_dma2 semaphore(%arg22 : memref<!tpu.dma_semaphore, #tpu.memory_space<semaphore_mem>>) src(%dma_wait3A_162 : memref<320xf32, #tpu.memory_space<hbm>>) dst(%arg14 : memref<320xf32, #tpu.memory_space<vmem>>)
      %scan3A_163 = arith.constant 0 : i32
      %scan3A_164 = arith.constant 5 : i32
      %scan3A_165 = arith.addi %scan3A_163, %scan3A_164 : i32
      %scan3A_166 = arith.constant 1 : i32
      scf.for %scan3A_168 = %scan3A_163 to %scan3A_165 step %scan3A_166  : i32 {
        %mul3A_169 = arith.constant 16 : i32
        %mul3A_170 = arith.muli %scan3A_168, %mul3A_169 : i32
        %add3A_171 = arith.constant 19920 : i32
        %add3A_172 = arith.addi %add3A_171, %mul3A_170 : i32
        %get3A = arith.index_cast %add3A_172 : i32 to index
        %get3A_173 = tpu.vector_load %arg8[%get3A] {strides = array<i32>} : memref<20000xi32, #tpu.memory_space<vmem>>, vector<16xi32>,
        %mul3A_174 = arith.constant 4 : i32
        %mul3A_175 = vector.broadcast %mul3A_174 : i32 to vector<16xi32>
        %mul3A_176 = arith.muli %get3A_173, %mul3A_175 : vector<16xi32>
        %mul3A_177 = arith.constant 4 : i32
        %mul3A_178 = vector.broadcast %mul3A_177 : i32 to vector<16xi32>
        %mul3A_179 = arith.muli %iota3A, %mul3A_178 : vector<16xi32>
        %mul3A_180 = arith.constant 64 : i32
        %mul3A_181 = arith.muli %scan3A_168, %mul3A_180 : i32
        %add3A_182 = vector.broadcast %mul3A_181 : i32 to vector<16xi32>
        %add3A_183 = arith.addi %mul3A_179, %add3A_182 : vector<16xi32>
        %add3A_184 = arith.constant 0 : i32
        %add3A_185 = vector.broadcast %add3A_184 : i32 to vector<16xi32>
        %add3A_186 = arith.addi %add3A_183, %add3A_185 : vector<16xi32>
        %gather3A = tpu.vector_load_idx %arg14[%add3A_186] : memref<320xf32, #tpu.memory_space<vmem>>[vector<16xi32>], vector<16xf32>,
        %add3A_187 = arith.constant 0 : i32
        %add3A_188 = vector.broadcast %add3A_187 : i32 to vector<16xi32>
        %add3A_189 = arith.addi %mul3A_176, %add3A_188 : vector<16xi32>
        tpu.vector_store_idx %arg15[%add3A_189], %gather3A {add = true} : memref<40000xf32, #tpu.memory_space<vmem>>[vector<16xi32>], vector<16xf32>,
        %add3A_190 = arith.constant 1 : i32
        %add3A_191 = vector.broadcast %add3A_190 : i32 to vector<16xi32>
        %add3A_192 = arith.addi %add3A_183, %add3A_191 : vector<16xi32>
        %gather3A_193 = tpu.vector_load_idx %arg14[%add3A_192] : memref<320xf32, #tpu.memory_space<vmem>>[vector<16xi32>], vector<16xf32>,
        %add3A_194 = arith.constant 1 : i32
        %add3A_195 = vector.broadcast %add3A_194 : i32 to vector<16xi32>
        %add3A_196 = arith.addi %mul3A_176, %add3A_195 : vector<16xi32>
        tpu.vector_store_idx %arg15[%add3A_196], %gather3A_193 {add = true} : memref<40000xf32, #tpu.memory_space<vmem>>[vector<16xi32>], vector<16xf32>,
        %add3A_197 = arith.constant 2 : i32
        %add3A_198 = vector.broadcast %add3A_197 : i32 to vector<16xi32>
        %add3A_199 = arith.addi %add3A_183, %add3A_198 : vector<16xi32>
        %gather3A_200 = tpu.vector_load_idx %arg14[%add3A_199] : memref<320xf32, #tpu.memory_space<vmem>>[vector<16xi32>], vector<16xf32>,
        %add3A_201 = arith.constant 2 : i32
        %add3A_202 = vector.broadcast %add3A_201 : i32 to vector<16xi32>
        %add3A_203 = arith.addi %mul3A_176, %add3A_202 : vector<16xi32>
        tpu.vector_store_idx %arg15[%add3A_203], %gather3A_200 {add = true} : memref<40000xf32, #tpu.memory_space<vmem>>[vector<16xi32>], vector<16xf32>,
        %add3A_204 = arith.constant 3 : i32
        %add3A_205 = vector.broadcast %add3A_204 : i32 to vector<16xi32>
        %add3A_206 = arith.addi %mul3A_176, %add3A_205 : vector<16xi32>
        tpu.vector_store_idx %arg15[%add3A_206], %broadcast_in_dim3A_5 {add = true} : memref<40000xf32, #tpu.memory_space<vmem>>[vector<16xi32>], vector<16xf32>,
      }
      %scan3A_167 = arith.constant 5 : i32
    } else {
    }
    %dma_wait3A_140 = arith.constant 0 : i32
    %dma_wait3A_141 = arith.constant 0 : i32
    %dma_wait3A_142 = tpu.memref_slice %arg16[%dma_wait3A_140, %dma_wait3A_141] : memref<5376x128xf32, #tpu.memory_space<vmem_shared>> -> memref<5376x128xf32, #tpu.memory_space<vmem_shared>>
    tpu.wait_indirect_dma semaphore(%arg19 : memref<!tpu.dma_semaphore, #tpu.memory_space<semaphore_mem>>) src(%arg11 : memref<80x128xf32, #tpu.memory_space<vmem>>) dst(%dma_wait3A_142 : memref<5376x128xf32, #tpu.memory_space<vmem_shared>>)
    %dma_wait3A_143 = arith.constant 0 : i32
    %dma_wait3A_144 = arith.constant 0 : i32
    %dma_wait3A_145 = tpu.memref_slice %arg16[%dma_wait3A_143, %dma_wait3A_144] : memref<5376x128xf32, #tpu.memory_space<vmem_shared>> -> memref<5376x128xf32, #tpu.memory_space<vmem_shared>>
    tpu.wait_indirect_dma semaphore(%arg20 : memref<!tpu.dma_semaphore, #tpu.memory_space<semaphore_mem>>) src(%arg12 : memref<80x128xf32, #tpu.memory_space<vmem>>) dst(%dma_wait3A_145 : memref<5376x128xf32, #tpu.memory_space<vmem_shared>>)
    %barrier3A_146 = arith.constant 0 : index
    tpu.barrier barrier_id(%barrier3A_146)
    %mul3A_147 = arith.constant 320 : i32
    %mul3A_148 = arith.muli %arg1, %mul3A_147 : i32
    %mul3A_149 = arith.constant 5120 : i32
    %mul3A_150 = arith.muli %arg0, %mul3A_149 : i32
    %mul3A_151 = arith.constant 320 : i32
    %mul3A_152 = arith.muli %arg1, %mul3A_151 : i32
    %add3A_153 = arith.addi %mul3A_150, %mul3A_152 : i32
    "tpu.region"() ({
      %run_scoped3A = tpu.sem_alloc : memref<!tpu.dma_semaphore, #tpu.memory_space<semaphore_mem>>
      %dma_start3A_159 = arith.constant 0 : i32
      %dma_start3A_160 = tpu.memref_slice %arg6[%add3A_153, %dma_start3A_159] : memref<10240x128xf32, #tpu.memory_space<hbm>> -> memref<320x128xf32, #tpu.memory_space<hbm>>
      %dma_start3A_161 = arith.constant 0 : i32
      %dma_start3A_162 = tpu.memref_slice %arg16[%mul3A_148, %dma_start3A_161] : memref<5376x128xf32, #tpu.memory_space<vmem_shared>> -> memref<320x128xf32, #tpu.memory_space<vmem_shared>>
      tpu.enqueue_dma source(%dma_start3A_162 : memref<320x128xf32, #tpu.memory_space<vmem_shared>>) target(%dma_start3A_160 : memref<320x128xf32, #tpu.memory_space<hbm>>) target_semaphore(%run_scoped3A : memref<!tpu.dma_semaphore, #tpu.memory_space<semaphore_mem>>)
      %dma_wait3A_163 = arith.constant 0 : i32
      %dma_wait3A_164 = tpu.memref_slice %arg6[%add3A_153, %dma_wait3A_163] : memref<10240x128xf32, #tpu.memory_space<hbm>> -> memref<320x128xf32, #tpu.memory_space<hbm>>
      %dma_wait3A_165 = arith.constant 0 : i32
      %dma_wait3A_166 = tpu.memref_slice %arg16[%mul3A_148, %dma_wait3A_165] : memref<5376x128xf32, #tpu.memory_space<vmem_shared>> -> memref<320x128xf32, #tpu.memory_space<vmem_shared>>
      tpu.wait_dma2 semaphore(%run_scoped3A : memref<!tpu.dma_semaphore, #tpu.memory_space<semaphore_mem>>) src(%dma_wait3A_166 : memref<320x128xf32, #tpu.memory_space<vmem_shared>>) dst(%dma_wait3A_164 : memref<320x128xf32, #tpu.memory_space<hbm>>)
      tpu.yield
    }) : () -> ()
    %eq3A_154 = arith.constant 0 : i32
    %eq3A_155 = arith.cmpi eq, %arg0, %eq3A_154 : i32
    %convert_element_type3A_156 = arith.extui %eq3A_155 : i1 to i32
    %cond3A_157 = arith.constant 0 : i32
    %cond3A_158 = arith.cmpi ne, %convert_element_type3A_156, %cond3A_157 : i32
    scf.if %cond3A_158 {
      %scan3A_159 = arith.constant 0 : i32
      %scan3A_160 = arith.constant 8 : i32
      %scan3A_161 = arith.addi %scan3A_159, %scan3A_160 : i32
      %scan3A_162 = arith.constant 1 : i32
      scf.for %scan3A_164 = %scan3A_159 to %scan3A_161 step %scan3A_162  : i32 {
        %mul3A_165 = arith.constant 5000 : i32
        %mul3A_166 = arith.muli %scan3A_164, %mul3A_165 : i32
        %mul3A_167 = arith.constant 4 : i32
        %mul3A_168 = arith.muli %arg1, %mul3A_167 : i32
        %mul3A_169 = arith.constant 10000 : i32
        %mul3A_170 = arith.muli %mul3A_168, %mul3A_169 : i32
        %mul3A_171 = arith.constant 5000 : i32
        %mul3A_172 = arith.muli %scan3A_164, %mul3A_171 : i32
        %add3A_173 = arith.addi %mul3A_170, %mul3A_172 : i32
        "tpu.region"() ({
          %run_scoped3A = tpu.sem_alloc : memref<!tpu.dma_semaphore, #tpu.memory_space<semaphore_mem>>
          %dma_start3A_174 = tpu.memref_slice %arg15[%mul3A_166] : memref<40000xf32, #tpu.memory_space<vmem>> -> memref<5000xf32, #tpu.memory_space<vmem>>
          %dma_start3A_175 = tpu.memref_slice %arg7[%add3A_173] : memref<640000xf32, #tpu.memory_space<hbm>> -> memref<5000xf32, #tpu.memory_space<hbm>>
          %dma_start3A_176 = tpu.memref_slice %arg7[%add3A_173] : memref<640000xf32, #tpu.memory_space<hbm>> -> memref<5000xf32, #tpu.memory_space<hbm>>
          %dma_start3A_177 = tpu.memref_slice %arg15[%mul3A_166] : memref<40000xf32, #tpu.memory_space<vmem>> -> memref<5000xf32, #tpu.memory_space<vmem>>
          tpu.enqueue_dma source(%dma_start3A_177 : memref<5000xf32, #tpu.memory_space<vmem>>) target(%dma_start3A_176 : memref<5000xf32, #tpu.memory_space<hbm>>) target_semaphore(%run_scoped3A : memref<!tpu.dma_semaphore, #tpu.memory_space<semaphore_mem>>)
          %dma_wait3A_178 = tpu.memref_slice %arg15[%mul3A_166] : memref<40000xf32, #tpu.memory_space<vmem>> -> memref<5000xf32, #tpu.memory_space<vmem>>
          %dma_wait3A_179 = tpu.memref_slice %arg7[%add3A_173] : memref<640000xf32, #tpu.memory_space<hbm>> -> memref<5000xf32, #tpu.memory_space<hbm>>
          %dma_wait3A_180 = tpu.memref_slice %arg7[%add3A_173] : memref<640000xf32, #tpu.memory_space<hbm>> -> memref<5000xf32, #tpu.memory_space<hbm>>
          %dma_wait3A_181 = tpu.memref_slice %arg15[%mul3A_166] : memref<40000xf32, #tpu.memory_space<vmem>> -> memref<5000xf32, #tpu.memory_space<vmem>>
          tpu.wait_dma2 semaphore(%run_scoped3A : memref<!tpu.dma_semaphore, #tpu.memory_space<semaphore_mem>>) src(%dma_wait3A_181 : memref<5000xf32, #tpu.memory_space<vmem>>) dst(%dma_wait3A_180 : memref<5000xf32, #tpu.memory_space<hbm>>)
          tpu.yield
        }) : () -> ()
      }
      %scan3A_163 = arith.constant 8 : i32
    } else {
    }
    return
  }
}

#map = affine_map<(d0, d1) -> (0)>
#map1 = affine_map<(d0, d1) -> (0, 0)>
module attributes {stable_mosaic.version = 14 : i64} {
  func.func @_gather_body(%arg0: i32, %arg1: i32, %arg2: memref<320000xi32, #tpu.memory_space<hbm>>, %arg3: memref<320000xi32, #tpu.memory_space<hbm>>, %arg4: memref<10000x128xf32, #tpu.memory_space<hbm>>, %arg5: memref<10000x128xf32, #tpu.memory_space<hbm>>, %arg6: memref<40000xf32, #tpu.memory_space<hbm>>, %arg7: memref<320000x128xf32, #tpu.memory_space<hbm>>, %arg8: memref<1280000xf32, #tpu.memory_space<hbm>>, %arg9: memref<10000xi32, #tpu.memory_space<vmem>>, %arg10: memref<10000xi32, #tpu.memory_space<vmem>>, %arg11: memref<80x128xf32, #tpu.memory_space<vmem>>, %arg12: memref<80x128xf32, #tpu.memory_space<vmem>>, %arg13: memref<80x128xf32, #tpu.memory_space<vmem>>, %arg14: memref<80x128xf32, #tpu.memory_space<vmem>>, %arg15: memref<40000xf32, #tpu.memory_space<vmem>>, %arg16: memref<320xf32, #tpu.memory_space<vmem>>, %arg17: memref<320xf32, #tpu.memory_space<vmem>>, %arg18: memref<!tpu.dma_semaphore, #tpu.memory_space<semaphore_mem>>, %arg19: memref<!tpu.dma_semaphore, #tpu.memory_space<semaphore_mem>>, %arg20: memref<!tpu.dma_semaphore, #tpu.memory_space<semaphore_mem>>, %arg21: memref<!tpu.dma_semaphore, #tpu.memory_space<semaphore_mem>>, %arg22: memref<!tpu.dma_semaphore, #tpu.memory_space<semaphore_mem>>) attributes {dimension_semantics = [#tpu.dimension_semantics<core_parallel>, #tpu.dimension_semantics<subcore_parallel>], iteration_bounds = array<i64: 2, 16>, scalar_prefetch = 0 : i64, scratch_operands = 14 : i64, tpu.core_type = #tpu.core_type<sc_vector_subcore>, window_params = [{transform_indices = #map}, {transform_indices = #map}, {transform_indices = #map1}, {transform_indices = #map1}, {transform_indices = #map}, {transform_indices = #map1}, {transform_indices = #map}]} {
    %mul3A = arith.constant 2 : i32
    %mul3A_0 = arith.muli %arg1, %mul3A : i32
    %add3A = arith.addi %mul3A_0, %arg0 : i32
    %mul3A_1 = arith.constant 10000 : i32
    %mul3A_2 = arith.muli %add3A, %mul3A_1 : i32
    "tpu.region"() ({
      %run_scoped3A = tpu.sem_alloc : memref<!tpu.dma_semaphore, #tpu.memory_space<semaphore_mem>>
      %dma_start3A_158 = tpu.memref_slice %arg2[%mul3A_2] : memref<320000xi32, #tpu.memory_space<hbm>> -> memref<10000xi32, #tpu.memory_space<hbm>>
      %dma_start3A_159 = tpu.memref_slice %arg2[%mul3A_2] : memref<320000xi32, #tpu.memory_space<hbm>> -> memref<10000xi32, #tpu.memory_space<hbm>>
      tpu.enqueue_dma source(%dma_start3A_159 : memref<10000xi32, #tpu.memory_space<hbm>>) target(%arg9 : memref<10000xi32, #tpu.memory_space<vmem>>) target_semaphore(%run_scoped3A : memref<!tpu.dma_semaphore, #tpu.memory_space<semaphore_mem>>)
      %dma_wait3A_160 = tpu.memref_slice %arg2[%mul3A_2] : memref<320000xi32, #tpu.memory_space<hbm>> -> memref<10000xi32, #tpu.memory_space<hbm>>
      %dma_wait3A_161 = tpu.memref_slice %arg2[%mul3A_2] : memref<320000xi32, #tpu.memory_space<hbm>> -> memref<10000xi32, #tpu.memory_space<hbm>>
      tpu.wait_dma2 semaphore(%run_scoped3A : memref<!tpu.dma_semaphore, #tpu.memory_space<semaphore_mem>>) src(%dma_wait3A_161 : memref<10000xi32, #tpu.memory_space<hbm>>) dst(%arg9 : memref<10000xi32, #tpu.memory_space<vmem>>)
      tpu.yield
    }) : () -> ()
    "tpu.region"() ({
      %run_scoped3A = tpu.sem_alloc : memref<!tpu.dma_semaphore, #tpu.memory_space<semaphore_mem>>
      %dma_start3A_158 = tpu.memref_slice %arg3[%mul3A_2] : memref<320000xi32, #tpu.memory_space<hbm>> -> memref<10000xi32, #tpu.memory_space<hbm>>
      %dma_start3A_159 = tpu.memref_slice %arg3[%mul3A_2] : memref<320000xi32, #tpu.memory_space<hbm>> -> memref<10000xi32, #tpu.memory_space<hbm>>
      tpu.enqueue_dma source(%dma_start3A_159 : memref<10000xi32, #tpu.memory_space<hbm>>) target(%arg10 : memref<10000xi32, #tpu.memory_space<vmem>>) target_semaphore(%run_scoped3A : memref<!tpu.dma_semaphore, #tpu.memory_space<semaphore_mem>>)
      %dma_wait3A_160 = tpu.memref_slice %arg3[%mul3A_2] : memref<320000xi32, #tpu.memory_space<hbm>> -> memref<10000xi32, #tpu.memory_space<hbm>>
      %dma_wait3A_161 = tpu.memref_slice %arg3[%mul3A_2] : memref<320000xi32, #tpu.memory_space<hbm>> -> memref<10000xi32, #tpu.memory_space<hbm>>
      tpu.wait_dma2 semaphore(%run_scoped3A : memref<!tpu.dma_semaphore, #tpu.memory_space<semaphore_mem>>) src(%dma_wait3A_161 : memref<10000xi32, #tpu.memory_space<hbm>>) dst(%arg10 : memref<10000xi32, #tpu.memory_space<vmem>>)
      tpu.yield
    }) : () -> ()
    "tpu.region"() ({
      %run_scoped3A = tpu.sem_alloc : memref<!tpu.dma_semaphore, #tpu.memory_space<semaphore_mem>>
      tpu.enqueue_dma source(%arg6 : memref<40000xf32, #tpu.memory_space<hbm>>) target(%arg15 : memref<40000xf32, #tpu.memory_space<vmem>>) target_semaphore(%run_scoped3A : memref<!tpu.dma_semaphore, #tpu.memory_space<semaphore_mem>>)
      tpu.wait_dma2 semaphore(%run_scoped3A : memref<!tpu.dma_semaphore, #tpu.memory_space<semaphore_mem>>) src(%arg6 : memref<40000xf32, #tpu.memory_space<hbm>>) dst(%arg15 : memref<40000xf32, #tpu.memory_space<vmem>>)
      tpu.yield
    }) : () -> ()
    %iota3A = tpu.iota {dimensions = array<i32: 0>} : vector<16xi32>
    %mul3A_3 = arith.constant 4 : i32
    %mul3A_4 = vector.broadcast %mul3A_3 : i32 to vector<16xi32>
    %mul3A_5 = arith.muli %iota3A, %mul3A_4 : vector<16xi32>
    %add3A_6 = arith.constant 0 : i32
    %add3A_7 = arith.addi %mul3A_2, %add3A_6 : i32
    %dma_start3A = arith.constant 0 : i32
    %dma_start3A_8 = tpu.memref_slice %arg9[%dma_start3A] : memref<10000xi32, #tpu.memory_space<vmem>> -> memref<80xi32, #tpu.memory_space<vmem>>
    %dma_start3A_9 = arith.constant 0 : i32
    %dma_start3A_10 = arith.constant 0 : i32
    %dma_start3A_11 = tpu.memref_slice %arg4[%dma_start3A_9, %dma_start3A_10] : memref<10000x128xf32, #tpu.memory_space<hbm>> -> memref<10000x128xf32, #tpu.memory_space<hbm>>
    tpu.enqueue_indirect_dma source(%dma_start3A_11 : memref<10000x128xf32, #tpu.memory_space<hbm>>) target(%arg11 : memref<80x128xf32, #tpu.memory_space<vmem>>) offsets(%dma_start3A_8 : memref<80xi32, #tpu.memory_space<vmem>>) semaphore(%arg18 : memref<!tpu.dma_semaphore, #tpu.memory_space<semaphore_mem>>)
    %dma_start3A_12 = arith.constant 0 : i32
    %dma_start3A_13 = tpu.memref_slice %arg10[%dma_start3A_12] : memref<10000xi32, #tpu.memory_space<vmem>> -> memref<80xi32, #tpu.memory_space<vmem>>
    %dma_start3A_14 = arith.constant 0 : i32
    %dma_start3A_15 = arith.constant 0 : i32
    %dma_start3A_16 = tpu.memref_slice %arg5[%dma_start3A_14, %dma_start3A_15] : memref<10000x128xf32, #tpu.memory_space<hbm>> -> memref<10000x128xf32, #tpu.memory_space<hbm>>
    tpu.enqueue_indirect_dma source(%dma_start3A_16 : memref<10000x128xf32, #tpu.memory_space<hbm>>) target(%arg13 : memref<80x128xf32, #tpu.memory_space<vmem>>) offsets(%dma_start3A_13 : memref<80xi32, #tpu.memory_space<vmem>>) semaphore(%arg18 : memref<!tpu.dma_semaphore, #tpu.memory_space<semaphore_mem>>)
    %scan3A = arith.constant 0 : i32
    %scan3A_17 = arith.constant 5 : i32
    %scan3A_18 = arith.addi %scan3A, %scan3A_17 : i32
    %scan3A_19 = arith.constant 1 : i32
    scf.for %scan3A_158 = %scan3A to %scan3A_18 step %scan3A_19  : i32 {
      %mul3A_159 = arith.constant 16 : i32
      %mul3A_160 = arith.muli %scan3A_158, %mul3A_159 : i32
      %add3A_161 = arith.constant 0 : i32
      %add3A_162 = arith.addi %add3A_161, %mul3A_160 : i32
      %get3A = arith.index_cast %add3A_162 : i32 to index
      %get3A_163 = tpu.vector_load %arg9[%get3A] {strides = array<i32>} : memref<10000xi32, #tpu.memory_space<vmem>>, vector<16xi32>,
      %mul3A_164 = arith.constant 16 : i32
      %mul3A_165 = arith.muli %scan3A_158, %mul3A_164 : i32
      %add3A_166 = arith.constant 0 : i32
      %add3A_167 = arith.addi %add3A_166, %mul3A_165 : i32
      %get3A_168 = arith.index_cast %add3A_167 : i32 to index
      %get3A_169 = tpu.vector_load %arg10[%get3A_168] {strides = array<i32>} : memref<10000xi32, #tpu.memory_space<vmem>>, vector<16xi32>,
      %broadcast_in_dim3A = arith.constant 0.000000e+00 : f32
      %broadcast_in_dim3A_170 = vector.broadcast %broadcast_in_dim3A : f32 to vector<16xf32>
      %mul3A_171 = arith.constant 4 : i32
      %mul3A_172 = vector.broadcast %mul3A_171 : i32 to vector<16xi32>
      %mul3A_173 = arith.muli %get3A_163, %mul3A_172 : vector<16xi32>
      %mul3A_174 = arith.constant 4 : i32
      %mul3A_175 = vector.broadcast %mul3A_174 : i32 to vector<16xi32>
      %mul3A_176 = arith.muli %get3A_169, %mul3A_175 : vector<16xi32>
      %add3A_177 = arith.constant 0 : i32
      %add3A_178 = vector.broadcast %add3A_177 : i32 to vector<16xi32>
      %add3A_179 = arith.addi %mul3A_173, %add3A_178 : vector<16xi32>
      %gather3A = tpu.vector_load_idx %arg15[%add3A_179] : memref<40000xf32, #tpu.memory_space<vmem>>[vector<16xi32>], vector<16xf32>,
      %add3A_180 = arith.constant 0 : i32
      %add3A_181 = vector.broadcast %add3A_180 : i32 to vector<16xi32>
      %add3A_182 = arith.addi %mul3A_176, %add3A_181 : vector<16xi32>
      %gather3A_183 = tpu.vector_load_idx %arg15[%add3A_182] : memref<40000xf32, #tpu.memory_space<vmem>>[vector<16xi32>], vector<16xf32>,
      %sub3A = arith.subf %gather3A, %gather3A_183 : vector<16xf32>
      %mul3A_184 = arith.constant 64 : i32
      %mul3A_185 = arith.muli %scan3A_158, %mul3A_184 : i32
      %add3A_186 = arith.constant 0 : i32
      %add3A_187 = arith.addi %mul3A_185, %add3A_186 : i32
      %add3A_188 = vector.broadcast %add3A_187 : i32 to vector<16xi32>
      %add3A_189 = arith.addi %mul3A_5, %add3A_188 : vector<16xi32>
      tpu.vector_store_idx %arg16[%add3A_189], %sub3A : memref<320xf32, #tpu.memory_space<vmem>>[vector<16xi32>], vector<16xf32>,
      %mul3A_190 = arith.mulf %sub3A, %sub3A : vector<16xf32>
      %add3A_191 = arith.addf %broadcast_in_dim3A_170, %mul3A_190 : vector<16xf32>
      %add3A_192 = arith.constant 1 : i32
      %add3A_193 = vector.broadcast %add3A_192 : i32 to vector<16xi32>
      %add3A_194 = arith.addi %mul3A_173, %add3A_193 : vector<16xi32>
      %gather3A_195 = tpu.vector_load_idx %arg15[%add3A_194] : memref<40000xf32, #tpu.memory_space<vmem>>[vector<16xi32>], vector<16xf32>,
      %add3A_196 = arith.constant 1 : i32
      %add3A_197 = vector.broadcast %add3A_196 : i32 to vector<16xi32>
      %add3A_198 = arith.addi %mul3A_176, %add3A_197 : vector<16xi32>
      %gather3A_199 = tpu.vector_load_idx %arg15[%add3A_198] : memref<40000xf32, #tpu.memory_space<vmem>>[vector<16xi32>], vector<16xf32>,
      %sub3A_200 = arith.subf %gather3A_195, %gather3A_199 : vector<16xf32>
      %mul3A_201 = arith.constant 64 : i32
      %mul3A_202 = arith.muli %scan3A_158, %mul3A_201 : i32
      %add3A_203 = arith.constant 1 : i32
      %add3A_204 = arith.addi %mul3A_202, %add3A_203 : i32
      %add3A_205 = vector.broadcast %add3A_204 : i32 to vector<16xi32>
      %add3A_206 = arith.addi %mul3A_5, %add3A_205 : vector<16xi32>
      tpu.vector_store_idx %arg16[%add3A_206], %sub3A_200 : memref<320xf32, #tpu.memory_space<vmem>>[vector<16xi32>], vector<16xf32>,
      %mul3A_207 = arith.mulf %sub3A_200, %sub3A_200 : vector<16xf32>
      %add3A_208 = arith.addf %add3A_191, %mul3A_207 : vector<16xf32>
      %add3A_209 = arith.constant 2 : i32
      %add3A_210 = vector.broadcast %add3A_209 : i32 to vector<16xi32>
      %add3A_211 = arith.addi %mul3A_173, %add3A_210 : vector<16xi32>
      %gather3A_212 = tpu.vector_load_idx %arg15[%add3A_211] : memref<40000xf32, #tpu.memory_space<vmem>>[vector<16xi32>], vector<16xf32>,
      %add3A_213 = arith.constant 2 : i32
      %add3A_214 = vector.broadcast %add3A_213 : i32 to vector<16xi32>
      %add3A_215 = arith.addi %mul3A_176, %add3A_214 : vector<16xi32>
      %gather3A_216 = tpu.vector_load_idx %arg15[%add3A_215] : memref<40000xf32, #tpu.memory_space<vmem>>[vector<16xi32>], vector<16xf32>,
      %sub3A_217 = arith.subf %gather3A_212, %gather3A_216 : vector<16xf32>
      %mul3A_218 = arith.constant 64 : i32
      %mul3A_219 = arith.muli %scan3A_158, %mul3A_218 : i32
      %add3A_220 = arith.constant 2 : i32
      %add3A_221 = arith.addi %mul3A_219, %add3A_220 : i32
      %add3A_222 = vector.broadcast %add3A_221 : i32 to vector<16xi32>
      %add3A_223 = arith.addi %mul3A_5, %add3A_222 : vector<16xi32>
      tpu.vector_store_idx %arg16[%add3A_223], %sub3A_217 : memref<320xf32, #tpu.memory_space<vmem>>[vector<16xi32>], vector<16xf32>,
      %mul3A_224 = arith.mulf %sub3A_217, %sub3A_217 : vector<16xf32>
      %add3A_225 = arith.addf %add3A_208, %mul3A_224 : vector<16xf32>
      %mul3A_226 = arith.constant 64 : i32
      %mul3A_227 = arith.muli %scan3A_158, %mul3A_226 : i32
      %add3A_228 = arith.constant 3 : i32
      %add3A_229 = arith.addi %mul3A_227, %add3A_228 : i32
      %add3A_230 = vector.broadcast %add3A_229 : i32 to vector<16xi32>
      %add3A_231 = arith.addi %mul3A_5, %add3A_230 : vector<16xi32>
      tpu.vector_store_idx %arg16[%add3A_231], %add3A_225 : memref<320xf32, #tpu.memory_space<vmem>>[vector<16xi32>], vector<16xf32>,
    }
    %scan3A_20 = arith.constant 5 : i32
    %dma_wait3A = arith.constant 0 : i32
    %dma_wait3A_21 = tpu.memref_slice %arg9[%dma_wait3A] : memref<10000xi32, #tpu.memory_space<vmem>> -> memref<80xi32, #tpu.memory_space<vmem>>
    %dma_wait3A_22 = arith.constant 0 : i32
    %dma_wait3A_23 = arith.constant 0 : i32
    %dma_wait3A_24 = tpu.memref_slice %arg4[%dma_wait3A_22, %dma_wait3A_23] : memref<10000x128xf32, #tpu.memory_space<hbm>> -> memref<10000x128xf32, #tpu.memory_space<hbm>>
    tpu.wait_indirect_dma semaphore(%arg18 : memref<!tpu.dma_semaphore, #tpu.memory_space<semaphore_mem>>) src(%dma_wait3A_24 : memref<10000x128xf32, #tpu.memory_space<hbm>>) dst(%arg11 : memref<80x128xf32, #tpu.memory_space<vmem>>)
    %dma_wait3A_25 = arith.constant 0 : i32
    %dma_wait3A_26 = tpu.memref_slice %arg10[%dma_wait3A_25] : memref<10000xi32, #tpu.memory_space<vmem>> -> memref<80xi32, #tpu.memory_space<vmem>>
    %dma_wait3A_27 = arith.constant 0 : i32
    %dma_wait3A_28 = arith.constant 0 : i32
    %dma_wait3A_29 = tpu.memref_slice %arg5[%dma_wait3A_27, %dma_wait3A_28] : memref<10000x128xf32, #tpu.memory_space<hbm>> -> memref<10000x128xf32, #tpu.memory_space<hbm>>
    tpu.wait_indirect_dma semaphore(%arg18 : memref<!tpu.dma_semaphore, #tpu.memory_space<semaphore_mem>>) src(%dma_wait3A_29 : memref<10000x128xf32, #tpu.memory_space<hbm>>) dst(%arg13 : memref<80x128xf32, #tpu.memory_space<vmem>>)
    %scan3A_30 = arith.constant 0 : i32
    %scan3A_31 = arith.constant 640 : i32
    %scan3A_32 = arith.addi %scan3A_30, %scan3A_31 : i32
    %scan3A_33 = arith.constant 1 : i32
    scf.for %scan3A_158 = %scan3A_30 to %scan3A_32 step %scan3A_33  : i32 {
      %jit3A = arith.constant 8 : i32
      %div3A = arith.divsi %scan3A_158, %jit3A : i32
      %sign3A = arith.constant 0 : i32
      %sign3A_159 = arith.cmpi sgt, %scan3A_158, %sign3A : i32
      %sign3A_160 = arith.extui %sign3A_159 : i1 to i32
      %sign3A_161 = arith.constant 0 : i32
      %sign3A_162 = arith.cmpi slt, %scan3A_158, %sign3A_161 : i32
      %sign3A_163 = arith.extui %sign3A_162 : i1 to i32
      %sign3A_164 = arith.subi %sign3A_160, %sign3A_163 : i32
      %sign3A_165 = arith.constant 0 : i32
      %sign3A_166 = arith.cmpi sgt, %jit3A, %sign3A_165 : i32
      %sign3A_167 = arith.extui %sign3A_166 : i1 to i32
      %sign3A_168 = arith.constant 0 : i32
      %sign3A_169 = arith.cmpi slt, %jit3A, %sign3A_168 : i32
      %sign3A_170 = arith.extui %sign3A_169 : i1 to i32
      %sign3A_171 = arith.subi %sign3A_167, %sign3A_170 : i32
      %ne3A = arith.cmpi ne, %sign3A_164, %sign3A_171 : i32
      %rem3A = arith.remsi %scan3A_158, %jit3A : i32
      %ne3A_172 = arith.constant 0 : i32
      %ne3A_173 = arith.cmpi ne, %rem3A, %ne3A_172 : i32
      %and3A = arith.andi %ne3A, %ne3A_173 : i1
      %sub3A = arith.constant 1 : i32
      %sub3A_174 = arith.subi %div3A, %sub3A : i32
      %select_n3A = arith.select %and3A, %sub3A_174, %div3A : i32
      %jit3A_175 = arith.constant 8 : i32
      %eq3A = arith.constant 0 : i32
      %eq3A_176 = arith.cmpi eq, %jit3A_175, %eq3A : i32
      %jit3A_177 = arith.constant 1 : i32
      %select_n3A_178 = arith.select %eq3A_176, %jit3A_177, %jit3A_175 : i32
      %rem3A_179 = arith.remsi %scan3A_158, %select_n3A_178 : i32
      %ne3A_180 = arith.constant 0 : i32
      %ne3A_181 = arith.cmpi ne, %rem3A_179, %ne3A_180 : i32
      %lt3A = arith.constant 0 : i32
      %lt3A_182 = arith.cmpi slt, %rem3A_179, %lt3A : i32
      %lt3A_183 = arith.constant 0 : i32
      %lt3A_184 = arith.cmpi slt, %select_n3A_178, %lt3A_183 : i32
      %ne3A_185 = arith.xori %lt3A_182, %lt3A_184 : i1
      %and3A_186 = arith.andi %ne3A_185, %ne3A_181 : i1
      %add3A_187 = arith.addi %rem3A_179, %select_n3A_178 : i32
      %select_n3A_188 = arith.select %and3A_186, %add3A_187, %rem3A_179 : i32
      %mul3A_189 = arith.constant 16 : i32
      %mul3A_190 = arith.muli %select_n3A_188, %mul3A_189 : i32
      %get3A = arith.index_cast %select_n3A : i32 to index
      %get3A_191 = arith.index_cast %mul3A_190 : i32 to index
      %get3A_192 = tpu.vector_load %arg11[%get3A, %get3A_191] {strides = array<i32>} : memref<80x128xf32, #tpu.memory_space<vmem>>, vector<16xf32>,
      %get3A_193 = arith.index_cast %select_n3A : i32 to index
      %get3A_194 = arith.index_cast %mul3A_190 : i32 to index
      %get3A_195 = tpu.vector_load %arg13[%get3A_193, %get3A_194] {strides = array<i32>} : memref<80x128xf32, #tpu.memory_space<vmem>>, vector<16xf32>,
      %add3A_196 = arith.addf %get3A_192, %get3A_195 : vector<16xf32>
      %swap3A = arith.index_cast %select_n3A : i32 to index
      %swap3A_197 = arith.index_cast %mul3A_190 : i32 to index
      %swap3A_198 = tpu.vector_load %arg11[%swap3A, %swap3A_197] {strides = array<i32>} : memref<80x128xf32, #tpu.memory_space<vmem>>, vector<16xf32>,
      tpu.vector_store %arg11[%swap3A, %swap3A_197], %add3A_196 {strides = array<i32>} : memref<80x128xf32, #tpu.memory_space<vmem>>, vector<16xf32>,
    }
    %scan3A_34 = arith.constant 640 : i32
    %dma_start3A_35 = arith.constant 0 : i32
    %dma_start3A_36 = tpu.memref_slice %arg7[%add3A_7, %dma_start3A_35] : memref<320000x128xf32, #tpu.memory_space<hbm>> -> memref<80x128xf32, #tpu.memory_space<hbm>>
    %dma_start3A_37 = arith.constant 0 : i32
    %dma_start3A_38 = tpu.memref_slice %arg7[%add3A_7, %dma_start3A_37] : memref<320000x128xf32, #tpu.memory_space<hbm>> -> memref<80x128xf32, #tpu.memory_space<hbm>>
    tpu.enqueue_dma source(%arg11 : memref<80x128xf32, #tpu.memory_space<vmem>>) target(%dma_start3A_38 : memref<80x128xf32, #tpu.memory_space<hbm>>) target_semaphore(%arg19 : memref<!tpu.dma_semaphore, #tpu.memory_space<semaphore_mem>>)
    %mul3A_39 = arith.constant 4 : i32
    %mul3A_40 = arith.muli %add3A_7, %mul3A_39 : i32
    %dma_start3A_41 = tpu.memref_slice %arg8[%mul3A_40] : memref<1280000xf32, #tpu.memory_space<hbm>> -> memref<320xf32, #tpu.memory_space<hbm>>
    %dma_start3A_42 = tpu.memref_slice %arg8[%mul3A_40] : memref<1280000xf32, #tpu.memory_space<hbm>> -> memref<320xf32, #tpu.memory_space<hbm>>
    tpu.enqueue_dma source(%arg16 : memref<320xf32, #tpu.memory_space<vmem>>) target(%dma_start3A_42 : memref<320xf32, #tpu.memory_space<hbm>>) target_semaphore(%arg21 : memref<!tpu.dma_semaphore, #tpu.memory_space<semaphore_mem>>)
    %add3A_43 = arith.constant 80 : i32
    %add3A_44 = arith.addi %mul3A_2, %add3A_43 : i32
    %dma_start3A_45 = arith.constant 80 : i32
    %dma_start3A_46 = tpu.memref_slice %arg9[%dma_start3A_45] : memref<10000xi32, #tpu.memory_space<vmem>> -> memref<80xi32, #tpu.memory_space<vmem>>
    %dma_start3A_47 = arith.constant 0 : i32
    %dma_start3A_48 = arith.constant 0 : i32
    %dma_start3A_49 = tpu.memref_slice %arg4[%dma_start3A_47, %dma_start3A_48] : memref<10000x128xf32, #tpu.memory_space<hbm>> -> memref<10000x128xf32, #tpu.memory_space<hbm>>
    tpu.enqueue_indirect_dma source(%dma_start3A_49 : memref<10000x128xf32, #tpu.memory_space<hbm>>) target(%arg12 : memref<80x128xf32, #tpu.memory_space<vmem>>) offsets(%dma_start3A_46 : memref<80xi32, #tpu.memory_space<vmem>>) semaphore(%arg18 : memref<!tpu.dma_semaphore, #tpu.memory_space<semaphore_mem>>)
    %dma_start3A_50 = arith.constant 80 : i32
    %dma_start3A_51 = tpu.memref_slice %arg10[%dma_start3A_50] : memref<10000xi32, #tpu.memory_space<vmem>> -> memref<80xi32, #tpu.memory_space<vmem>>
    %dma_start3A_52 = arith.constant 0 : i32
    %dma_start3A_53 = arith.constant 0 : i32
    %dma_start3A_54 = tpu.memref_slice %arg5[%dma_start3A_52, %dma_start3A_53] : memref<10000x128xf32, #tpu.memory_space<hbm>> -> memref<10000x128xf32, #tpu.memory_space<hbm>>
    tpu.enqueue_indirect_dma source(%dma_start3A_54 : memref<10000x128xf32, #tpu.memory_space<hbm>>) target(%arg14 : memref<80x128xf32, #tpu.memory_space<vmem>>) offsets(%dma_start3A_51 : memref<80xi32, #tpu.memory_space<vmem>>) semaphore(%arg18 : memref<!tpu.dma_semaphore, #tpu.memory_space<semaphore_mem>>)
    %scan3A_55 = arith.constant 0 : i32
    %scan3A_56 = arith.constant 5 : i32
    %scan3A_57 = arith.addi %scan3A_55, %scan3A_56 : i32
    %scan3A_58 = arith.constant 1 : i32
    scf.for %scan3A_158 = %scan3A_55 to %scan3A_57 step %scan3A_58  : i32 {
      %mul3A_159 = arith.constant 16 : i32
      %mul3A_160 = arith.muli %scan3A_158, %mul3A_159 : i32
      %add3A_161 = arith.constant 80 : i32
      %add3A_162 = arith.addi %add3A_161, %mul3A_160 : i32
      %get3A = arith.index_cast %add3A_162 : i32 to index
      %get3A_163 = tpu.vector_load %arg9[%get3A] {strides = array<i32>} : memref<10000xi32, #tpu.memory_space<vmem>>, vector<16xi32>,
      %mul3A_164 = arith.constant 16 : i32
      %mul3A_165 = arith.muli %scan3A_158, %mul3A_164 : i32
      %add3A_166 = arith.constant 80 : i32
      %add3A_167 = arith.addi %add3A_166, %mul3A_165 : i32
      %get3A_168 = arith.index_cast %add3A_167 : i32 to index
      %get3A_169 = tpu.vector_load %arg10[%get3A_168] {strides = array<i32>} : memref<10000xi32, #tpu.memory_space<vmem>>, vector<16xi32>,
      %broadcast_in_dim3A = arith.constant 0.000000e+00 : f32
      %broadcast_in_dim3A_170 = vector.broadcast %broadcast_in_dim3A : f32 to vector<16xf32>
      %mul3A_171 = arith.constant 4 : i32
      %mul3A_172 = vector.broadcast %mul3A_171 : i32 to vector<16xi32>
      %mul3A_173 = arith.muli %get3A_163, %mul3A_172 : vector<16xi32>
      %mul3A_174 = arith.constant 4 : i32
      %mul3A_175 = vector.broadcast %mul3A_174 : i32 to vector<16xi32>
      %mul3A_176 = arith.muli %get3A_169, %mul3A_175 : vector<16xi32>
      %add3A_177 = arith.constant 0 : i32
      %add3A_178 = vector.broadcast %add3A_177 : i32 to vector<16xi32>
      %add3A_179 = arith.addi %mul3A_173, %add3A_178 : vector<16xi32>
      %gather3A = tpu.vector_load_idx %arg15[%add3A_179] : memref<40000xf32, #tpu.memory_space<vmem>>[vector<16xi32>], vector<16xf32>,
      %add3A_180 = arith.constant 0 : i32
      %add3A_181 = vector.broadcast %add3A_180 : i32 to vector<16xi32>
      %add3A_182 = arith.addi %mul3A_176, %add3A_181 : vector<16xi32>
      %gather3A_183 = tpu.vector_load_idx %arg15[%add3A_182] : memref<40000xf32, #tpu.memory_space<vmem>>[vector<16xi32>], vector<16xf32>,
      %sub3A = arith.subf %gather3A, %gather3A_183 : vector<16xf32>
      %mul3A_184 = arith.constant 64 : i32
      %mul3A_185 = arith.muli %scan3A_158, %mul3A_184 : i32
      %add3A_186 = arith.constant 0 : i32
      %add3A_187 = arith.addi %mul3A_185, %add3A_186 : i32
      %add3A_188 = vector.broadcast %add3A_187 : i32 to vector<16xi32>
      %add3A_189 = arith.addi %mul3A_5, %add3A_188 : vector<16xi32>
      tpu.vector_store_idx %arg17[%add3A_189], %sub3A : memref<320xf32, #tpu.memory_space<vmem>>[vector<16xi32>], vector<16xf32>,
      %mul3A_190 = arith.mulf %sub3A, %sub3A : vector<16xf32>
      %add3A_191 = arith.addf %broadcast_in_dim3A_170, %mul3A_190 : vector<16xf32>
      %add3A_192 = arith.constant 1 : i32
      %add3A_193 = vector.broadcast %add3A_192 : i32 to vector<16xi32>
      %add3A_194 = arith.addi %mul3A_173, %add3A_193 : vector<16xi32>
      %gather3A_195 = tpu.vector_load_idx %arg15[%add3A_194] : memref<40000xf32, #tpu.memory_space<vmem>>[vector<16xi32>], vector<16xf32>,
      %add3A_196 = arith.constant 1 : i32
      %add3A_197 = vector.broadcast %add3A_196 : i32 to vector<16xi32>
      %add3A_198 = arith.addi %mul3A_176, %add3A_197 : vector<16xi32>
      %gather3A_199 = tpu.vector_load_idx %arg15[%add3A_198] : memref<40000xf32, #tpu.memory_space<vmem>>[vector<16xi32>], vector<16xf32>,
      %sub3A_200 = arith.subf %gather3A_195, %gather3A_199 : vector<16xf32>
      %mul3A_201 = arith.constant 64 : i32
      %mul3A_202 = arith.muli %scan3A_158, %mul3A_201 : i32
      %add3A_203 = arith.constant 1 : i32
      %add3A_204 = arith.addi %mul3A_202, %add3A_203 : i32
      %add3A_205 = vector.broadcast %add3A_204 : i32 to vector<16xi32>
      %add3A_206 = arith.addi %mul3A_5, %add3A_205 : vector<16xi32>
      tpu.vector_store_idx %arg17[%add3A_206], %sub3A_200 : memref<320xf32, #tpu.memory_space<vmem>>[vector<16xi32>], vector<16xf32>,
      %mul3A_207 = arith.mulf %sub3A_200, %sub3A_200 : vector<16xf32>
      %add3A_208 = arith.addf %add3A_191, %mul3A_207 : vector<16xf32>
      %add3A_209 = arith.constant 2 : i32
      %add3A_210 = vector.broadcast %add3A_209 : i32 to vector<16xi32>
      %add3A_211 = arith.addi %mul3A_173, %add3A_210 : vector<16xi32>
      %gather3A_212 = tpu.vector_load_idx %arg15[%add3A_211] : memref<40000xf32, #tpu.memory_space<vmem>>[vector<16xi32>], vector<16xf32>,
      %add3A_213 = arith.constant 2 : i32
      %add3A_214 = vector.broadcast %add3A_213 : i32 to vector<16xi32>
      %add3A_215 = arith.addi %mul3A_176, %add3A_214 : vector<16xi32>
      %gather3A_216 = tpu.vector_load_idx %arg15[%add3A_215] : memref<40000xf32, #tpu.memory_space<vmem>>[vector<16xi32>], vector<16xf32>,
      %sub3A_217 = arith.subf %gather3A_212, %gather3A_216 : vector<16xf32>
      %mul3A_218 = arith.constant 64 : i32
      %mul3A_219 = arith.muli %scan3A_158, %mul3A_218 : i32
      %add3A_220 = arith.constant 2 : i32
      %add3A_221 = arith.addi %mul3A_219, %add3A_220 : i32
      %add3A_222 = vector.broadcast %add3A_221 : i32 to vector<16xi32>
      %add3A_223 = arith.addi %mul3A_5, %add3A_222 : vector<16xi32>
      tpu.vector_store_idx %arg17[%add3A_223], %sub3A_217 : memref<320xf32, #tpu.memory_space<vmem>>[vector<16xi32>], vector<16xf32>,
      %mul3A_224 = arith.mulf %sub3A_217, %sub3A_217 : vector<16xf32>
      %add3A_225 = arith.addf %add3A_208, %mul3A_224 : vector<16xf32>
      %mul3A_226 = arith.constant 64 : i32
      %mul3A_227 = arith.muli %scan3A_158, %mul3A_226 : i32
      %add3A_228 = arith.constant 3 : i32
      %add3A_229 = arith.addi %mul3A_227, %add3A_228 : i32
      %add3A_230 = vector.broadcast %add3A_229 : i32 to vector<16xi32>
      %add3A_231 = arith.addi %mul3A_5, %add3A_230 : vector<16xi32>
      tpu.vector_store_idx %arg17[%add3A_231], %add3A_225 : memref<320xf32, #tpu.memory_space<vmem>>[vector<16xi32>], vector<16xf32>,
    }
    %scan3A_59 = arith.constant 5 : i32
    %dma_wait3A_60 = arith.constant 80 : i32
    %dma_wait3A_61 = tpu.memref_slice %arg9[%dma_wait3A_60] : memref<10000xi32, #tpu.memory_space<vmem>> -> memref<80xi32, #tpu.memory_space<vmem>>
    %dma_wait3A_62 = arith.constant 0 : i32
    %dma_wait3A_63 = arith.constant 0 : i32
    %dma_wait3A_64 = tpu.memref_slice %arg4[%dma_wait3A_62, %dma_wait3A_63] : memref<10000x128xf32, #tpu.memory_space<hbm>> -> memref<10000x128xf32, #tpu.memory_space<hbm>>
    tpu.wait_indirect_dma semaphore(%arg18 : memref<!tpu.dma_semaphore, #tpu.memory_space<semaphore_mem>>) src(%dma_wait3A_64 : memref<10000x128xf32, #tpu.memory_space<hbm>>) dst(%arg12 : memref<80x128xf32, #tpu.memory_space<vmem>>)
    %dma_wait3A_65 = arith.constant 80 : i32
    %dma_wait3A_66 = tpu.memref_slice %arg10[%dma_wait3A_65] : memref<10000xi32, #tpu.memory_space<vmem>> -> memref<80xi32, #tpu.memory_space<vmem>>
    %dma_wait3A_67 = arith.constant 0 : i32
    %dma_wait3A_68 = arith.constant 0 : i32
    %dma_wait3A_69 = tpu.memref_slice %arg5[%dma_wait3A_67, %dma_wait3A_68] : memref<10000x128xf32, #tpu.memory_space<hbm>> -> memref<10000x128xf32, #tpu.memory_space<hbm>>
    tpu.wait_indirect_dma semaphore(%arg18 : memref<!tpu.dma_semaphore, #tpu.memory_space<semaphore_mem>>) src(%dma_wait3A_69 : memref<10000x128xf32, #tpu.memory_space<hbm>>) dst(%arg14 : memref<80x128xf32, #tpu.memory_space<vmem>>)
    %scan3A_70 = arith.constant 0 : i32
    %scan3A_71 = arith.constant 640 : i32
    %scan3A_72 = arith.addi %scan3A_70, %scan3A_71 : i32
    %scan3A_73 = arith.constant 1 : i32
    scf.for %scan3A_158 = %scan3A_70 to %scan3A_72 step %scan3A_73  : i32 {
      %jit3A = arith.constant 8 : i32
      %div3A = arith.divsi %scan3A_158, %jit3A : i32
      %sign3A = arith.constant 0 : i32
      %sign3A_159 = arith.cmpi sgt, %scan3A_158, %sign3A : i32
      %sign3A_160 = arith.extui %sign3A_159 : i1 to i32
      %sign3A_161 = arith.constant 0 : i32
      %sign3A_162 = arith.cmpi slt, %scan3A_158, %sign3A_161 : i32
      %sign3A_163 = arith.extui %sign3A_162 : i1 to i32
      %sign3A_164 = arith.subi %sign3A_160, %sign3A_163 : i32
      %sign3A_165 = arith.constant 0 : i32
      %sign3A_166 = arith.cmpi sgt, %jit3A, %sign3A_165 : i32
      %sign3A_167 = arith.extui %sign3A_166 : i1 to i32
      %sign3A_168 = arith.constant 0 : i32
      %sign3A_169 = arith.cmpi slt, %jit3A, %sign3A_168 : i32
      %sign3A_170 = arith.extui %sign3A_169 : i1 to i32
      %sign3A_171 = arith.subi %sign3A_167, %sign3A_170 : i32
      %ne3A = arith.cmpi ne, %sign3A_164, %sign3A_171 : i32
      %rem3A = arith.remsi %scan3A_158, %jit3A : i32
      %ne3A_172 = arith.constant 0 : i32
      %ne3A_173 = arith.cmpi ne, %rem3A, %ne3A_172 : i32
      %and3A = arith.andi %ne3A, %ne3A_173 : i1
      %sub3A = arith.constant 1 : i32
      %sub3A_174 = arith.subi %div3A, %sub3A : i32
      %select_n3A = arith.select %and3A, %sub3A_174, %div3A : i32
      %jit3A_175 = arith.constant 8 : i32
      %eq3A = arith.constant 0 : i32
      %eq3A_176 = arith.cmpi eq, %jit3A_175, %eq3A : i32
      %jit3A_177 = arith.constant 1 : i32
      %select_n3A_178 = arith.select %eq3A_176, %jit3A_177, %jit3A_175 : i32
      %rem3A_179 = arith.remsi %scan3A_158, %select_n3A_178 : i32
      %ne3A_180 = arith.constant 0 : i32
      %ne3A_181 = arith.cmpi ne, %rem3A_179, %ne3A_180 : i32
      %lt3A = arith.constant 0 : i32
      %lt3A_182 = arith.cmpi slt, %rem3A_179, %lt3A : i32
      %lt3A_183 = arith.constant 0 : i32
      %lt3A_184 = arith.cmpi slt, %select_n3A_178, %lt3A_183 : i32
      %ne3A_185 = arith.xori %lt3A_182, %lt3A_184 : i1
      %and3A_186 = arith.andi %ne3A_185, %ne3A_181 : i1
      %add3A_187 = arith.addi %rem3A_179, %select_n3A_178 : i32
      %select_n3A_188 = arith.select %and3A_186, %add3A_187, %rem3A_179 : i32
      %mul3A_189 = arith.constant 16 : i32
      %mul3A_190 = arith.muli %select_n3A_188, %mul3A_189 : i32
      %get3A = arith.index_cast %select_n3A : i32 to index
      %get3A_191 = arith.index_cast %mul3A_190 : i32 to index
      %get3A_192 = tpu.vector_load %arg12[%get3A, %get3A_191] {strides = array<i32>} : memref<80x128xf32, #tpu.memory_space<vmem>>, vector<16xf32>,
      %get3A_193 = arith.index_cast %select_n3A : i32 to index
      %get3A_194 = arith.index_cast %mul3A_190 : i32 to index
      %get3A_195 = tpu.vector_load %arg14[%get3A_193, %get3A_194] {strides = array<i32>} : memref<80x128xf32, #tpu.memory_space<vmem>>, vector<16xf32>,
      %add3A_196 = arith.addf %get3A_192, %get3A_195 : vector<16xf32>
      %swap3A = arith.index_cast %select_n3A : i32 to index
      %swap3A_197 = arith.index_cast %mul3A_190 : i32 to index
      %swap3A_198 = tpu.vector_load %arg12[%swap3A, %swap3A_197] {strides = array<i32>} : memref<80x128xf32, #tpu.memory_space<vmem>>, vector<16xf32>,
      tpu.vector_store %arg12[%swap3A, %swap3A_197], %add3A_196 {strides = array<i32>} : memref<80x128xf32, #tpu.memory_space<vmem>>, vector<16xf32>,
    }
    %scan3A_74 = arith.constant 640 : i32
    %dma_start3A_75 = arith.constant 0 : i32
    %dma_start3A_76 = tpu.memref_slice %arg7[%add3A_44, %dma_start3A_75] : memref<320000x128xf32, #tpu.memory_space<hbm>> -> memref<80x128xf32, #tpu.memory_space<hbm>>
    %dma_start3A_77 = arith.constant 0 : i32
    %dma_start3A_78 = tpu.memref_slice %arg7[%add3A_44, %dma_start3A_77] : memref<320000x128xf32, #tpu.memory_space<hbm>> -> memref<80x128xf32, #tpu.memory_space<hbm>>
    tpu.enqueue_dma source(%arg12 : memref<80x128xf32, #tpu.memory_space<vmem>>) target(%dma_start3A_78 : memref<80x128xf32, #tpu.memory_space<hbm>>) target_semaphore(%arg20 : memref<!tpu.dma_semaphore, #tpu.memory_space<semaphore_mem>>)
    %mul3A_79 = arith.constant 4 : i32
    %mul3A_80 = arith.muli %add3A_44, %mul3A_79 : i32
    %dma_start3A_81 = tpu.memref_slice %arg8[%mul3A_80] : memref<1280000xf32, #tpu.memory_space<hbm>> -> memref<320xf32, #tpu.memory_space<hbm>>
    %dma_start3A_82 = tpu.memref_slice %arg8[%mul3A_80] : memref<1280000xf32, #tpu.memory_space<hbm>> -> memref<320xf32, #tpu.memory_space<hbm>>
    tpu.enqueue_dma source(%arg17 : memref<320xf32, #tpu.memory_space<vmem>>) target(%dma_start3A_82 : memref<320xf32, #tpu.memory_space<hbm>>) target_semaphore(%arg22 : memref<!tpu.dma_semaphore, #tpu.memory_space<semaphore_mem>>)
    %scan3A_83 = arith.constant 0 : i32
    %scan3A_84 = arith.constant 61 : i32
    %scan3A_85 = arith.addi %scan3A_83, %scan3A_84 : i32
    %scan3A_86 = arith.constant 1 : i32
    scf.for %scan3A_158 = %scan3A_83 to %scan3A_85 step %scan3A_86  : i32 {
      %mul3A_159 = arith.constant 2 : i32
      %mul3A_160 = arith.muli %mul3A_159, %scan3A_158 : i32
      %add3A_161 = arith.constant 2 : i32
      %add3A_162 = arith.addi %mul3A_160, %add3A_161 : i32
      %mul3A_163 = arith.constant 80 : i32
      %mul3A_164 = arith.muli %add3A_162, %mul3A_163 : i32
      %add3A_165 = arith.addi %mul3A_2, %mul3A_164 : i32
      %mul3A_166 = arith.constant 80 : i32
      %mul3A_167 = arith.muli %add3A_162, %mul3A_166 : i32
      %dma_wait3A_168 = arith.constant 0 : i32
      %dma_wait3A_169 = arith.constant 0 : i32
      %dma_wait3A_170 = tpu.memref_slice %arg7[%dma_wait3A_168, %dma_wait3A_169] : memref<320000x128xf32, #tpu.memory_space<hbm>> -> memref<80x128xf32, #tpu.memory_space<hbm>>
      %dma_wait3A_171 = arith.constant 0 : i32
      %dma_wait3A_172 = arith.constant 0 : i32
      %dma_wait3A_173 = tpu.memref_slice %arg7[%dma_wait3A_171, %dma_wait3A_172] : memref<320000x128xf32, #tpu.memory_space<hbm>> -> memref<80x128xf32, #tpu.memory_space<hbm>>
      tpu.wait_dma2 semaphore(%arg19 : memref<!tpu.dma_semaphore, #tpu.memory_space<semaphore_mem>>) src(%arg11 : memref<80x128xf32, #tpu.memory_space<vmem>>) dst(%dma_wait3A_173 : memref<80x128xf32, #tpu.memory_space<hbm>>)
      %dma_wait3A_174 = arith.constant 0 : i32
      %dma_wait3A_175 = tpu.memref_slice %arg8[%dma_wait3A_174] : memref<1280000xf32, #tpu.memory_space<hbm>> -> memref<320xf32, #tpu.memory_space<hbm>>
      %dma_wait3A_176 = arith.constant 0 : i32
      %dma_wait3A_177 = tpu.memref_slice %arg8[%dma_wait3A_176] : memref<1280000xf32, #tpu.memory_space<hbm>> -> memref<320xf32, #tpu.memory_space<hbm>>
      tpu.wait_dma2 semaphore(%arg21 : memref<!tpu.dma_semaphore, #tpu.memory_space<semaphore_mem>>) src(%arg16 : memref<320xf32, #tpu.memory_space<vmem>>) dst(%dma_wait3A_177 : memref<320xf32, #tpu.memory_space<hbm>>)
      %dma_start3A_178 = tpu.memref_slice %arg9[%mul3A_167] : memref<10000xi32, #tpu.memory_space<vmem>> -> memref<80xi32, #tpu.memory_space<vmem>>
      %dma_start3A_179 = arith.constant 0 : i32
      %dma_start3A_180 = arith.constant 0 : i32
      %dma_start3A_181 = tpu.memref_slice %arg4[%dma_start3A_179, %dma_start3A_180] : memref<10000x128xf32, #tpu.memory_space<hbm>> -> memref<10000x128xf32, #tpu.memory_space<hbm>>
      tpu.enqueue_indirect_dma source(%dma_start3A_181 : memref<10000x128xf32, #tpu.memory_space<hbm>>) target(%arg11 : memref<80x128xf32, #tpu.memory_space<vmem>>) offsets(%dma_start3A_178 : memref<80xi32, #tpu.memory_space<vmem>>) semaphore(%arg18 : memref<!tpu.dma_semaphore, #tpu.memory_space<semaphore_mem>>)
      %dma_start3A_182 = tpu.memref_slice %arg10[%mul3A_167] : memref<10000xi32, #tpu.memory_space<vmem>> -> memref<80xi32, #tpu.memory_space<vmem>>
      %dma_start3A_183 = arith.constant 0 : i32
      %dma_start3A_184 = arith.constant 0 : i32
      %dma_start3A_185 = tpu.memref_slice %arg5[%dma_start3A_183, %dma_start3A_184] : memref<10000x128xf32, #tpu.memory_space<hbm>> -> memref<10000x128xf32, #tpu.memory_space<hbm>>
      tpu.enqueue_indirect_dma source(%dma_start3A_185 : memref<10000x128xf32, #tpu.memory_space<hbm>>) target(%arg13 : memref<80x128xf32, #tpu.memory_space<vmem>>) offsets(%dma_start3A_182 : memref<80xi32, #tpu.memory_space<vmem>>) semaphore(%arg18 : memref<!tpu.dma_semaphore, #tpu.memory_space<semaphore_mem>>)
      %scan3A_186 = arith.constant 0 : i32
      %scan3A_187 = arith.constant 5 : i32
      %scan3A_188 = arith.addi %scan3A_186, %scan3A_187 : i32
      %scan3A_189 = arith.constant 1 : i32
      scf.for %scan3A_265 = %scan3A_186 to %scan3A_188 step %scan3A_189  : i32 {
        %mul3A_266 = arith.constant 16 : i32
        %mul3A_267 = arith.muli %scan3A_265, %mul3A_266 : i32
        %add3A_268 = arith.addi %mul3A_167, %mul3A_267 : i32
        %get3A = arith.index_cast %add3A_268 : i32 to index
        %get3A_269 = tpu.vector_load %arg9[%get3A] {strides = array<i32>} : memref<10000xi32, #tpu.memory_space<vmem>>, vector<16xi32>,
        %mul3A_270 = arith.constant 16 : i32
        %mul3A_271 = arith.muli %scan3A_265, %mul3A_270 : i32
        %add3A_272 = arith.addi %mul3A_167, %mul3A_271 : i32
        %get3A_273 = arith.index_cast %add3A_272 : i32 to index
        %get3A_274 = tpu.vector_load %arg10[%get3A_273] {strides = array<i32>} : memref<10000xi32, #tpu.memory_space<vmem>>, vector<16xi32>,
        %broadcast_in_dim3A = arith.constant 0.000000e+00 : f32
        %broadcast_in_dim3A_275 = vector.broadcast %broadcast_in_dim3A : f32 to vector<16xf32>
        %mul3A_276 = arith.constant 4 : i32
        %mul3A_277 = vector.broadcast %mul3A_276 : i32 to vector<16xi32>
        %mul3A_278 = arith.muli %get3A_269, %mul3A_277 : vector<16xi32>
        %mul3A_279 = arith.constant 4 : i32
        %mul3A_280 = vector.broadcast %mul3A_279 : i32 to vector<16xi32>
        %mul3A_281 = arith.muli %get3A_274, %mul3A_280 : vector<16xi32>
        %add3A_282 = arith.constant 0 : i32
        %add3A_283 = vector.broadcast %add3A_282 : i32 to vector<16xi32>
        %add3A_284 = arith.addi %mul3A_278, %add3A_283 : vector<16xi32>
        %gather3A = tpu.vector_load_idx %arg15[%add3A_284] : memref<40000xf32, #tpu.memory_space<vmem>>[vector<16xi32>], vector<16xf32>,
        %add3A_285 = arith.constant 0 : i32
        %add3A_286 = vector.broadcast %add3A_285 : i32 to vector<16xi32>
        %add3A_287 = arith.addi %mul3A_281, %add3A_286 : vector<16xi32>
        %gather3A_288 = tpu.vector_load_idx %arg15[%add3A_287] : memref<40000xf32, #tpu.memory_space<vmem>>[vector<16xi32>], vector<16xf32>,
        %sub3A = arith.subf %gather3A, %gather3A_288 : vector<16xf32>
        %mul3A_289 = arith.constant 64 : i32
        %mul3A_290 = arith.muli %scan3A_265, %mul3A_289 : i32
        %add3A_291 = arith.constant 0 : i32
        %add3A_292 = arith.addi %mul3A_290, %add3A_291 : i32
        %add3A_293 = vector.broadcast %add3A_292 : i32 to vector<16xi32>
        %add3A_294 = arith.addi %mul3A_5, %add3A_293 : vector<16xi32>
        tpu.vector_store_idx %arg16[%add3A_294], %sub3A : memref<320xf32, #tpu.memory_space<vmem>>[vector<16xi32>], vector<16xf32>,
        %mul3A_295 = arith.mulf %sub3A, %sub3A : vector<16xf32>
        %add3A_296 = arith.addf %broadcast_in_dim3A_275, %mul3A_295 : vector<16xf32>
        %add3A_297 = arith.constant 1 : i32
        %add3A_298 = vector.broadcast %add3A_297 : i32 to vector<16xi32>
        %add3A_299 = arith.addi %mul3A_278, %add3A_298 : vector<16xi32>
        %gather3A_300 = tpu.vector_load_idx %arg15[%add3A_299] : memref<40000xf32, #tpu.memory_space<vmem>>[vector<16xi32>], vector<16xf32>,
        %add3A_301 = arith.constant 1 : i32
        %add3A_302 = vector.broadcast %add3A_301 : i32 to vector<16xi32>
        %add3A_303 = arith.addi %mul3A_281, %add3A_302 : vector<16xi32>
        %gather3A_304 = tpu.vector_load_idx %arg15[%add3A_303] : memref<40000xf32, #tpu.memory_space<vmem>>[vector<16xi32>], vector<16xf32>,
        %sub3A_305 = arith.subf %gather3A_300, %gather3A_304 : vector<16xf32>
        %mul3A_306 = arith.constant 64 : i32
        %mul3A_307 = arith.muli %scan3A_265, %mul3A_306 : i32
        %add3A_308 = arith.constant 1 : i32
        %add3A_309 = arith.addi %mul3A_307, %add3A_308 : i32
        %add3A_310 = vector.broadcast %add3A_309 : i32 to vector<16xi32>
        %add3A_311 = arith.addi %mul3A_5, %add3A_310 : vector<16xi32>
        tpu.vector_store_idx %arg16[%add3A_311], %sub3A_305 : memref<320xf32, #tpu.memory_space<vmem>>[vector<16xi32>], vector<16xf32>,
        %mul3A_312 = arith.mulf %sub3A_305, %sub3A_305 : vector<16xf32>
        %add3A_313 = arith.addf %add3A_296, %mul3A_312 : vector<16xf32>
        %add3A_314 = arith.constant 2 : i32
        %add3A_315 = vector.broadcast %add3A_314 : i32 to vector<16xi32>
        %add3A_316 = arith.addi %mul3A_278, %add3A_315 : vector<16xi32>
        %gather3A_317 = tpu.vector_load_idx %arg15[%add3A_316] : memref<40000xf32, #tpu.memory_space<vmem>>[vector<16xi32>], vector<16xf32>,
        %add3A_318 = arith.constant 2 : i32
        %add3A_319 = vector.broadcast %add3A_318 : i32 to vector<16xi32>
        %add3A_320 = arith.addi %mul3A_281, %add3A_319 : vector<16xi32>
        %gather3A_321 = tpu.vector_load_idx %arg15[%add3A_320] : memref<40000xf32, #tpu.memory_space<vmem>>[vector<16xi32>], vector<16xf32>,
        %sub3A_322 = arith.subf %gather3A_317, %gather3A_321 : vector<16xf32>
        %mul3A_323 = arith.constant 64 : i32
        %mul3A_324 = arith.muli %scan3A_265, %mul3A_323 : i32
        %add3A_325 = arith.constant 2 : i32
        %add3A_326 = arith.addi %mul3A_324, %add3A_325 : i32
        %add3A_327 = vector.broadcast %add3A_326 : i32 to vector<16xi32>
        %add3A_328 = arith.addi %mul3A_5, %add3A_327 : vector<16xi32>
        tpu.vector_store_idx %arg16[%add3A_328], %sub3A_322 : memref<320xf32, #tpu.memory_space<vmem>>[vector<16xi32>], vector<16xf32>,
        %mul3A_329 = arith.mulf %sub3A_322, %sub3A_322 : vector<16xf32>
        %add3A_330 = arith.addf %add3A_313, %mul3A_329 : vector<16xf32>
        %mul3A_331 = arith.constant 64 : i32
        %mul3A_332 = arith.muli %scan3A_265, %mul3A_331 : i32
        %add3A_333 = arith.constant 3 : i32
        %add3A_334 = arith.addi %mul3A_332, %add3A_333 : i32
        %add3A_335 = vector.broadcast %add3A_334 : i32 to vector<16xi32>
        %add3A_336 = arith.addi %mul3A_5, %add3A_335 : vector<16xi32>
        tpu.vector_store_idx %arg16[%add3A_336], %add3A_330 : memref<320xf32, #tpu.memory_space<vmem>>[vector<16xi32>], vector<16xf32>,
      }
      %scan3A_190 = arith.constant 5 : i32
      %dma_wait3A_191 = tpu.memref_slice %arg9[%mul3A_167] : memref<10000xi32, #tpu.memory_space<vmem>> -> memref<80xi32, #tpu.memory_space<vmem>>
      %dma_wait3A_192 = arith.constant 0 : i32
      %dma_wait3A_193 = arith.constant 0 : i32
      %dma_wait3A_194 = tpu.memref_slice %arg4[%dma_wait3A_192, %dma_wait3A_193] : memref<10000x128xf32, #tpu.memory_space<hbm>> -> memref<10000x128xf32, #tpu.memory_space<hbm>>
      tpu.wait_indirect_dma semaphore(%arg18 : memref<!tpu.dma_semaphore, #tpu.memory_space<semaphore_mem>>) src(%dma_wait3A_194 : memref<10000x128xf32, #tpu.memory_space<hbm>>) dst(%arg11 : memref<80x128xf32, #tpu.memory_space<vmem>>)
      %dma_wait3A_195 = tpu.memref_slice %arg10[%mul3A_167] : memref<10000xi32, #tpu.memory_space<vmem>> -> memref<80xi32, #tpu.memory_space<vmem>>
      %dma_wait3A_196 = arith.constant 0 : i32
      %dma_wait3A_197 = arith.constant 0 : i32
      %dma_wait3A_198 = tpu.memref_slice %arg5[%dma_wait3A_196, %dma_wait3A_197] : memref<10000x128xf32, #tpu.memory_space<hbm>> -> memref<10000x128xf32, #tpu.memory_space<hbm>>
      tpu.wait_indirect_dma semaphore(%arg18 : memref<!tpu.dma_semaphore, #tpu.memory_space<semaphore_mem>>) src(%dma_wait3A_198 : memref<10000x128xf32, #tpu.memory_space<hbm>>) dst(%arg13 : memref<80x128xf32, #tpu.memory_space<vmem>>)
      %scan3A_199 = arith.constant 0 : i32
      %scan3A_200 = arith.constant 640 : i32
      %scan3A_201 = arith.addi %scan3A_199, %scan3A_200 : i32
      %scan3A_202 = arith.constant 1 : i32
      scf.for %scan3A_265 = %scan3A_199 to %scan3A_201 step %scan3A_202  : i32 {
        %jit3A = arith.constant 8 : i32
        %div3A = arith.divsi %scan3A_265, %jit3A : i32
        %sign3A = arith.constant 0 : i32
        %sign3A_266 = arith.cmpi sgt, %scan3A_265, %sign3A : i32
        %sign3A_267 = arith.extui %sign3A_266 : i1 to i32
        %sign3A_268 = arith.constant 0 : i32
        %sign3A_269 = arith.cmpi slt, %scan3A_265, %sign3A_268 : i32
        %sign3A_270 = arith.extui %sign3A_269 : i1 to i32
        %sign3A_271 = arith.subi %sign3A_267, %sign3A_270 : i32
        %sign3A_272 = arith.constant 0 : i32
        %sign3A_273 = arith.cmpi sgt, %jit3A, %sign3A_272 : i32
        %sign3A_274 = arith.extui %sign3A_273 : i1 to i32
        %sign3A_275 = arith.constant 0 : i32
        %sign3A_276 = arith.cmpi slt, %jit3A, %sign3A_275 : i32
        %sign3A_277 = arith.extui %sign3A_276 : i1 to i32
        %sign3A_278 = arith.subi %sign3A_274, %sign3A_277 : i32
        %ne3A = arith.cmpi ne, %sign3A_271, %sign3A_278 : i32
        %rem3A = arith.remsi %scan3A_265, %jit3A : i32
        %ne3A_279 = arith.constant 0 : i32
        %ne3A_280 = arith.cmpi ne, %rem3A, %ne3A_279 : i32
        %and3A = arith.andi %ne3A, %ne3A_280 : i1
        %sub3A = arith.constant 1 : i32
        %sub3A_281 = arith.subi %div3A, %sub3A : i32
        %select_n3A = arith.select %and3A, %sub3A_281, %div3A : i32
        %jit3A_282 = arith.constant 8 : i32
        %eq3A = arith.constant 0 : i32
        %eq3A_283 = arith.cmpi eq, %jit3A_282, %eq3A : i32
        %jit3A_284 = arith.constant 1 : i32
        %select_n3A_285 = arith.select %eq3A_283, %jit3A_284, %jit3A_282 : i32
        %rem3A_286 = arith.remsi %scan3A_265, %select_n3A_285 : i32
        %ne3A_287 = arith.constant 0 : i32
        %ne3A_288 = arith.cmpi ne, %rem3A_286, %ne3A_287 : i32
        %lt3A = arith.constant 0 : i32
        %lt3A_289 = arith.cmpi slt, %rem3A_286, %lt3A : i32
        %lt3A_290 = arith.constant 0 : i32
        %lt3A_291 = arith.cmpi slt, %select_n3A_285, %lt3A_290 : i32
        %ne3A_292 = arith.xori %lt3A_289, %lt3A_291 : i1
        %and3A_293 = arith.andi %ne3A_292, %ne3A_288 : i1
        %add3A_294 = arith.addi %rem3A_286, %select_n3A_285 : i32
        %select_n3A_295 = arith.select %and3A_293, %add3A_294, %rem3A_286 : i32
        %mul3A_296 = arith.constant 16 : i32
        %mul3A_297 = arith.muli %select_n3A_295, %mul3A_296 : i32
        %get3A = arith.index_cast %select_n3A : i32 to index
        %get3A_298 = arith.index_cast %mul3A_297 : i32 to index
        %get3A_299 = tpu.vector_load %arg11[%get3A, %get3A_298] {strides = array<i32>} : memref<80x128xf32, #tpu.memory_space<vmem>>, vector<16xf32>,
        %get3A_300 = arith.index_cast %select_n3A : i32 to index
        %get3A_301 = arith.index_cast %mul3A_297 : i32 to index
        %get3A_302 = tpu.vector_load %arg13[%get3A_300, %get3A_301] {strides = array<i32>} : memref<80x128xf32, #tpu.memory_space<vmem>>, vector<16xf32>,
        %add3A_303 = arith.addf %get3A_299, %get3A_302 : vector<16xf32>
        %swap3A = arith.index_cast %select_n3A : i32 to index
        %swap3A_304 = arith.index_cast %mul3A_297 : i32 to index
        %swap3A_305 = tpu.vector_load %arg11[%swap3A, %swap3A_304] {strides = array<i32>} : memref<80x128xf32, #tpu.memory_space<vmem>>, vector<16xf32>,
        tpu.vector_store %arg11[%swap3A, %swap3A_304], %add3A_303 {strides = array<i32>} : memref<80x128xf32, #tpu.memory_space<vmem>>, vector<16xf32>,
      }
      %scan3A_203 = arith.constant 640 : i32
      %dma_start3A_204 = arith.constant 0 : i32
      %dma_start3A_205 = tpu.memref_slice %arg7[%add3A_165, %dma_start3A_204] : memref<320000x128xf32, #tpu.memory_space<hbm>> -> memref<80x128xf32, #tpu.memory_space<hbm>>
      %dma_start3A_206 = arith.constant 0 : i32
      %dma_start3A_207 = tpu.memref_slice %arg7[%add3A_165, %dma_start3A_206] : memref<320000x128xf32, #tpu.memory_space<hbm>> -> memref<80x128xf32, #tpu.memory_space<hbm>>
      tpu.enqueue_dma source(%arg11 : memref<80x128xf32, #tpu.memory_space<vmem>>) target(%dma_start3A_207 : memref<80x128xf32, #tpu.memory_space<hbm>>) target_semaphore(%arg19 : memref<!tpu.dma_semaphore, #tpu.memory_space<semaphore_mem>>)
      %mul3A_208 = arith.constant 4 : i32
      %mul3A_209 = arith.muli %add3A_165, %mul3A_208 : i32
      %dma_start3A_210 = tpu.memref_slice %arg8[%mul3A_209] : memref<1280000xf32, #tpu.memory_space<hbm>> -> memref<320xf32, #tpu.memory_space<hbm>>
      %dma_start3A_211 = tpu.memref_slice %arg8[%mul3A_209] : memref<1280000xf32, #tpu.memory_space<hbm>> -> memref<320xf32, #tpu.memory_space<hbm>>
      tpu.enqueue_dma source(%arg16 : memref<320xf32, #tpu.memory_space<vmem>>) target(%dma_start3A_211 : memref<320xf32, #tpu.memory_space<hbm>>) target_semaphore(%arg21 : memref<!tpu.dma_semaphore, #tpu.memory_space<semaphore_mem>>)
      %mul3A_212 = arith.constant 2 : i32
      %mul3A_213 = arith.muli %mul3A_212, %scan3A_158 : i32
      %add3A_214 = arith.constant 3 : i32
      %add3A_215 = arith.addi %mul3A_213, %add3A_214 : i32
      %mul3A_216 = arith.constant 80 : i32
      %mul3A_217 = arith.muli %add3A_215, %mul3A_216 : i32
      %add3A_218 = arith.addi %mul3A_2, %mul3A_217 : i32
      %mul3A_219 = arith.constant 80 : i32
      %mul3A_220 = arith.muli %add3A_215, %mul3A_219 : i32
      %dma_wait3A_221 = arith.constant 0 : i32
      %dma_wait3A_222 = arith.constant 0 : i32
      %dma_wait3A_223 = tpu.memref_slice %arg7[%dma_wait3A_221, %dma_wait3A_222] : memref<320000x128xf32, #tpu.memory_space<hbm>> -> memref<80x128xf32, #tpu.memory_space<hbm>>
      %dma_wait3A_224 = arith.constant 0 : i32
      %dma_wait3A_225 = arith.constant 0 : i32
      %dma_wait3A_226 = tpu.memref_slice %arg7[%dma_wait3A_224, %dma_wait3A_225] : memref<320000x128xf32, #tpu.memory_space<hbm>> -> memref<80x128xf32, #tpu.memory_space<hbm>>
      tpu.wait_dma2 semaphore(%arg20 : memref<!tpu.dma_semaphore, #tpu.memory_space<semaphore_mem>>) src(%arg12 : memref<80x128xf32, #tpu.memory_space<vmem>>) dst(%dma_wait3A_226 : memref<80x128xf32, #tpu.memory_space<hbm>>)
      %dma_wait3A_227 = arith.constant 0 : i32
      %dma_wait3A_228 = tpu.memref_slice %arg8[%dma_wait3A_227] : memref<1280000xf32, #tpu.memory_space<hbm>> -> memref<320xf32, #tpu.memory_space<hbm>>
      %dma_wait3A_229 = arith.constant 0 : i32
      %dma_wait3A_230 = tpu.memref_slice %arg8[%dma_wait3A_229] : memref<1280000xf32, #tpu.memory_space<hbm>> -> memref<320xf32, #tpu.memory_space<hbm>>
      tpu.wait_dma2 semaphore(%arg22 : memref<!tpu.dma_semaphore, #tpu.memory_space<semaphore_mem>>) src(%arg17 : memref<320xf32, #tpu.memory_space<vmem>>) dst(%dma_wait3A_230 : memref<320xf32, #tpu.memory_space<hbm>>)
      %dma_start3A_231 = tpu.memref_slice %arg9[%mul3A_220] : memref<10000xi32, #tpu.memory_space<vmem>> -> memref<80xi32, #tpu.memory_space<vmem>>
      %dma_start3A_232 = arith.constant 0 : i32
      %dma_start3A_233 = arith.constant 0 : i32
      %dma_start3A_234 = tpu.memref_slice %arg4[%dma_start3A_232, %dma_start3A_233] : memref<10000x128xf32, #tpu.memory_space<hbm>> -> memref<10000x128xf32, #tpu.memory_space<hbm>>
      tpu.enqueue_indirect_dma source(%dma_start3A_234 : memref<10000x128xf32, #tpu.memory_space<hbm>>) target(%arg12 : memref<80x128xf32, #tpu.memory_space<vmem>>) offsets(%dma_start3A_231 : memref<80xi32, #tpu.memory_space<vmem>>) semaphore(%arg18 : memref<!tpu.dma_semaphore, #tpu.memory_space<semaphore_mem>>)
      %dma_start3A_235 = tpu.memref_slice %arg10[%mul3A_220] : memref<10000xi32, #tpu.memory_space<vmem>> -> memref<80xi32, #tpu.memory_space<vmem>>
      %dma_start3A_236 = arith.constant 0 : i32
      %dma_start3A_237 = arith.constant 0 : i32
      %dma_start3A_238 = tpu.memref_slice %arg5[%dma_start3A_236, %dma_start3A_237] : memref<10000x128xf32, #tpu.memory_space<hbm>> -> memref<10000x128xf32, #tpu.memory_space<hbm>>
      tpu.enqueue_indirect_dma source(%dma_start3A_238 : memref<10000x128xf32, #tpu.memory_space<hbm>>) target(%arg14 : memref<80x128xf32, #tpu.memory_space<vmem>>) offsets(%dma_start3A_235 : memref<80xi32, #tpu.memory_space<vmem>>) semaphore(%arg18 : memref<!tpu.dma_semaphore, #tpu.memory_space<semaphore_mem>>)
      %scan3A_239 = arith.constant 0 : i32
      %scan3A_240 = arith.constant 5 : i32
      %scan3A_241 = arith.addi %scan3A_239, %scan3A_240 : i32
      %scan3A_242 = arith.constant 1 : i32
      scf.for %scan3A_265 = %scan3A_239 to %scan3A_241 step %scan3A_242  : i32 {
        %mul3A_266 = arith.constant 16 : i32
        %mul3A_267 = arith.muli %scan3A_265, %mul3A_266 : i32
        %add3A_268 = arith.addi %mul3A_220, %mul3A_267 : i32
        %get3A = arith.index_cast %add3A_268 : i32 to index
        %get3A_269 = tpu.vector_load %arg9[%get3A] {strides = array<i32>} : memref<10000xi32, #tpu.memory_space<vmem>>, vector<16xi32>,
        %mul3A_270 = arith.constant 16 : i32
        %mul3A_271 = arith.muli %scan3A_265, %mul3A_270 : i32
        %add3A_272 = arith.addi %mul3A_220, %mul3A_271 : i32
        %get3A_273 = arith.index_cast %add3A_272 : i32 to index
        %get3A_274 = tpu.vector_load %arg10[%get3A_273] {strides = array<i32>} : memref<10000xi32, #tpu.memory_space<vmem>>, vector<16xi32>,
        %broadcast_in_dim3A = arith.constant 0.000000e+00 : f32
        %broadcast_in_dim3A_275 = vector.broadcast %broadcast_in_dim3A : f32 to vector<16xf32>
        %mul3A_276 = arith.constant 4 : i32
        %mul3A_277 = vector.broadcast %mul3A_276 : i32 to vector<16xi32>
        %mul3A_278 = arith.muli %get3A_269, %mul3A_277 : vector<16xi32>
        %mul3A_279 = arith.constant 4 : i32
        %mul3A_280 = vector.broadcast %mul3A_279 : i32 to vector<16xi32>
        %mul3A_281 = arith.muli %get3A_274, %mul3A_280 : vector<16xi32>
        %add3A_282 = arith.constant 0 : i32
        %add3A_283 = vector.broadcast %add3A_282 : i32 to vector<16xi32>
        %add3A_284 = arith.addi %mul3A_278, %add3A_283 : vector<16xi32>
        %gather3A = tpu.vector_load_idx %arg15[%add3A_284] : memref<40000xf32, #tpu.memory_space<vmem>>[vector<16xi32>], vector<16xf32>,
        %add3A_285 = arith.constant 0 : i32
        %add3A_286 = vector.broadcast %add3A_285 : i32 to vector<16xi32>
        %add3A_287 = arith.addi %mul3A_281, %add3A_286 : vector<16xi32>
        %gather3A_288 = tpu.vector_load_idx %arg15[%add3A_287] : memref<40000xf32, #tpu.memory_space<vmem>>[vector<16xi32>], vector<16xf32>,
        %sub3A = arith.subf %gather3A, %gather3A_288 : vector<16xf32>
        %mul3A_289 = arith.constant 64 : i32
        %mul3A_290 = arith.muli %scan3A_265, %mul3A_289 : i32
        %add3A_291 = arith.constant 0 : i32
        %add3A_292 = arith.addi %mul3A_290, %add3A_291 : i32
        %add3A_293 = vector.broadcast %add3A_292 : i32 to vector<16xi32>
        %add3A_294 = arith.addi %mul3A_5, %add3A_293 : vector<16xi32>
        tpu.vector_store_idx %arg17[%add3A_294], %sub3A : memref<320xf32, #tpu.memory_space<vmem>>[vector<16xi32>], vector<16xf32>,
        %mul3A_295 = arith.mulf %sub3A, %sub3A : vector<16xf32>
        %add3A_296 = arith.addf %broadcast_in_dim3A_275, %mul3A_295 : vector<16xf32>
        %add3A_297 = arith.constant 1 : i32
        %add3A_298 = vector.broadcast %add3A_297 : i32 to vector<16xi32>
        %add3A_299 = arith.addi %mul3A_278, %add3A_298 : vector<16xi32>
        %gather3A_300 = tpu.vector_load_idx %arg15[%add3A_299] : memref<40000xf32, #tpu.memory_space<vmem>>[vector<16xi32>], vector<16xf32>,
        %add3A_301 = arith.constant 1 : i32
        %add3A_302 = vector.broadcast %add3A_301 : i32 to vector<16xi32>
        %add3A_303 = arith.addi %mul3A_281, %add3A_302 : vector<16xi32>
        %gather3A_304 = tpu.vector_load_idx %arg15[%add3A_303] : memref<40000xf32, #tpu.memory_space<vmem>>[vector<16xi32>], vector<16xf32>,
        %sub3A_305 = arith.subf %gather3A_300, %gather3A_304 : vector<16xf32>
        %mul3A_306 = arith.constant 64 : i32
        %mul3A_307 = arith.muli %scan3A_265, %mul3A_306 : i32
        %add3A_308 = arith.constant 1 : i32
        %add3A_309 = arith.addi %mul3A_307, %add3A_308 : i32
        %add3A_310 = vector.broadcast %add3A_309 : i32 to vector<16xi32>
        %add3A_311 = arith.addi %mul3A_5, %add3A_310 : vector<16xi32>
        tpu.vector_store_idx %arg17[%add3A_311], %sub3A_305 : memref<320xf32, #tpu.memory_space<vmem>>[vector<16xi32>], vector<16xf32>,
        %mul3A_312 = arith.mulf %sub3A_305, %sub3A_305 : vector<16xf32>
        %add3A_313 = arith.addf %add3A_296, %mul3A_312 : vector<16xf32>
        %add3A_314 = arith.constant 2 : i32
        %add3A_315 = vector.broadcast %add3A_314 : i32 to vector<16xi32>
        %add3A_316 = arith.addi %mul3A_278, %add3A_315 : vector<16xi32>
        %gather3A_317 = tpu.vector_load_idx %arg15[%add3A_316] : memref<40000xf32, #tpu.memory_space<vmem>>[vector<16xi32>], vector<16xf32>,
        %add3A_318 = arith.constant 2 : i32
        %add3A_319 = vector.broadcast %add3A_318 : i32 to vector<16xi32>
        %add3A_320 = arith.addi %mul3A_281, %add3A_319 : vector<16xi32>
        %gather3A_321 = tpu.vector_load_idx %arg15[%add3A_320] : memref<40000xf32, #tpu.memory_space<vmem>>[vector<16xi32>], vector<16xf32>,
        %sub3A_322 = arith.subf %gather3A_317, %gather3A_321 : vector<16xf32>
        %mul3A_323 = arith.constant 64 : i32
        %mul3A_324 = arith.muli %scan3A_265, %mul3A_323 : i32
        %add3A_325 = arith.constant 2 : i32
        %add3A_326 = arith.addi %mul3A_324, %add3A_325 : i32
        %add3A_327 = vector.broadcast %add3A_326 : i32 to vector<16xi32>
        %add3A_328 = arith.addi %mul3A_5, %add3A_327 : vector<16xi32>
        tpu.vector_store_idx %arg17[%add3A_328], %sub3A_322 : memref<320xf32, #tpu.memory_space<vmem>>[vector<16xi32>], vector<16xf32>,
        %mul3A_329 = arith.mulf %sub3A_322, %sub3A_322 : vector<16xf32>
        %add3A_330 = arith.addf %add3A_313, %mul3A_329 : vector<16xf32>
        %mul3A_331 = arith.constant 64 : i32
        %mul3A_332 = arith.muli %scan3A_265, %mul3A_331 : i32
        %add3A_333 = arith.constant 3 : i32
        %add3A_334 = arith.addi %mul3A_332, %add3A_333 : i32
        %add3A_335 = vector.broadcast %add3A_334 : i32 to vector<16xi32>
        %add3A_336 = arith.addi %mul3A_5, %add3A_335 : vector<16xi32>
        tpu.vector_store_idx %arg17[%add3A_336], %add3A_330 : memref<320xf32, #tpu.memory_space<vmem>>[vector<16xi32>], vector<16xf32>,
      }
      %scan3A_243 = arith.constant 5 : i32
      %dma_wait3A_244 = tpu.memref_slice %arg9[%mul3A_220] : memref<10000xi32, #tpu.memory_space<vmem>> -> memref<80xi32, #tpu.memory_space<vmem>>
      %dma_wait3A_245 = arith.constant 0 : i32
      %dma_wait3A_246 = arith.constant 0 : i32
      %dma_wait3A_247 = tpu.memref_slice %arg4[%dma_wait3A_245, %dma_wait3A_246] : memref<10000x128xf32, #tpu.memory_space<hbm>> -> memref<10000x128xf32, #tpu.memory_space<hbm>>
      tpu.wait_indirect_dma semaphore(%arg18 : memref<!tpu.dma_semaphore, #tpu.memory_space<semaphore_mem>>) src(%dma_wait3A_247 : memref<10000x128xf32, #tpu.memory_space<hbm>>) dst(%arg12 : memref<80x128xf32, #tpu.memory_space<vmem>>)
      %dma_wait3A_248 = tpu.memref_slice %arg10[%mul3A_220] : memref<10000xi32, #tpu.memory_space<vmem>> -> memref<80xi32, #tpu.memory_space<vmem>>
      %dma_wait3A_249 = arith.constant 0 : i32
      %dma_wait3A_250 = arith.constant 0 : i32
      %dma_wait3A_251 = tpu.memref_slice %arg5[%dma_wait3A_249, %dma_wait3A_250] : memref<10000x128xf32, #tpu.memory_space<hbm>> -> memref<10000x128xf32, #tpu.memory_space<hbm>>
      tpu.wait_indirect_dma semaphore(%arg18 : memref<!tpu.dma_semaphore, #tpu.memory_space<semaphore_mem>>) src(%dma_wait3A_251 : memref<10000x128xf32, #tpu.memory_space<hbm>>) dst(%arg14 : memref<80x128xf32, #tpu.memory_space<vmem>>)
      %scan3A_252 = arith.constant 0 : i32
      %scan3A_253 = arith.constant 640 : i32
      %scan3A_254 = arith.addi %scan3A_252, %scan3A_253 : i32
      %scan3A_255 = arith.constant 1 : i32
      scf.for %scan3A_265 = %scan3A_252 to %scan3A_254 step %scan3A_255  : i32 {
        %jit3A = arith.constant 8 : i32
        %div3A = arith.divsi %scan3A_265, %jit3A : i32
        %sign3A = arith.constant 0 : i32
        %sign3A_266 = arith.cmpi sgt, %scan3A_265, %sign3A : i32
        %sign3A_267 = arith.extui %sign3A_266 : i1 to i32
        %sign3A_268 = arith.constant 0 : i32
        %sign3A_269 = arith.cmpi slt, %scan3A_265, %sign3A_268 : i32
        %sign3A_270 = arith.extui %sign3A_269 : i1 to i32
        %sign3A_271 = arith.subi %sign3A_267, %sign3A_270 : i32
        %sign3A_272 = arith.constant 0 : i32
        %sign3A_273 = arith.cmpi sgt, %jit3A, %sign3A_272 : i32
        %sign3A_274 = arith.extui %sign3A_273 : i1 to i32
        %sign3A_275 = arith.constant 0 : i32
        %sign3A_276 = arith.cmpi slt, %jit3A, %sign3A_275 : i32
        %sign3A_277 = arith.extui %sign3A_276 : i1 to i32
        %sign3A_278 = arith.subi %sign3A_274, %sign3A_277 : i32
        %ne3A = arith.cmpi ne, %sign3A_271, %sign3A_278 : i32
        %rem3A = arith.remsi %scan3A_265, %jit3A : i32
        %ne3A_279 = arith.constant 0 : i32
        %ne3A_280 = arith.cmpi ne, %rem3A, %ne3A_279 : i32
        %and3A = arith.andi %ne3A, %ne3A_280 : i1
        %sub3A = arith.constant 1 : i32
        %sub3A_281 = arith.subi %div3A, %sub3A : i32
        %select_n3A = arith.select %and3A, %sub3A_281, %div3A : i32
        %jit3A_282 = arith.constant 8 : i32
        %eq3A = arith.constant 0 : i32
        %eq3A_283 = arith.cmpi eq, %jit3A_282, %eq3A : i32
        %jit3A_284 = arith.constant 1 : i32
        %select_n3A_285 = arith.select %eq3A_283, %jit3A_284, %jit3A_282 : i32
        %rem3A_286 = arith.remsi %scan3A_265, %select_n3A_285 : i32
        %ne3A_287 = arith.constant 0 : i32
        %ne3A_288 = arith.cmpi ne, %rem3A_286, %ne3A_287 : i32
        %lt3A = arith.constant 0 : i32
        %lt3A_289 = arith.cmpi slt, %rem3A_286, %lt3A : i32
        %lt3A_290 = arith.constant 0 : i32
        %lt3A_291 = arith.cmpi slt, %select_n3A_285, %lt3A_290 : i32
        %ne3A_292 = arith.xori %lt3A_289, %lt3A_291 : i1
        %and3A_293 = arith.andi %ne3A_292, %ne3A_288 : i1
        %add3A_294 = arith.addi %rem3A_286, %select_n3A_285 : i32
        %select_n3A_295 = arith.select %and3A_293, %add3A_294, %rem3A_286 : i32
        %mul3A_296 = arith.constant 16 : i32
        %mul3A_297 = arith.muli %select_n3A_295, %mul3A_296 : i32
        %get3A = arith.index_cast %select_n3A : i32 to index
        %get3A_298 = arith.index_cast %mul3A_297 : i32 to index
        %get3A_299 = tpu.vector_load %arg12[%get3A, %get3A_298] {strides = array<i32>} : memref<80x128xf32, #tpu.memory_space<vmem>>, vector<16xf32>,
        %get3A_300 = arith.index_cast %select_n3A : i32 to index
        %get3A_301 = arith.index_cast %mul3A_297 : i32 to index
        %get3A_302 = tpu.vector_load %arg14[%get3A_300, %get3A_301] {strides = array<i32>} : memref<80x128xf32, #tpu.memory_space<vmem>>, vector<16xf32>,
        %add3A_303 = arith.addf %get3A_299, %get3A_302 : vector<16xf32>
        %swap3A = arith.index_cast %select_n3A : i32 to index
        %swap3A_304 = arith.index_cast %mul3A_297 : i32 to index
        %swap3A_305 = tpu.vector_load %arg12[%swap3A, %swap3A_304] {strides = array<i32>} : memref<80x128xf32, #tpu.memory_space<vmem>>, vector<16xf32>,
        tpu.vector_store %arg12[%swap3A, %swap3A_304], %add3A_303 {strides = array<i32>} : memref<80x128xf32, #tpu.memory_space<vmem>>, vector<16xf32>,
      }
      %scan3A_256 = arith.constant 640 : i32
      %dma_start3A_257 = arith.constant 0 : i32
      %dma_start3A_258 = tpu.memref_slice %arg7[%add3A_218, %dma_start3A_257] : memref<320000x128xf32, #tpu.memory_space<hbm>> -> memref<80x128xf32, #tpu.memory_space<hbm>>
      %dma_start3A_259 = arith.constant 0 : i32
      %dma_start3A_260 = tpu.memref_slice %arg7[%add3A_218, %dma_start3A_259] : memref<320000x128xf32, #tpu.memory_space<hbm>> -> memref<80x128xf32, #tpu.memory_space<hbm>>
      tpu.enqueue_dma source(%arg12 : memref<80x128xf32, #tpu.memory_space<vmem>>) target(%dma_start3A_260 : memref<80x128xf32, #tpu.memory_space<hbm>>) target_semaphore(%arg20 : memref<!tpu.dma_semaphore, #tpu.memory_space<semaphore_mem>>)
      %mul3A_261 = arith.constant 4 : i32
      %mul3A_262 = arith.muli %add3A_218, %mul3A_261 : i32
      %dma_start3A_263 = tpu.memref_slice %arg8[%mul3A_262] : memref<1280000xf32, #tpu.memory_space<hbm>> -> memref<320xf32, #tpu.memory_space<hbm>>
      %dma_start3A_264 = tpu.memref_slice %arg8[%mul3A_262] : memref<1280000xf32, #tpu.memory_space<hbm>> -> memref<320xf32, #tpu.memory_space<hbm>>
      tpu.enqueue_dma source(%arg17 : memref<320xf32, #tpu.memory_space<vmem>>) target(%dma_start3A_264 : memref<320xf32, #tpu.memory_space<hbm>>) target_semaphore(%arg22 : memref<!tpu.dma_semaphore, #tpu.memory_space<semaphore_mem>>)
    }
    %scan3A_87 = arith.constant 61 : i32
    %add3A_88 = arith.constant 9920 : i32
    %add3A_89 = arith.addi %mul3A_2, %add3A_88 : i32
    %dma_wait3A_90 = arith.constant 0 : i32
    %dma_wait3A_91 = arith.constant 0 : i32
    %dma_wait3A_92 = tpu.memref_slice %arg7[%dma_wait3A_90, %dma_wait3A_91] : memref<320000x128xf32, #tpu.memory_space<hbm>> -> memref<80x128xf32, #tpu.memory_space<hbm>>
    %dma_wait3A_93 = arith.constant 0 : i32
    %dma_wait3A_94 = arith.constant 0 : i32
    %dma_wait3A_95 = tpu.memref_slice %arg7[%dma_wait3A_93, %dma_wait3A_94] : memref<320000x128xf32, #tpu.memory_space<hbm>> -> memref<80x128xf32, #tpu.memory_space<hbm>>
    tpu.wait_dma2 semaphore(%arg19 : memref<!tpu.dma_semaphore, #tpu.memory_space<semaphore_mem>>) src(%arg11 : memref<80x128xf32, #tpu.memory_space<vmem>>) dst(%dma_wait3A_95 : memref<80x128xf32, #tpu.memory_space<hbm>>)
    %dma_wait3A_96 = arith.constant 0 : i32
    %dma_wait3A_97 = tpu.memref_slice %arg8[%dma_wait3A_96] : memref<1280000xf32, #tpu.memory_space<hbm>> -> memref<320xf32, #tpu.memory_space<hbm>>
    %dma_wait3A_98 = arith.constant 0 : i32
    %dma_wait3A_99 = tpu.memref_slice %arg8[%dma_wait3A_98] : memref<1280000xf32, #tpu.memory_space<hbm>> -> memref<320xf32, #tpu.memory_space<hbm>>
    tpu.wait_dma2 semaphore(%arg21 : memref<!tpu.dma_semaphore, #tpu.memory_space<semaphore_mem>>) src(%arg16 : memref<320xf32, #tpu.memory_space<vmem>>) dst(%dma_wait3A_99 : memref<320xf32, #tpu.memory_space<hbm>>)
    %dma_start3A_100 = arith.constant 9920 : i32
    %dma_start3A_101 = tpu.memref_slice %arg9[%dma_start3A_100] : memref<10000xi32, #tpu.memory_space<vmem>> -> memref<80xi32, #tpu.memory_space<vmem>>
    %dma_start3A_102 = arith.constant 0 : i32
    %dma_start3A_103 = arith.constant 0 : i32
    %dma_start3A_104 = tpu.memref_slice %arg4[%dma_start3A_102, %dma_start3A_103] : memref<10000x128xf32, #tpu.memory_space<hbm>> -> memref<10000x128xf32, #tpu.memory_space<hbm>>
    tpu.enqueue_indirect_dma source(%dma_start3A_104 : memref<10000x128xf32, #tpu.memory_space<hbm>>) target(%arg11 : memref<80x128xf32, #tpu.memory_space<vmem>>) offsets(%dma_start3A_101 : memref<80xi32, #tpu.memory_space<vmem>>) semaphore(%arg18 : memref<!tpu.dma_semaphore, #tpu.memory_space<semaphore_mem>>)
    %dma_start3A_105 = arith.constant 9920 : i32
    %dma_start3A_106 = tpu.memref_slice %arg10[%dma_start3A_105] : memref<10000xi32, #tpu.memory_space<vmem>> -> memref<80xi32, #tpu.memory_space<vmem>>
    %dma_start3A_107 = arith.constant 0 : i32
    %dma_start3A_108 = arith.constant 0 : i32
    %dma_start3A_109 = tpu.memref_slice %arg5[%dma_start3A_107, %dma_start3A_108] : memref<10000x128xf32, #tpu.memory_space<hbm>> -> memref<10000x128xf32, #tpu.memory_space<hbm>>
    tpu.enqueue_indirect_dma source(%dma_start3A_109 : memref<10000x128xf32, #tpu.memory_space<hbm>>) target(%arg13 : memref<80x128xf32, #tpu.memory_space<vmem>>) offsets(%dma_start3A_106 : memref<80xi32, #tpu.memory_space<vmem>>) semaphore(%arg18 : memref<!tpu.dma_semaphore, #tpu.memory_space<semaphore_mem>>)
    %scan3A_110 = arith.constant 0 : i32
    %scan3A_111 = arith.constant 5 : i32
    %scan3A_112 = arith.addi %scan3A_110, %scan3A_111 : i32
    %scan3A_113 = arith.constant 1 : i32
    scf.for %scan3A_158 = %scan3A_110 to %scan3A_112 step %scan3A_113  : i32 {
      %mul3A_159 = arith.constant 16 : i32
      %mul3A_160 = arith.muli %scan3A_158, %mul3A_159 : i32
      %add3A_161 = arith.constant 9920 : i32
      %add3A_162 = arith.addi %add3A_161, %mul3A_160 : i32
      %get3A = arith.index_cast %add3A_162 : i32 to index
      %get3A_163 = tpu.vector_load %arg9[%get3A] {strides = array<i32>} : memref<10000xi32, #tpu.memory_space<vmem>>, vector<16xi32>,
      %mul3A_164 = arith.constant 16 : i32
      %mul3A_165 = arith.muli %scan3A_158, %mul3A_164 : i32
      %add3A_166 = arith.constant 9920 : i32
      %add3A_167 = arith.addi %add3A_166, %mul3A_165 : i32
      %get3A_168 = arith.index_cast %add3A_167 : i32 to index
      %get3A_169 = tpu.vector_load %arg10[%get3A_168] {strides = array<i32>} : memref<10000xi32, #tpu.memory_space<vmem>>, vector<16xi32>,
      %broadcast_in_dim3A = arith.constant 0.000000e+00 : f32
      %broadcast_in_dim3A_170 = vector.broadcast %broadcast_in_dim3A : f32 to vector<16xf32>
      %mul3A_171 = arith.constant 4 : i32
      %mul3A_172 = vector.broadcast %mul3A_171 : i32 to vector<16xi32>
      %mul3A_173 = arith.muli %get3A_163, %mul3A_172 : vector<16xi32>
      %mul3A_174 = arith.constant 4 : i32
      %mul3A_175 = vector.broadcast %mul3A_174 : i32 to vector<16xi32>
      %mul3A_176 = arith.muli %get3A_169, %mul3A_175 : vector<16xi32>
      %add3A_177 = arith.constant 0 : i32
      %add3A_178 = vector.broadcast %add3A_177 : i32 to vector<16xi32>
      %add3A_179 = arith.addi %mul3A_173, %add3A_178 : vector<16xi32>
      %gather3A = tpu.vector_load_idx %arg15[%add3A_179] : memref<40000xf32, #tpu.memory_space<vmem>>[vector<16xi32>], vector<16xf32>,
      %add3A_180 = arith.constant 0 : i32
      %add3A_181 = vector.broadcast %add3A_180 : i32 to vector<16xi32>
      %add3A_182 = arith.addi %mul3A_176, %add3A_181 : vector<16xi32>
      %gather3A_183 = tpu.vector_load_idx %arg15[%add3A_182] : memref<40000xf32, #tpu.memory_space<vmem>>[vector<16xi32>], vector<16xf32>,
      %sub3A = arith.subf %gather3A, %gather3A_183 : vector<16xf32>
      %mul3A_184 = arith.constant 64 : i32
      %mul3A_185 = arith.muli %scan3A_158, %mul3A_184 : i32
      %add3A_186 = arith.constant 0 : i32
      %add3A_187 = arith.addi %mul3A_185, %add3A_186 : i32
      %add3A_188 = vector.broadcast %add3A_187 : i32 to vector<16xi32>
      %add3A_189 = arith.addi %mul3A_5, %add3A_188 : vector<16xi32>
      tpu.vector_store_idx %arg16[%add3A_189], %sub3A : memref<320xf32, #tpu.memory_space<vmem>>[vector<16xi32>], vector<16xf32>,
      %mul3A_190 = arith.mulf %sub3A, %sub3A : vector<16xf32>
      %add3A_191 = arith.addf %broadcast_in_dim3A_170, %mul3A_190 : vector<16xf32>
      %add3A_192 = arith.constant 1 : i32
      %add3A_193 = vector.broadcast %add3A_192 : i32 to vector<16xi32>
      %add3A_194 = arith.addi %mul3A_173, %add3A_193 : vector<16xi32>
      %gather3A_195 = tpu.vector_load_idx %arg15[%add3A_194] : memref<40000xf32, #tpu.memory_space<vmem>>[vector<16xi32>], vector<16xf32>,
      %add3A_196 = arith.constant 1 : i32
      %add3A_197 = vector.broadcast %add3A_196 : i32 to vector<16xi32>
      %add3A_198 = arith.addi %mul3A_176, %add3A_197 : vector<16xi32>
      %gather3A_199 = tpu.vector_load_idx %arg15[%add3A_198] : memref<40000xf32, #tpu.memory_space<vmem>>[vector<16xi32>], vector<16xf32>,
      %sub3A_200 = arith.subf %gather3A_195, %gather3A_199 : vector<16xf32>
      %mul3A_201 = arith.constant 64 : i32
      %mul3A_202 = arith.muli %scan3A_158, %mul3A_201 : i32
      %add3A_203 = arith.constant 1 : i32
      %add3A_204 = arith.addi %mul3A_202, %add3A_203 : i32
      %add3A_205 = vector.broadcast %add3A_204 : i32 to vector<16xi32>
      %add3A_206 = arith.addi %mul3A_5, %add3A_205 : vector<16xi32>
      tpu.vector_store_idx %arg16[%add3A_206], %sub3A_200 : memref<320xf32, #tpu.memory_space<vmem>>[vector<16xi32>], vector<16xf32>,
      %mul3A_207 = arith.mulf %sub3A_200, %sub3A_200 : vector<16xf32>
      %add3A_208 = arith.addf %add3A_191, %mul3A_207 : vector<16xf32>
      %add3A_209 = arith.constant 2 : i32
      %add3A_210 = vector.broadcast %add3A_209 : i32 to vector<16xi32>
      %add3A_211 = arith.addi %mul3A_173, %add3A_210 : vector<16xi32>
      %gather3A_212 = tpu.vector_load_idx %arg15[%add3A_211] : memref<40000xf32, #tpu.memory_space<vmem>>[vector<16xi32>], vector<16xf32>,
      %add3A_213 = arith.constant 2 : i32
      %add3A_214 = vector.broadcast %add3A_213 : i32 to vector<16xi32>
      %add3A_215 = arith.addi %mul3A_176, %add3A_214 : vector<16xi32>
      %gather3A_216 = tpu.vector_load_idx %arg15[%add3A_215] : memref<40000xf32, #tpu.memory_space<vmem>>[vector<16xi32>], vector<16xf32>,
      %sub3A_217 = arith.subf %gather3A_212, %gather3A_216 : vector<16xf32>
      %mul3A_218 = arith.constant 64 : i32
      %mul3A_219 = arith.muli %scan3A_158, %mul3A_218 : i32
      %add3A_220 = arith.constant 2 : i32
      %add3A_221 = arith.addi %mul3A_219, %add3A_220 : i32
      %add3A_222 = vector.broadcast %add3A_221 : i32 to vector<16xi32>
      %add3A_223 = arith.addi %mul3A_5, %add3A_222 : vector<16xi32>
      tpu.vector_store_idx %arg16[%add3A_223], %sub3A_217 : memref<320xf32, #tpu.memory_space<vmem>>[vector<16xi32>], vector<16xf32>,
      %mul3A_224 = arith.mulf %sub3A_217, %sub3A_217 : vector<16xf32>
      %add3A_225 = arith.addf %add3A_208, %mul3A_224 : vector<16xf32>
      %mul3A_226 = arith.constant 64 : i32
      %mul3A_227 = arith.muli %scan3A_158, %mul3A_226 : i32
      %add3A_228 = arith.constant 3 : i32
      %add3A_229 = arith.addi %mul3A_227, %add3A_228 : i32
      %add3A_230 = vector.broadcast %add3A_229 : i32 to vector<16xi32>
      %add3A_231 = arith.addi %mul3A_5, %add3A_230 : vector<16xi32>
      tpu.vector_store_idx %arg16[%add3A_231], %add3A_225 : memref<320xf32, #tpu.memory_space<vmem>>[vector<16xi32>], vector<16xf32>,
    }
    %scan3A_114 = arith.constant 5 : i32
    %dma_wait3A_115 = arith.constant 9920 : i32
    %dma_wait3A_116 = tpu.memref_slice %arg9[%dma_wait3A_115] : memref<10000xi32, #tpu.memory_space<vmem>> -> memref<80xi32, #tpu.memory_space<vmem>>
    %dma_wait3A_117 = arith.constant 0 : i32
    %dma_wait3A_118 = arith.constant 0 : i32
    %dma_wait3A_119 = tpu.memref_slice %arg4[%dma_wait3A_117, %dma_wait3A_118] : memref<10000x128xf32, #tpu.memory_space<hbm>> -> memref<10000x128xf32, #tpu.memory_space<hbm>>
    tpu.wait_indirect_dma semaphore(%arg18 : memref<!tpu.dma_semaphore, #tpu.memory_space<semaphore_mem>>) src(%dma_wait3A_119 : memref<10000x128xf32, #tpu.memory_space<hbm>>) dst(%arg11 : memref<80x128xf32, #tpu.memory_space<vmem>>)
    %dma_wait3A_120 = arith.constant 9920 : i32
    %dma_wait3A_121 = tpu.memref_slice %arg10[%dma_wait3A_120] : memref<10000xi32, #tpu.memory_space<vmem>> -> memref<80xi32, #tpu.memory_space<vmem>>
    %dma_wait3A_122 = arith.constant 0 : i32
    %dma_wait3A_123 = arith.constant 0 : i32
    %dma_wait3A_124 = tpu.memref_slice %arg5[%dma_wait3A_122, %dma_wait3A_123] : memref<10000x128xf32, #tpu.memory_space<hbm>> -> memref<10000x128xf32, #tpu.memory_space<hbm>>
    tpu.wait_indirect_dma semaphore(%arg18 : memref<!tpu.dma_semaphore, #tpu.memory_space<semaphore_mem>>) src(%dma_wait3A_124 : memref<10000x128xf32, #tpu.memory_space<hbm>>) dst(%arg13 : memref<80x128xf32, #tpu.memory_space<vmem>>)
    %scan3A_125 = arith.constant 0 : i32
    %scan3A_126 = arith.constant 640 : i32
    %scan3A_127 = arith.addi %scan3A_125, %scan3A_126 : i32
    %scan3A_128 = arith.constant 1 : i32
    scf.for %scan3A_158 = %scan3A_125 to %scan3A_127 step %scan3A_128  : i32 {
      %jit3A = arith.constant 8 : i32
      %div3A = arith.divsi %scan3A_158, %jit3A : i32
      %sign3A = arith.constant 0 : i32
      %sign3A_159 = arith.cmpi sgt, %scan3A_158, %sign3A : i32
      %sign3A_160 = arith.extui %sign3A_159 : i1 to i32
      %sign3A_161 = arith.constant 0 : i32
      %sign3A_162 = arith.cmpi slt, %scan3A_158, %sign3A_161 : i32
      %sign3A_163 = arith.extui %sign3A_162 : i1 to i32
      %sign3A_164 = arith.subi %sign3A_160, %sign3A_163 : i32
      %sign3A_165 = arith.constant 0 : i32
      %sign3A_166 = arith.cmpi sgt, %jit3A, %sign3A_165 : i32
      %sign3A_167 = arith.extui %sign3A_166 : i1 to i32
      %sign3A_168 = arith.constant 0 : i32
      %sign3A_169 = arith.cmpi slt, %jit3A, %sign3A_168 : i32
      %sign3A_170 = arith.extui %sign3A_169 : i1 to i32
      %sign3A_171 = arith.subi %sign3A_167, %sign3A_170 : i32
      %ne3A = arith.cmpi ne, %sign3A_164, %sign3A_171 : i32
      %rem3A = arith.remsi %scan3A_158, %jit3A : i32
      %ne3A_172 = arith.constant 0 : i32
      %ne3A_173 = arith.cmpi ne, %rem3A, %ne3A_172 : i32
      %and3A = arith.andi %ne3A, %ne3A_173 : i1
      %sub3A = arith.constant 1 : i32
      %sub3A_174 = arith.subi %div3A, %sub3A : i32
      %select_n3A = arith.select %and3A, %sub3A_174, %div3A : i32
      %jit3A_175 = arith.constant 8 : i32
      %eq3A = arith.constant 0 : i32
      %eq3A_176 = arith.cmpi eq, %jit3A_175, %eq3A : i32
      %jit3A_177 = arith.constant 1 : i32
      %select_n3A_178 = arith.select %eq3A_176, %jit3A_177, %jit3A_175 : i32
      %rem3A_179 = arith.remsi %scan3A_158, %select_n3A_178 : i32
      %ne3A_180 = arith.constant 0 : i32
      %ne3A_181 = arith.cmpi ne, %rem3A_179, %ne3A_180 : i32
      %lt3A = arith.constant 0 : i32
      %lt3A_182 = arith.cmpi slt, %rem3A_179, %lt3A : i32
      %lt3A_183 = arith.constant 0 : i32
      %lt3A_184 = arith.cmpi slt, %select_n3A_178, %lt3A_183 : i32
      %ne3A_185 = arith.xori %lt3A_182, %lt3A_184 : i1
      %and3A_186 = arith.andi %ne3A_185, %ne3A_181 : i1
      %add3A_187 = arith.addi %rem3A_179, %select_n3A_178 : i32
      %select_n3A_188 = arith.select %and3A_186, %add3A_187, %rem3A_179 : i32
      %mul3A_189 = arith.constant 16 : i32
      %mul3A_190 = arith.muli %select_n3A_188, %mul3A_189 : i32
      %get3A = arith.index_cast %select_n3A : i32 to index
      %get3A_191 = arith.index_cast %mul3A_190 : i32 to index
      %get3A_192 = tpu.vector_load %arg11[%get3A, %get3A_191] {strides = array<i32>} : memref<80x128xf32, #tpu.memory_space<vmem>>, vector<16xf32>,
      %get3A_193 = arith.index_cast %select_n3A : i32 to index
      %get3A_194 = arith.index_cast %mul3A_190 : i32 to index
      %get3A_195 = tpu.vector_load %arg13[%get3A_193, %get3A_194] {strides = array<i32>} : memref<80x128xf32, #tpu.memory_space<vmem>>, vector<16xf32>,
      %add3A_196 = arith.addf %get3A_192, %get3A_195 : vector<16xf32>
      %swap3A = arith.index_cast %select_n3A : i32 to index
      %swap3A_197 = arith.index_cast %mul3A_190 : i32 to index
      %swap3A_198 = tpu.vector_load %arg11[%swap3A, %swap3A_197] {strides = array<i32>} : memref<80x128xf32, #tpu.memory_space<vmem>>, vector<16xf32>,
      tpu.vector_store %arg11[%swap3A, %swap3A_197], %add3A_196 {strides = array<i32>} : memref<80x128xf32, #tpu.memory_space<vmem>>, vector<16xf32>,
    }
    %scan3A_129 = arith.constant 640 : i32
    %dma_start3A_130 = arith.constant 0 : i32
    %dma_start3A_131 = tpu.memref_slice %arg7[%add3A_89, %dma_start3A_130] : memref<320000x128xf32, #tpu.memory_space<hbm>> -> memref<80x128xf32, #tpu.memory_space<hbm>>
    %dma_start3A_132 = arith.constant 0 : i32
    %dma_start3A_133 = tpu.memref_slice %arg7[%add3A_89, %dma_start3A_132] : memref<320000x128xf32, #tpu.memory_space<hbm>> -> memref<80x128xf32, #tpu.memory_space<hbm>>
    tpu.enqueue_dma source(%arg11 : memref<80x128xf32, #tpu.memory_space<vmem>>) target(%dma_start3A_133 : memref<80x128xf32, #tpu.memory_space<hbm>>) target_semaphore(%arg19 : memref<!tpu.dma_semaphore, #tpu.memory_space<semaphore_mem>>)
    %mul3A_134 = arith.constant 4 : i32
    %mul3A_135 = arith.muli %add3A_89, %mul3A_134 : i32
    %dma_start3A_136 = tpu.memref_slice %arg8[%mul3A_135] : memref<1280000xf32, #tpu.memory_space<hbm>> -> memref<320xf32, #tpu.memory_space<hbm>>
    %dma_start3A_137 = tpu.memref_slice %arg8[%mul3A_135] : memref<1280000xf32, #tpu.memory_space<hbm>> -> memref<320xf32, #tpu.memory_space<hbm>>
    tpu.enqueue_dma source(%arg16 : memref<320xf32, #tpu.memory_space<vmem>>) target(%dma_start3A_137 : memref<320xf32, #tpu.memory_space<hbm>>) target_semaphore(%arg21 : memref<!tpu.dma_semaphore, #tpu.memory_space<semaphore_mem>>)
    %dma_wait3A_138 = arith.constant 0 : i32
    %dma_wait3A_139 = arith.constant 0 : i32
    %dma_wait3A_140 = tpu.memref_slice %arg7[%dma_wait3A_138, %dma_wait3A_139] : memref<320000x128xf32, #tpu.memory_space<hbm>> -> memref<80x128xf32, #tpu.memory_space<hbm>>
    %dma_wait3A_141 = arith.constant 0 : i32
    %dma_wait3A_142 = arith.constant 0 : i32
    %dma_wait3A_143 = tpu.memref_slice %arg7[%dma_wait3A_141, %dma_wait3A_142] : memref<320000x128xf32, #tpu.memory_space<hbm>> -> memref<80x128xf32, #tpu.memory_space<hbm>>
    tpu.wait_dma2 semaphore(%arg19 : memref<!tpu.dma_semaphore, #tpu.memory_space<semaphore_mem>>) src(%arg11 : memref<80x128xf32, #tpu.memory_space<vmem>>) dst(%dma_wait3A_143 : memref<80x128xf32, #tpu.memory_space<hbm>>)
    %dma_wait3A_144 = arith.constant 0 : i32
    %dma_wait3A_145 = tpu.memref_slice %arg8[%dma_wait3A_144] : memref<1280000xf32, #tpu.memory_space<hbm>> -> memref<320xf32, #tpu.memory_space<hbm>>
    %dma_wait3A_146 = arith.constant 0 : i32
    %dma_wait3A_147 = tpu.memref_slice %arg8[%dma_wait3A_146] : memref<1280000xf32, #tpu.memory_space<hbm>> -> memref<320xf32, #tpu.memory_space<hbm>>
    tpu.wait_dma2 semaphore(%arg21 : memref<!tpu.dma_semaphore, #tpu.memory_space<semaphore_mem>>) src(%arg16 : memref<320xf32, #tpu.memory_space<vmem>>) dst(%dma_wait3A_147 : memref<320xf32, #tpu.memory_space<hbm>>)
    %dma_wait3A_148 = arith.constant 0 : i32
    %dma_wait3A_149 = arith.constant 0 : i32
    %dma_wait3A_150 = tpu.memref_slice %arg7[%dma_wait3A_148, %dma_wait3A_149] : memref<320000x128xf32, #tpu.memory_space<hbm>> -> memref<80x128xf32, #tpu.memory_space<hbm>>
    %dma_wait3A_151 = arith.constant 0 : i32
    %dma_wait3A_152 = arith.constant 0 : i32
    %dma_wait3A_153 = tpu.memref_slice %arg7[%dma_wait3A_151, %dma_wait3A_152] : memref<320000x128xf32, #tpu.memory_space<hbm>> -> memref<80x128xf32, #tpu.memory_space<hbm>>
    tpu.wait_dma2 semaphore(%arg20 : memref<!tpu.dma_semaphore, #tpu.memory_space<semaphore_mem>>) src(%arg12 : memref<80x128xf32, #tpu.memory_space<vmem>>) dst(%dma_wait3A_153 : memref<80x128xf32, #tpu.memory_space<hbm>>)
    %dma_wait3A_154 = arith.constant 0 : i32
    %dma_wait3A_155 = tpu.memref_slice %arg8[%dma_wait3A_154] : memref<1280000xf32, #tpu.memory_space<hbm>> -> memref<320xf32, #tpu.memory_space<hbm>>
    %dma_wait3A_156 = arith.constant 0 : i32
    %dma_wait3A_157 = tpu.memref_slice %arg8[%dma_wait3A_156] : memref<1280000xf32, #tpu.memory_space<hbm>> -> memref<320xf32, #tpu.memory_space<hbm>>
    tpu.wait_dma2 semaphore(%arg22 : memref<!tpu.dma_semaphore, #tpu.memory_space<semaphore_mem>>) src(%arg17 : memref<320xf32, #tpu.memory_space<vmem>>) dst(%dma_wait3A_157 : memref<320xf32, #tpu.memory_space<hbm>>)
    return
  }
}

module attributes {stable_mosaic.version = 14 : i64} {
  func.func @_pq_body(%arg0: i32, %arg1: memref<1000x128xf32, #tpu.memory_space<vmem>>, %arg2: memref<128x128xf32, #tpu.memory_space<vmem>>, %arg3: memref<128x128xf32, #tpu.memory_space<vmem>>, %arg4: memref<1x128xf32, #tpu.memory_space<vmem>>, %arg5: memref<1000x128xf32, #tpu.memory_space<vmem>>, %arg6: memref<1000x128xf32, #tpu.memory_space<vmem>>) attributes {dimension_semantics = [#tpu.dimension_semantics<arbitrary>], iteration_bounds = array<i64: 10>, scalar_prefetch = 0 : i64, scratch_operands = 0 : i64, tpu.core_type = #tpu.core_type<tc>, window_params = [{transform_indices = @transform_0, window_bounds = array<i64: 1000, 128>}, {pipeline_mode = #tpu.pipeline_mode<synchronous>, transform_indices = @transform_1, window_bounds = array<i64: 128, 128>}, {pipeline_mode = #tpu.pipeline_mode<synchronous>, transform_indices = @transform_2, window_bounds = array<i64: 128, 128>}, {pipeline_mode = #tpu.pipeline_mode<synchronous>, transform_indices = @transform_3, window_bounds = array<i64: 1, 128>}, {transform_indices = @transform_4, window_bounds = array<i64: 1000, 128>}, {transform_indices = @transform_5, window_bounds = array<i64: 1000, 128>}]} {
    %get3A = arith.constant 0 : index
    %get3A_0 = arith.constant 0 : index
    %get3A_1 = vector.load %arg1[%get3A, %get3A_0] : memref<1000x128xf32, #tpu.memory_space<vmem>>, vector<1000x128xf32>
    %get3A_2 = arith.constant 0 : index
    %get3A_3 = arith.constant 0 : index
    %get3A_4 = vector.load %arg2[%get3A_2, %get3A_3] : memref<128x128xf32, #tpu.memory_space<vmem>>, vector<128x128xf32>
    %dot_general3A = arith.constant dense<0.000000e+00> : vector<1000x128xf32>
    %dot_general3A_5 = tpu.matmul %get3A_1, %get3A_4, %dot_general3A {dimension_numbers = #tpu.dot_dimension_numbers<[1], [0], [0], [1], [0, 0, 1, 1], [], []>, transpose_lhs_hint = false} : vector<1000x128xf32>, vector<128x128xf32>, vector<1000x128xf32> -> vector<1000x128xf32>
    %get3A_6 = arith.constant 0 : index
    %get3A_7 = arith.constant 0 : index
    %get3A_8 = vector.load %arg4[%get3A_6, %get3A_7] : memref<1x128xf32, #tpu.memory_space<vmem>>, vector<1x128xf32>
    %add3A = vector.broadcast %get3A_8 : vector<1x128xf32> to vector<1000x128xf32>
    %add3A_9 = arith.addf %dot_general3A_5, %add3A : vector<1000x128xf32>
    %swap3A = arith.constant 0 : index
    %swap3A_10 = arith.constant 0 : index
    %swap3A_11 = vector.load %arg5[%swap3A, %swap3A_10] : memref<1000x128xf32, #tpu.memory_space<vmem>>, vector<1000x128xf32>
    tpu.vector_store %arg5[%swap3A, %swap3A_10], %add3A_9 {strides = array<i32>} : memref<1000x128xf32, #tpu.memory_space<vmem>>, vector<1000x128xf32>,
    %get3A_12 = arith.constant 0 : index
    %get3A_13 = arith.constant 0 : index
    %get3A_14 = vector.load %arg3[%get3A_12, %get3A_13] : memref<128x128xf32, #tpu.memory_space<vmem>>, vector<128x128xf32>
    %dot_general3A_15 = arith.constant dense<0.000000e+00> : vector<1000x128xf32>
    %dot_general3A_16 = tpu.matmul %get3A_1, %get3A_14, %dot_general3A_15 {dimension_numbers = #tpu.dot_dimension_numbers<[1], [0], [0], [1], [0, 0, 1, 1], [], []>, transpose_lhs_hint = false} : vector<1000x128xf32>, vector<128x128xf32>, vector<1000x128xf32> -> vector<1000x128xf32>
    %swap3A_17 = arith.constant 0 : index
    %swap3A_18 = arith.constant 0 : index
    %swap3A_19 = vector.load %arg6[%swap3A_17, %swap3A_18] : memref<1000x128xf32, #tpu.memory_space<vmem>>, vector<1000x128xf32>
    tpu.vector_store %arg6[%swap3A_17, %swap3A_18], %dot_general3A_16 {strides = array<i32>} : memref<1000x128xf32, #tpu.memory_space<vmem>>, vector<1000x128xf32>,
    return
  }
  func.func @transform_0(%arg0: i32) -> (i32, i32) {
    %c0_i32 = arith.constant 0 : i32
    %c0_i32_0 = arith.constant 0 : i32
    return %arg0, %c0_i32 : i32, i32
  }
  func.func @transform_1(%arg0: i32) -> (i32, i32) {
    %c0_i32 = arith.constant 0 : i32
    %c0_i32_0 = arith.constant 0 : i32
    %c0_i32_1 = arith.constant 0 : i32
    return %c0_i32, %c0_i32_0 : i32, i32
  }
  func.func @transform_2(%arg0: i32) -> (i32, i32) {
    %c0_i32 = arith.constant 0 : i32
    %c0_i32_0 = arith.constant 0 : i32
    %c0_i32_1 = arith.constant 0 : i32
    return %c0_i32, %c0_i32_0 : i32, i32
  }
  func.func @transform_3(%arg0: i32) -> (i32, i32) {
    %c0_i32 = arith.constant 0 : i32
    %c0_i32_0 = arith.constant 0 : i32
    %c0_i32_1 = arith.constant 0 : i32
    return %c0_i32, %c0_i32_0 : i32, i32
  }
  func.func @transform_4(%arg0: i32) -> (i32, i32) {
    %c0_i32 = arith.constant 0 : i32
    %c0_i32_0 = arith.constant 0 : i32
    return %arg0, %c0_i32 : i32, i32
  }
  func.func @transform_5(%arg0: i32) -> (i32, i32) {
    %c0_i32 = arith.constant 0 : i32
    %c0_i32_0 = arith.constant 0 : i32
    return %arg0, %c0_i32 : i32, i32
  }
}

module attributes {stable_mosaic.version = 14 : i64} {
  func.func @_edge_body(%arg0: i32, %arg1: memref<2000x128xf32, #tpu.memory_space<vmem>>, %arg2: memref<2000x4xf32, #tpu.memory_space<vmem>>, %arg3: memref<2000x16xf32, #tpu.memory_space<vmem>>, %arg4: memref<1x128xf32, #tpu.memory_space<vmem>>, %arg5: memref<16x128xf32, #tpu.memory_space<vmem>>, %arg6: memref<128x128xf32, #tpu.memory_space<vmem>>, %arg7: memref<1x128xf32, #tpu.memory_space<vmem>>, %arg8: memref<128x128xf32, #tpu.memory_space<vmem>>, %arg9: memref<1x128xf32, #tpu.memory_space<vmem>>, %arg10: memref<128x1xf32, #tpu.memory_space<vmem>>, %arg11: memref<1x1xf32, #tpu.memory_space<vmem>>, %arg12: memref<2000x128xf32, #tpu.memory_space<vmem>>, %arg13: memref<2000x4xf32, #tpu.memory_space<vmem>>) attributes {dimension_semantics = [#tpu.dimension_semantics<arbitrary>], iteration_bounds = array<i64: 160>, scalar_prefetch = 0 : i64, scratch_operands = 0 : i64, tpu.core_type = #tpu.core_type<tc>, window_params = [{transform_indices = @transform_0, window_bounds = array<i64: 2000, 128>}, {transform_indices = @transform_1, window_bounds = array<i64: 2000, 4>}, {transform_indices = @transform_2, window_bounds = array<i64: 2000, 16>}, {pipeline_mode = #tpu.pipeline_mode<synchronous>, transform_indices = @transform_3, window_bounds = array<i64: 1, 128>}, {pipeline_mode = #tpu.pipeline_mode<synchronous>, transform_indices = @transform_4, window_bounds = array<i64: 16, 128>}, {pipeline_mode = #tpu.pipeline_mode<synchronous>, transform_indices = @transform_5, window_bounds = array<i64: 128, 128>}, {pipeline_mode = #tpu.pipeline_mode<synchronous>, transform_indices = @transform_6, window_bounds = array<i64: 1, 128>}, {pipeline_mode = #tpu.pipeline_mode<synchronous>, transform_indices = @transform_7, window_bounds = array<i64: 128, 128>}, {pipeline_mode = #tpu.pipeline_mode<synchronous>, transform_indices = @transform_8, window_bounds = array<i64: 1, 128>}, {pipeline_mode = #tpu.pipeline_mode<synchronous>, transform_indices = @transform_9, window_bounds = array<i64: 128, 1>}, {pipeline_mode = #tpu.pipeline_mode<synchronous>, transform_indices = @transform_10, window_bounds = array<i64: 1, 1>}, {transform_indices = @transform_11, window_bounds = array<i64: 2000, 128>}, {transform_indices = @transform_12, window_bounds = array<i64: 2000, 4>}]} {
    %get3A = arith.constant 0 : index
    %get3A_0 = arith.constant 0 : index
    %get3A_1 = vector.load %arg2[%get3A, %get3A_0] : memref<2000x4xf32, #tpu.memory_space<vmem>>, vector<2000x4xf32>
    %slice3A = vector.extract_strided_slice %get3A_1 {offsets = [0, 3], sizes = [2000, 1], strides = [1, 1]} : vector<2000x4xf32> to vector<2000x1xf32>
    %get3A_2 = arith.constant 0 : index
    %get3A_3 = arith.constant 0 : index
    %get3A_4 = vector.load %arg1[%get3A_2, %get3A_3] : memref<2000x128xf32, #tpu.memory_space<vmem>>, vector<2000x128xf32>
    %get3A_5 = arith.constant 0 : index
    %get3A_6 = arith.constant 0 : index
    %get3A_7 = vector.load %arg4[%get3A_5, %get3A_6] : memref<1x128xf32, #tpu.memory_space<vmem>>, vector<1x128xf32>
    %mul3A = vector.broadcast %slice3A : vector<2000x1xf32> to vector<2000x128xf32>
    %mul3A_8 = vector.broadcast %get3A_7 : vector<1x128xf32> to vector<2000x128xf32>
    %mul3A_9 = arith.mulf %mul3A, %mul3A_8 : vector<2000x128xf32>
    %add3A = arith.addf %get3A_4, %mul3A_9 : vector<2000x128xf32>
    %get3A_10 = arith.constant 0 : index
    %get3A_11 = arith.constant 0 : index
    %get3A_12 = vector.load %arg3[%get3A_10, %get3A_11] : memref<2000x16xf32, #tpu.memory_space<vmem>>, vector<2000x16xf32>
    %get3A_13 = arith.constant 0 : index
    %get3A_14 = arith.constant 0 : index
    %get3A_15 = vector.load %arg5[%get3A_13, %get3A_14] : memref<16x128xf32, #tpu.memory_space<vmem>>, vector<16x128xf32>
    %dot_general3A = arith.constant dense<0.000000e+00> : vector<2000x128xf32>
    %dot_general3A_16 = tpu.matmul %get3A_12, %get3A_15, %dot_general3A {dimension_numbers = #tpu.dot_dimension_numbers<[1], [0], [0], [1], [0, 0, 1, 1], [], []>, transpose_lhs_hint = false} : vector<2000x16xf32>, vector<16x128xf32>, vector<2000x128xf32> -> vector<2000x128xf32>
    %add3A_17 = arith.addf %add3A, %dot_general3A_16 : vector<2000x128xf32>
    %max3A = arith.constant 0.000000e+00 : f32
    %max3A_18 = vector.broadcast %max3A : f32 to vector<2000x128xf32>
    %max3A_19 = arith.maximumf %add3A_17, %max3A_18 : vector<2000x128xf32>
    %get3A_20 = arith.constant 0 : index
    %get3A_21 = arith.constant 0 : index
    %get3A_22 = vector.load %arg6[%get3A_20, %get3A_21] : memref<128x128xf32, #tpu.memory_space<vmem>>, vector<128x128xf32>
    %dot_general3A_23 = arith.constant dense<0.000000e+00> : vector<2000x128xf32>
    %dot_general3A_24 = tpu.matmul %max3A_19, %get3A_22, %dot_general3A_23 {dimension_numbers = #tpu.dot_dimension_numbers<[1], [0], [0], [1], [0, 0, 1, 1], [], []>, transpose_lhs_hint = false} : vector<2000x128xf32>, vector<128x128xf32>, vector<2000x128xf32> -> vector<2000x128xf32>
    %get3A_25 = arith.constant 0 : index
    %get3A_26 = arith.constant 0 : index
    %get3A_27 = vector.load %arg7[%get3A_25, %get3A_26] : memref<1x128xf32, #tpu.memory_space<vmem>>, vector<1x128xf32>
    %add3A_28 = vector.broadcast %get3A_27 : vector<1x128xf32> to vector<2000x128xf32>
    %add3A_29 = arith.addf %dot_general3A_24, %add3A_28 : vector<2000x128xf32>
    %max3A_30 = arith.constant 0.000000e+00 : f32
    %max3A_31 = vector.broadcast %max3A_30 : f32 to vector<2000x128xf32>
    %max3A_32 = arith.maximumf %add3A_29, %max3A_31 : vector<2000x128xf32>
    %swap3A = arith.constant 0 : index
    %swap3A_33 = arith.constant 0 : index
    %swap3A_34 = vector.load %arg12[%swap3A, %swap3A_33] : memref<2000x128xf32, #tpu.memory_space<vmem>>, vector<2000x128xf32>
    tpu.vector_store %arg12[%swap3A, %swap3A_33], %max3A_32 {strides = array<i32>} : memref<2000x128xf32, #tpu.memory_space<vmem>>, vector<2000x128xf32>,
    %get3A_35 = arith.constant 0 : index
    %get3A_36 = arith.constant 0 : index
    %get3A_37 = vector.load %arg8[%get3A_35, %get3A_36] : memref<128x128xf32, #tpu.memory_space<vmem>>, vector<128x128xf32>
    %dot_general3A_38 = arith.constant dense<0.000000e+00> : vector<2000x128xf32>
    %dot_general3A_39 = tpu.matmul %max3A_32, %get3A_37, %dot_general3A_38 {dimension_numbers = #tpu.dot_dimension_numbers<[1], [0], [0], [1], [0, 0, 1, 1], [], []>, transpose_lhs_hint = false} : vector<2000x128xf32>, vector<128x128xf32>, vector<2000x128xf32> -> vector<2000x128xf32>
    %get3A_40 = arith.constant 0 : index
    %get3A_41 = arith.constant 0 : index
    %get3A_42 = vector.load %arg9[%get3A_40, %get3A_41] : memref<1x128xf32, #tpu.memory_space<vmem>>, vector<1x128xf32>
    %add3A_43 = vector.broadcast %get3A_42 : vector<1x128xf32> to vector<2000x128xf32>
    %add3A_44 = arith.addf %dot_general3A_39, %add3A_43 : vector<2000x128xf32>
    %max3A_45 = arith.constant 0.000000e+00 : f32
    %max3A_46 = vector.broadcast %max3A_45 : f32 to vector<2000x128xf32>
    %max3A_47 = arith.maximumf %add3A_44, %max3A_46 : vector<2000x128xf32>
    %get3A_48 = arith.constant 0 : index
    %get3A_49 = arith.constant 0 : index
    %get3A_50 = vector.load %arg10[%get3A_48, %get3A_49] : memref<128x1xf32, #tpu.memory_space<vmem>>, vector<128x1xf32>
    %dot_general3A_51 = arith.constant dense<0.000000e+00> : vector<2000x1xf32>
    %dot_general3A_52 = tpu.matmul %max3A_47, %get3A_50, %dot_general3A_51 {dimension_numbers = #tpu.dot_dimension_numbers<[1], [0], [0], [1], [0, 0, 1, 1], [], []>, transpose_lhs_hint = false} : vector<2000x128xf32>, vector<128x1xf32>, vector<2000x1xf32> -> vector<2000x1xf32>
    %get3A_53 = arith.constant 0 : index
    %get3A_54 = arith.constant 0 : index
    %get3A_55 = vector.load %arg11[%get3A_53, %get3A_54] : memref<1x1xf32, #tpu.memory_space<vmem>>, vector<1x1xf32>
    %add3A_56 = vector.broadcast %get3A_55 : vector<1x1xf32> to vector<2000x1xf32>
    %add3A_57 = arith.addf %dot_general3A_52, %add3A_56 : vector<2000x1xf32>
    %iota3A = tpu.iota {dimensions = array<i32: 1>} : vector<2000x4xi32>
    %lt3A = arith.constant 3 : i32
    %lt3A_58 = vector.broadcast %lt3A : i32 to vector<2000x4xi32>
    %lt3A_59 = arith.cmpi slt, %iota3A, %lt3A_58 : vector<2000x4xi32>
    %mul3A_60 = vector.broadcast %add3A_57 : vector<2000x1xf32> to vector<2000x4xf32>
    %mul3A_61 = arith.mulf %get3A_1, %mul3A_60 : vector<2000x4xf32>
    %jit3A = arith.constant 1.000000e+00 : f32
    %broadcast_in_dim3A = vector.broadcast %jit3A : f32 to vector<2000x4xf32>
    %select_n3A = arith.select %lt3A_59, %mul3A_61, %broadcast_in_dim3A : vector<2000x4xi1>, vector<2000x4xf32>
    %swap3A_62 = arith.constant 0 : index
    %swap3A_63 = arith.constant 0 : index
    %swap3A_64 = vector.load %arg13[%swap3A_62, %swap3A_63] : memref<2000x4xf32, #tpu.memory_space<vmem>>, vector<2000x4xf32>
    tpu.vector_store %arg13[%swap3A_62, %swap3A_63], %select_n3A {strides = array<i32>} : memref<2000x4xf32, #tpu.memory_space<vmem>>, vector<2000x4xf32>,
    return
  }
  func.func @transform_0(%arg0: i32) -> (i32, i32) {
    %c0_i32 = arith.constant 0 : i32
    %c0_i32_0 = arith.constant 0 : i32
    return %arg0, %c0_i32 : i32, i32
  }
  func.func @transform_1(%arg0: i32) -> (i32, i32) {
    %c0_i32 = arith.constant 0 : i32
    %c0_i32_0 = arith.constant 0 : i32
    return %arg0, %c0_i32 : i32, i32
  }
  func.func @transform_2(%arg0: i32) -> (i32, i32) {
    %c0_i32 = arith.constant 0 : i32
    %c0_i32_0 = arith.constant 0 : i32
    return %arg0, %c0_i32 : i32, i32
  }
  func.func @transform_3(%arg0: i32) -> (i32, i32) {
    %c0_i32 = arith.constant 0 : i32
    %c0_i32_0 = arith.constant 0 : i32
    %c0_i32_1 = arith.constant 0 : i32
    return %c0_i32, %c0_i32_0 : i32, i32
  }
  func.func @transform_4(%arg0: i32) -> (i32, i32) {
    %c0_i32 = arith.constant 0 : i32
    %c0_i32_0 = arith.constant 0 : i32
    %c0_i32_1 = arith.constant 0 : i32
    return %c0_i32, %c0_i32_0 : i32, i32
  }
  func.func @transform_5(%arg0: i32) -> (i32, i32) {
    %c0_i32 = arith.constant 0 : i32
    %c0_i32_0 = arith.constant 0 : i32
    %c0_i32_1 = arith.constant 0 : i32
    return %c0_i32, %c0_i32_0 : i32, i32
  }
  func.func @transform_6(%arg0: i32) -> (i32, i32) {
    %c0_i32 = arith.constant 0 : i32
    %c0_i32_0 = arith.constant 0 : i32
    %c0_i32_1 = arith.constant 0 : i32
    return %c0_i32, %c0_i32_0 : i32, i32
  }
  func.func @transform_7(%arg0: i32) -> (i32, i32) {
    %c0_i32 = arith.constant 0 : i32
    %c0_i32_0 = arith.constant 0 : i32
    %c0_i32_1 = arith.constant 0 : i32
    return %c0_i32, %c0_i32_0 : i32, i32
  }
  func.func @transform_8(%arg0: i32) -> (i32, i32) {
    %c0_i32 = arith.constant 0 : i32
    %c0_i32_0 = arith.constant 0 : i32
    %c0_i32_1 = arith.constant 0 : i32
    return %c0_i32, %c0_i32_0 : i32, i32
  }
  func.func @transform_9(%arg0: i32) -> (i32, i32) {
    %c0_i32 = arith.constant 0 : i32
    %c0_i32_0 = arith.constant 0 : i32
    %c0_i32_1 = arith.constant 0 : i32
    return %c0_i32, %c0_i32_0 : i32, i32
  }
  func.func @transform_10(%arg0: i32) -> (i32, i32) {
    %c0_i32 = arith.constant 0 : i32
    %c0_i32_0 = arith.constant 0 : i32
    %c0_i32_1 = arith.constant 0 : i32
    return %c0_i32, %c0_i32_0 : i32, i32
  }
  func.func @transform_11(%arg0: i32) -> (i32, i32) {
    %c0_i32 = arith.constant 0 : i32
    %c0_i32_0 = arith.constant 0 : i32
    return %arg0, %c0_i32 : i32, i32
  }
  func.func @transform_12(%arg0: i32) -> (i32, i32) {
    %c0_i32 = arith.constant 0 : i32
    %c0_i32_0 = arith.constant 0 : i32
    return %arg0, %c0_i32 : i32, i32
  }
}

module attributes {stable_mosaic.version = 14 : i64} {
  func.func @_node_body(%arg0: i32, %arg1: memref<1000x128xf32, #tpu.memory_space<vmem>>, %arg2: memref<1000x128xf32, #tpu.memory_space<vmem>>, %arg3: memref<16x1000x4xf32, #tpu.memory_space<vmem>>, %arg4: memref<1000x3xf32, #tpu.memory_space<vmem>>, %arg5: memref<128x128xf32, #tpu.memory_space<vmem>>, %arg6: memref<128x128xf32, #tpu.memory_space<vmem>>, %arg7: memref<1x128xf32, #tpu.memory_space<vmem>>, %arg8: memref<128x128xf32, #tpu.memory_space<vmem>>, %arg9: memref<1x128xf32, #tpu.memory_space<vmem>>, %arg10: memref<1000x128xf32, #tpu.memory_space<vmem>>, %arg11: memref<1000x3xf32, #tpu.memory_space<vmem>>) attributes {dimension_semantics = [#tpu.dimension_semantics<arbitrary>], iteration_bounds = array<i64: 10>, scalar_prefetch = 0 : i64, scratch_operands = 0 : i64, tpu.core_type = #tpu.core_type<tc>, window_params = [{transform_indices = @transform_0, window_bounds = array<i64: 1000, 128>}, {transform_indices = @transform_1, window_bounds = array<i64: 1000, 128>}, {transform_indices = @transform_2, window_bounds = array<i64: 16, 1000, 4>}, {transform_indices = @transform_3, window_bounds = array<i64: 1000, 3>}, {pipeline_mode = #tpu.pipeline_mode<synchronous>, transform_indices = @transform_4, window_bounds = array<i64: 128, 128>}, {pipeline_mode = #tpu.pipeline_mode<synchronous>, transform_indices = @transform_5, window_bounds = array<i64: 128, 128>}, {pipeline_mode = #tpu.pipeline_mode<synchronous>, transform_indices = @transform_6, window_bounds = array<i64: 1, 128>}, {pipeline_mode = #tpu.pipeline_mode<synchronous>, transform_indices = @transform_7, window_bounds = array<i64: 128, 128>}, {pipeline_mode = #tpu.pipeline_mode<synchronous>, transform_indices = @transform_8, window_bounds = array<i64: 1, 128>}, {transform_indices = @transform_9, window_bounds = array<i64: 1000, 128>}, {transform_indices = @transform_10, window_bounds = array<i64: 1000, 3>}]} {
    %get3A = arith.constant 0 : index
    %get3A_0 = arith.constant 0 : index
    %get3A_1 = vector.load %arg1[%get3A, %get3A_0] : memref<1000x128xf32, #tpu.memory_space<vmem>>, vector<1000x128xf32>
    %get3A_2 = arith.constant 0 : index
    %get3A_3 = arith.constant 0 : index
    %get3A_4 = vector.load %arg5[%get3A_2, %get3A_3] : memref<128x128xf32, #tpu.memory_space<vmem>>, vector<128x128xf32>
    %dot_general3A = arith.constant dense<0.000000e+00> : vector<1000x128xf32>
    %dot_general3A_5 = tpu.matmul %get3A_1, %get3A_4, %dot_general3A {dimension_numbers = #tpu.dot_dimension_numbers<[1], [0], [0], [1], [0, 0, 1, 1], [], []>, transpose_lhs_hint = false} : vector<1000x128xf32>, vector<128x128xf32>, vector<1000x128xf32> -> vector<1000x128xf32>
    %get3A_6 = arith.constant 0 : index
    %get3A_7 = arith.constant 0 : index
    %get3A_8 = vector.load %arg2[%get3A_6, %get3A_7] : memref<1000x128xf32, #tpu.memory_space<vmem>>, vector<1000x128xf32>
    %get3A_9 = arith.constant 0 : index
    %get3A_10 = arith.constant 0 : index
    %get3A_11 = vector.load %arg6[%get3A_9, %get3A_10] : memref<128x128xf32, #tpu.memory_space<vmem>>, vector<128x128xf32>
    %dot_general3A_12 = arith.constant dense<0.000000e+00> : vector<1000x128xf32>
    %dot_general3A_13 = tpu.matmul %get3A_8, %get3A_11, %dot_general3A_12 {dimension_numbers = #tpu.dot_dimension_numbers<[1], [0], [0], [1], [0, 0, 1, 1], [], []>, transpose_lhs_hint = false} : vector<1000x128xf32>, vector<128x128xf32>, vector<1000x128xf32> -> vector<1000x128xf32>
    %add3A = arith.addf %dot_general3A_5, %dot_general3A_13 : vector<1000x128xf32>
    %get3A_14 = arith.constant 0 : index
    %get3A_15 = arith.constant 0 : index
    %get3A_16 = vector.load %arg7[%get3A_14, %get3A_15] : memref<1x128xf32, #tpu.memory_space<vmem>>, vector<1x128xf32>
    %add3A_17 = vector.broadcast %get3A_16 : vector<1x128xf32> to vector<1000x128xf32>
    %add3A_18 = arith.addf %add3A, %add3A_17 : vector<1000x128xf32>
    %max3A = arith.constant 0.000000e+00 : f32
    %max3A_19 = vector.broadcast %max3A : f32 to vector<1000x128xf32>
    %max3A_20 = arith.maximumf %add3A_18, %max3A_19 : vector<1000x128xf32>
    %get3A_21 = arith.constant 0 : index
    %get3A_22 = arith.constant 0 : index
    %get3A_23 = vector.load %arg8[%get3A_21, %get3A_22] : memref<128x128xf32, #tpu.memory_space<vmem>>, vector<128x128xf32>
    %dot_general3A_24 = arith.constant dense<0.000000e+00> : vector<1000x128xf32>
    %dot_general3A_25 = tpu.matmul %max3A_20, %get3A_23, %dot_general3A_24 {dimension_numbers = #tpu.dot_dimension_numbers<[1], [0], [0], [1], [0, 0, 1, 1], [], []>, transpose_lhs_hint = false} : vector<1000x128xf32>, vector<128x128xf32>, vector<1000x128xf32> -> vector<1000x128xf32>
    %get3A_26 = arith.constant 0 : index
    %get3A_27 = arith.constant 0 : index
    %get3A_28 = vector.load %arg9[%get3A_26, %get3A_27] : memref<1x128xf32, #tpu.memory_space<vmem>>, vector<1x128xf32>
    %add3A_29 = vector.broadcast %get3A_28 : vector<1x128xf32> to vector<1000x128xf32>
    %add3A_30 = arith.addf %dot_general3A_25, %add3A_29 : vector<1000x128xf32>
    %swap3A = arith.constant 0 : index
    %swap3A_31 = arith.constant 0 : index
    %swap3A_32 = vector.load %arg10[%swap3A, %swap3A_31] : memref<1000x128xf32, #tpu.memory_space<vmem>>, vector<1000x128xf32>
    tpu.vector_store %arg10[%swap3A, %swap3A_31], %add3A_30 {strides = array<i32>} : memref<1000x128xf32, #tpu.memory_space<vmem>>, vector<1000x128xf32>,
    %get3A_33 = arith.constant 0 : index
    %get3A_34 = arith.constant 0 : index
    %get3A_35 = arith.constant 0 : index
    %get3A_36 = vector.load %arg3[%get3A_33, %get3A_34, %get3A_35] : memref<16x1000x4xf32, #tpu.memory_space<vmem>>, vector<16x1000x4xf32>
    %reduce_sum3A = arith.constant dense<0.000000e+00> : vector<1000x4xf32>
    %reduce_sum3A_37 = vector.multi_reduction <add>, %get3A_36, %reduce_sum3A [0] : vector<16x1000x4xf32> to vector<1000x4xf32>
    %slice3A = vector.extract_strided_slice %reduce_sum3A_37 {offsets = [0, 3], sizes = [1000, 1], strides = [1, 1]} : vector<1000x4xf32> to vector<1000x1xf32>
    %max3A_38 = arith.constant 1.000000e+00 : f32
    %max3A_39 = vector.broadcast %max3A_38 : f32 to vector<1000x1xf32>
    %max3A_40 = arith.maximumf %slice3A, %max3A_39 : vector<1000x1xf32>
    %get3A_41 = arith.constant 0 : index
    %get3A_42 = arith.constant 0 : index
    %get3A_43 = vector.load %arg4[%get3A_41, %get3A_42] : memref<1000x3xf32, #tpu.memory_space<vmem>>, vector<1000x3xf32>
    %slice3A_44 = vector.extract_strided_slice %reduce_sum3A_37 {offsets = [0, 0], sizes = [1000, 3], strides = [1, 1]} : vector<1000x4xf32> to vector<1000x3xf32>
    %div3A = vector.broadcast %max3A_40 : vector<1000x1xf32> to vector<1000x3xf32>
    %div3A_45 = arith.divf %slice3A_44, %div3A : vector<1000x3xf32>
    %add3A_46 = arith.addf %get3A_43, %div3A_45 : vector<1000x3xf32>
    %swap3A_47 = arith.constant 0 : index
    %swap3A_48 = arith.constant 0 : index
    %swap3A_49 = vector.load %arg11[%swap3A_47, %swap3A_48] : memref<1000x3xf32, #tpu.memory_space<vmem>>, vector<1000x3xf32>
    tpu.vector_store %arg11[%swap3A_47, %swap3A_48], %add3A_46 {strides = array<i32>} : memref<1000x3xf32, #tpu.memory_space<vmem>>, vector<1000x3xf32>,
    return
  }
  func.func @transform_0(%arg0: i32) -> (i32, i32) {
    %c0_i32 = arith.constant 0 : i32
    %c0_i32_0 = arith.constant 0 : i32
    return %arg0, %c0_i32 : i32, i32
  }
  func.func @transform_1(%arg0: i32) -> (i32, i32) {
    %c0_i32 = arith.constant 0 : i32
    %c0_i32_0 = arith.constant 0 : i32
    return %arg0, %c0_i32 : i32, i32
  }
  func.func @transform_2(%arg0: i32) -> (i32, i32, i32) {
    %c0_i32 = arith.constant 0 : i32
    %c0_i32_0 = arith.constant 0 : i32
    %c0_i32_1 = arith.constant 0 : i32
    return %c0_i32, %arg0, %c0_i32_0 : i32, i32, i32
  }
  func.func @transform_3(%arg0: i32) -> (i32, i32) {
    %c0_i32 = arith.constant 0 : i32
    %c0_i32_0 = arith.constant 0 : i32
    return %arg0, %c0_i32 : i32, i32
  }
  func.func @transform_4(%arg0: i32) -> (i32, i32) {
    %c0_i32 = arith.constant 0 : i32
    %c0_i32_0 = arith.constant 0 : i32
    %c0_i32_1 = arith.constant 0 : i32
    return %c0_i32, %c0_i32_0 : i32, i32
  }
  func.func @transform_5(%arg0: i32) -> (i32, i32) {
    %c0_i32 = arith.constant 0 : i32
    %c0_i32_0 = arith.constant 0 : i32
    %c0_i32_1 = arith.constant 0 : i32
    return %c0_i32, %c0_i32_0 : i32, i32
  }
  func.func @transform_6(%arg0: i32) -> (i32, i32) {
    %c0_i32 = arith.constant 0 : i32
    %c0_i32_0 = arith.constant 0 : i32
    %c0_i32_1 = arith.constant 0 : i32
    return %c0_i32, %c0_i32_0 : i32, i32
  }
  func.func @transform_7(%arg0: i32) -> (i32, i32) {
    %c0_i32 = arith.constant 0 : i32
    %c0_i32_0 = arith.constant 0 : i32
    %c0_i32_1 = arith.constant 0 : i32
    return %c0_i32, %c0_i32_0 : i32, i32
  }
  func.func @transform_8(%arg0: i32) -> (i32, i32) {
    %c0_i32 = arith.constant 0 : i32
    %c0_i32_0 = arith.constant 0 : i32
    %c0_i32_1 = arith.constant 0 : i32
    return %c0_i32, %c0_i32_0 : i32, i32
  }
  func.func @transform_9(%arg0: i32) -> (i32, i32) {
    %c0_i32 = arith.constant 0 : i32
    %c0_i32_0 = arith.constant 0 : i32
    return %arg0, %c0_i32 : i32, i32
  }
  func.func @transform_10(%arg0: i32) -> (i32, i32) {
    %c0_i32 = arith.constant 0 : i32
    %c0_i32_0 = arith.constant 0 : i32
    return %arg0, %c0_i32 : i32, i32
  }
}

</mosaic_0001>

<sc_bundles>
// kernel: kernel.10.cloned.1.call-start
scs
__scs_entry_jumppad:
0x0: {  	(pc) =	sbr.rel $0x88, $3  }
0x1: {  	(tag) =	ssettag $0x0;
	lr =	simm.s32 $0x1  }
0x2: {  	[smem:$0x3F91] =	sst lr;
	_ =	strace $0xD0000000  }
0x3: {  	_ = 	snop  }
0x4: {  	_ = 	snop  }
0x5: {  	_ = 	snop  }
0x6: {  	_ = 	snop  }
0x7: {  	_ = 	snop  }
__scs_overlays_trampoline_lowered:
0x8: {  	[smem:$0x3FA0] =	sst s0  }
0x9: {  	[smem:$0x3FA1] =	sst s1  }
0xa: {  	[smem:$0x3FA2] =	sst s2  }
0xb: {  	[smem:$0x3FA3] =	sst s3  }
0xc: {  	[smem:$0x3FA4] =	sst s4  }
0xd: {  	[smem:$0x3FA5] =	sst s5  }
0xe: {  	[smem:$0x3FA6] =	sst s6  }
0xf: {  	[smem:$0x3FA7] =	sst s7  }
0x10: {  	[smem:$0x3FA8] =	sst s8  }
0x11: {  	[smem:$0x3FA9] =	sst s9;
	s0 =	simm.s32 @!p0 $0x0  }
0x12: {  	s1 =	sld [smem:$0x3F8F];
	s0 =	simm.s32 @p0 $0x1  }
0x13: {  	[smem:$0x3FAA] =	sst s0;
	s0 =	simm.s32 @!p1 $0x0  }
0x14: {  	s2 =	sld [smem:$0x3F8E];
	s0 =	simm.s32 @p1 $0x1  }
0x15: {  	[smem:$0x3FAB] =	sst s0;
	s0 =	simm.s32 @!p2 $0x0  }
0x16: {  	s3 =	sld [smem:$0x3FDB];
	s0 =	simm.s32 @p2 $0x1  }
0x17: {  	s4 =	simm.s32 $0x1BF5;
	[smem:$0x3FAD] =	sst s0  }
0x18: {  	s0 =	sld [smem:$0x3F90];
	_ =	swait.ge [sflag:s4], $0x0  }
0x19: {  	s7 =	sld [smem:$0x3F91]  }
0x1a: {  	s8 =	sadd.s32 $0xFFFFE003, lr  }
0x1b: {  	s9 =	sadd.s32 $0xFFFFFEF7, lr;
	s5 =	simm.s32 $0xFFFFFFFF;
	p2 =	slt.u32 s8, $0xFFFFF086  }
0x1c: {  	p1 =	slt.u32 s9, $0xF7A;
	s5 =	simm.s32 @!p2 $0x0  }
0x1d: {  	s5 =	simm.s32 @p1 $0x1;
	p0 =	seq.s32 s7, s2  }
0x1e: {  	s7 =	smul.u32 @!p0 $0xF7A, s2;
	p2 =	seq.s32 @!p0 s5, $0x0  }
0x1f: {  	s9 =	smul.u32 $0xF7A, s1;
	s8 =	simm.s32 @!p0 $0x1BF5;
	p2 =	por !p2, p0  }
0x20: {  	[sflag:s8] =	ssyncset.s32 @!p0 $0xFFFFF086;
	s6 =	sadd.s32 @!p0 s3, s7;
	s7 =	simm.s32 @!p0 $0x108  }
0x21: {  	s3 =	sadd.s32 s3, s9;
	s6 =	sadd.s32 @!p0 $0x88, s6;
	s7 =	simm.s32 @p2 $0x1082  }
0x22: {  	[simem:s7], [sflag:s8] =	dma.local @!p0 [hbm:s6], $0xF7A  }
0x23: {  	s9 =	sor.u32 $0xD0000000, s2;
	s6 =	simm.s32 $0x108;
	_ =	swait.ge @!p0 [sflag:s8], $0x0  }
0x24: {  	s3 =	sadd.s32 $0x88, s3;
	s6 =	simm.s32 @!p1 $0x1082;
	[sflag:s4] =	ssyncset.s32 $0xFFFFF086  }
0x25: {  	[simem:s6], [sflag:s4] =	dma.local [hbm:s3], $0xF7A  }
0x26: {  	[smem:$0x3F91] =	sst s1;
	(tag) =	ssettag s2;
	_ =	strace s9  }
0x27: {  	s1 =	sld [smem:$0x3FA1]  }
0x28: {  	s2 =	sld [smem:$0x3FA2]  }
0x29: {  	s4 =	sld [smem:$0x3FA4]  }
0x2a: {  	p0 =	seq.s32 s5, $0x0;
	s5 =	sld [smem:$0x3FA5]  }
0x2b: {  	s6 =	sld [smem:$0x3FA6]  }
0x2c: {  	s7 =	sld [smem:$0x3FA7]  }
0x2d: {  	s3 =	simm.s32 $0x108;
	s8 =	sld [smem:$0x3FA8]  }
0x2e: {  	s3 =	simm.s32 @!p0 $0x1082;
	s9 =	sld [smem:$0x3FA9]  }
0x2f: {  	lr =	sadd.s32 s0, s3;
	s0 =	sld [smem:$0x3FA0]  }
0x30: {  	s3 =	sld [smem:$0x3FA3]  }
0x31: {  	[smem:$0x3FAC] =	sst s10  }
0x32: {  	s10 =	sld [smem:$0x3FAA];
	_ =	sdelay $0x3  }
0x33: {  	p0 =	seq.s32 s10, $0x1;
	s10 =	sld [smem:$0x3FAC];
	_ =	sdelay $0x3  }
0x34: {  	[smem:$0x3FAC] =	sst s10  }
0x35: {  	s10 =	sld [smem:$0x3FAB];
	_ =	sdelay $0x3  }
0x36: {  	p1 =	seq.s32 s10, $0x1;
	s10 =	sld [smem:$0x3FAC];
	_ =	sdelay $0x3  }
0x37: {  	[smem:$0x3FAC] =	sst s10  }
0x38: {  	s10 =	sld [smem:$0x3FAD]  }
0x39: {  	_ = 	snop;
	(pc) =	sbr.ind lr, $3  }
0x3a: {  	_ = 	snop  }
0x3b: {  	_ = 	snop  }
0x3c: {  	p2 =	seq.s32 s10, $0x1;
	s10 =	sld [smem:$0x3FAC]  }
0x3d: {  	_ =	shalt  }
0x3e: {  	_ =	shalt  }
0x3f: {  	_ =	shalt  }
0x40: {  	_ =	shalt  }
0x41: {  	_ =	shalt  }
0x42: {  	_ =	shalt  }
0x43: {  	_ =	shalt  }
0x44: {  	_ =	shalt  }
0x45: {  	_ =	shalt  }
0x46: {  	_ =	shalt  }
0x47: {  	_ =	shalt  }
0x48: {  	_ =	shalt  }
0x49: {  	_ =	shalt  }
0x4a: {  	_ =	shalt  }
0x4b: {  	_ =	shalt  }
0x4c: {  	_ =	shalt  }
0x4d: {  	_ =	shalt  }
0x4e: {  	_ =	shalt  }
0x4f: {  	_ =	shalt  }
0x50: {  	_ =	shalt  }
0x51: {  	_ =	shalt  }
0x52: {  	_ =	shalt  }
0x53: {  	_ =	shalt  }
0x54: {  	_ =	shalt  }
0x55: {  	_ =	shalt  }
0x56: {  	_ =	shalt  }
0x57: {  	_ =	shalt  }
0x58: {  	_ =	shalt  }
0x59: {  	_ =	shalt  }
0x5a: {  	_ =	shalt  }
0x5b: {  	_ =	shalt  }
0x5c: {  	_ =	shalt  }
0x5d: {  	_ =	shalt  }
0x5e: {  	_ =	shalt  }
0x5f: {  	_ =	shalt  }
0x60: {  	_ =	shalt  }
0x61: {  	_ =	shalt  }
0x62: {  	_ =	shalt  }
0x63: {  	_ =	shalt  }
0x64: {  	_ =	shalt  }
0x65: {  	_ =	shalt  }
0x66: {  	_ =	shalt  }
0x67: {  	_ =	shalt  }
0x68: {  	_ =	shalt  }
0x69: {  	_ =	shalt  }
0x6a: {  	_ =	shalt  }
0x6b: {  	_ =	shalt  }
0x6c: {  	_ =	shalt  }
0x6d: {  	_ =	shalt  }
0x6e: {  	_ =	shalt  }
0x6f: {  	_ =	shalt  }
0x70: {  	_ =	shalt  }
0x71: {  	_ =	shalt  }
0x72: {  	_ =	shalt  }
0x73: {  	_ =	shalt  }
0x74: {  	_ =	shalt  }
0x75: {  	_ =	shalt  }
0x76: {  	_ =	shalt  }
0x77: {  	_ =	shalt  }
0x78: {  	_ =	shalt  }
0x79: {  	_ =	shalt  }
0x7a: {  	_ =	shalt  }
0x7b: {  	_ =	shalt  }
0x7c: {  	_ =	shalt  }
0x7d: {  	_ =	shalt  }
0x7e: {  	_ =	shalt  }
0x7f: {  	_ =	shalt  }
0x80: {  	_ =	shalt  }
0x81: {  	_ =	shalt  }
0x82: {  	_ =	shalt  }
0x83: {  	_ =	shalt  }
0x84: {  	_ =	shalt  }
0x85: {  	_ =	shalt  }
0x86: {  	_ =	shalt  }
0x87: {  	_ =	shalt  }
.Lfunc_end0:
.L_simem_size_0:
called_computation.1_lowered:
.L_overlay_start_0:
0x88: {  	s2 =	sld [smem:$0x3FD9]  }
0x89: {  	s3 =	sld [smem:$0x3FFE];
	_ =	sdelay $0x1  }
0x8a: {  	s1 =	srdreg.scid  }
0x8b: {  	s0 =	sand.u32 $0x1, s1  }
0x8c: {  	s14 =	sshll.u32 s0, $0xA;
	s2 =	sadd.s32 s3, s2  }
0x8d: {  	s2 =	sadd.s32 s2, s14  }
0x8e: {  	[smem:$0x3FB8] =	sst s2  }
0x8f: {  	_ = 	snop  }
0x90: {  	s2 =	sld [smem:$0x3FD0];
	_ =	sdelay $0x2  }
0x91: {  	s15 =	simm.s32 $0xA;
	s4 =	simm.s32 $0x10  }
0x92: {  	[smem:s4], [sflag:s15] =	dma.local [hbm:s2], $0x1  }
0x93: {  	_ =	swait.eq [sflag:s15], $0x1  }
0x94: {  	[sflag:s15] =	ssyncset.done $0x0  }
0x95: {  	s16 =	sld [smem:$0x10];
	[sflag:s15] =	ssyncadd.s32 $0xFFFFFFFF  }
0x96: {  	s17 =	sld [smem:$0x12];
	(tm) =	ssettm $0x1  }
0x97: {  	s18 =	sld [smem:$0x3FFB];
	_ =	sdelay $0x3  }
0x98: {  	_ =	strace s18  }
0x99: {  	s4 =	sld [smem:$0x3FFC];
	_ =	sdelay $0x3  }
0x9a: {  	_ =	strace s4  }
0x9b: {  	s4 =	sld [smem:$0x3FFD];
	_ =	sdelay $0x3  }
0x9c: {  	_ =	strace s4  }
0x9d: {  	_ =	strace $0x8FFFFFFF  }
0x9e: {  	s19 =	sld [smem:$0x3FDB];
	_ =	sdelay $0x1  }
0x9f: {  	s5 =	simm.s32 $_scs_section_size  }
0xa0: {  	s6 =	simm.s32 $_size__tile_overlayer_lowered;
	s7 =	simm.s32 $_tile_overlayer_lowered  }
0xa1: {  	s22 =	simm.s32 $0x1BFF;
	s21 =	sshll.u32 s7, $0x1;
	s4 =	sadd.s32 s5, s19  }
0xa2: {  	s8 =	simm.s32 $0x0;
	s20 =	sshll.u32 s6, $0x1;
	s6 =	sadd.s32 s21, s4  }
0xa3: {  	[timem:s8], [sflag:s22] =	dma.local [hbm:s6], s20  }
0xa4: {  	_ =	swait.ge [sflag:s22], s20  }
0xa5: {  	s5 =	ssub.s32 $0x0, s20;
	[sflag:s22] =	ssyncset.done $0x0  }
0xa6: {  	[sflag:s22] =	ssyncadd.s32 s5;
	_ =	sdelay $0x1  }
0xa7: {  	s23 =	simm.s32 $0x1B8B  }
0xa8: {  	_ =	swait.ge [sflag:s23], $0x1  }
0xa9: {  	[sflag:s23] =	ssyncset.done $0x0  }
0xaa: {  	s25 =	simm.s32 $0x1B8E;
	s24 =	sld [smem:$0x3FFE];
	[sflag:s23] =	ssyncadd.s32 $0xFFFFFFFF  }
0xab: {  	s26 =	simm.s32 $execute0_lowered;
	[smem:$0x3FD2] =	sst s25  }
0xac: {  	s6 =	sshll.u32 s26, $0x1;
	_ =	strace $0x80000049;
	[dreg:$0x1] =	wrdreg $0xFFFFFFFF  }
0xad: {  	s28 =	simm.s32 $_size_execute0_lowered;
	s4 =	sadd.s32 s4, s6;
	[dreg:$0x0] =	wrdreg $0x0  }
0xae: {  	s6 =	sshll.u32 s28, $0x1;
	[dreg:$0x2] =	wrdreg s4  }
0xaf: {  	[dreg:$0x3] =	wrdreg s6  }
0xb0: {  	[dreg:$0x4] =	wrdreg $0xC0  }
0xb1: {  	_ =	task [dreg:s8], $0x5FFFF  }
0xb2: {  	[dreg:$0x1] =	wrdreg $0xFFFFFFFF  }
0xb3: {  	[dreg:$0x0] =	wrdreg $0x60  }
0xb4: {  	[dreg:$0x2] =	wrdreg s24  }
0xb5: {  	[dreg:$0x3] =	wrdreg s17  }
0xb6: {  	[dreg:$0x4] =	wrdreg s16  }
0xb7: {  	[dreg:$0x5] =	wrdreg $0x13F000  }
0xb8: {  	[dreg:$0x6] =	wrdreg $0x9  }
0xb9: {  	_ =	task.clear_ibuf [dreg:s8], $0x7FFFF;
	_ =	strace $0x90000049  }
0xba: {  	s29 =	simm.s32 $0x9;
	_ =	strace $0x8000004B  }
0xbb: {  	_ =	swait.ge [sflag:s29], $0x1  }
0xbc: {  	[sflag:s29] =	ssyncadd.s32 $0xFFFFFFFF  }
0xbd: {  	_ =	strace $0x9000004B  }
0xbe: {  	_ =	sfence  }
0xbf: {  	s30 =	sld [smem:$0x0];
	_ =	sdelay $0x2  }
0xc0: {  	s31 =	sshll.u32 s1, $0xD;
	s1 =	sshrl.u32 s1, $0x2  }
0xc1: {  	s3 =	sand.u32 $0x4000, s31;
	s1 =	sadd.s32 s1, s30  }
0xc2: {  	s0 =	sor.u32 s3, s0;
	s1 =	sshll.u32 s1, $0x11  }
0xc3: {  	s0 =	sor.u32 s1, s0  }
0xc4: {  	s0 =	sadd.s32 $0x8F2B, s0  }
0xc5: {  	[sflag:s0] =	ssyncadd.remote.s32 $0x1  }
0xc6: {  	_ =	sfence.sel $0xFFFF  }
0xc7: {  	[dreg:$0x0] =	wrdreg $0xFFFFFFFF;
	(pc) =	sbr.abs _section_cstart, $3  }
0xc8: {  	[dreg:$0x1] =	wrdreg $0xFFFFFFFF  }
0xc9: {  	_ =	task.clear_ibuf [dreg:s8], $0x2FFFF;
	_ =	strace $0x9FFFFFFF  }
0xca: {  	(tm) =	ssettm $0x7FFFFFFF  }
0xcb: {  	_ =	shalt  }
tec
execute0_lowered:
.L_overlay_start_1:
0x0: {  	(tag) =	ssettag $0x1  }
0x1: {  	s1 =	rddreg [dreg:$0x0];
	s16 =	stileid.u32  }
0x2: {  	s4 =	rddreg [dreg:$0x1];
	s5 =	smul.u32 $0x4E20, s16  }
0x3: {  	s0 =	srdreg.scid;
	s7 =	smul.u32 $0x140, s16  }
0x4: {  	s6 =	rddreg [dreg:$0x2];
	s11 =	smul.u32 $0x2A000, s16  }
0x5: {  	s2 =	rddreg [dreg:$0x3];
	s19 =	smul.u32 $0x2710, s16  }
0x6: {  	s3 =	simm.s32 $0x0;
	s29 =	simm.s32 $0x7;
	s12 =	smul.u32 $0x13880, s16  }
0x7: {  	s30 =	simm.s32 $0x4F80;
	s31 =	simm.s32 $0xA100;
	s22 =	smul.u32 $0x271000, s16  }
0x8: {  	s8 =	sand.u32 $0x1, s0;
	[smem:$0x7FF] =	sst s3;
	s23 =	smul.u32 $0x4E200, s16  }
0x9: {  	s15 =	sadd.s32 $0x5400, s1;
	s21 =	sshll.u32 s16, $0x6;
	s0 =	smul.u32 $0x1400, s8  }
0xa: {  	_ =	strace $0x8000004A;
	[dreg:$0x5] =	wrdreg s15;
	s15 =	smul.u32 $0x9C40, s16  }
0xb: {  	s17 =	ssub.s32 $0x2, s8;
	s16 =	smul.u32 $0x28000, s16;
	p0 =	sne.s32 s8, $0x0  }
0xc: {  	s5 =	sshrl.u32 s5, $0x3;
	s18 =	sshrl.u32 s17, $0x1;
	s20 =	sshrl.u32 s11, $0x2  }
0xd: {  	s12 =	sshrl.u32 s12, $0x3;
	s11 =	sshrl.u32 s22, $0x3;
	s9 =	sadd.s32 s5, s1  }
0xe: {  	s14 =	sadd.s32 s7, s0;
	s13 =	ssub.s32 s17, s18;
	s7 =	sadd.s32 s6, s19  }
0xf: {  	s17 =	sadd.s32 s4, s23;
	s6 =	sadd.s32 s6, s12;
	s4 =	sadd.s32 s4, s11  }
0x10: {  	s26 =	sadd.s32 $0x1388, s15;
	s12 =	sshrl.u32 s15, $0x3;
	s18 =	sadd.s32 $0x3A98, s15  }
0x11: {  	s19 =	sadd.s32 $0x61A8, s15;
	s15 =	sadd.s32 $0x88B8, s15;
	s23 =	sshrl.u32 s16, $0x2  }
0x12: {  	v1 =	vmov s0;
	s0 =	simm.s32 $0x50;
	s16 =	simm.s32 $0x4;
	s5 =	sshll.u32 s14, $0x4  }
0x13: {  	s14 =	sadd.s32 s20, s2;
	s9 =	sadd.s32 $0xF200, s9;
	s24 =	sadd.s32 $0x28, s6  }
0x14: {  	s25 =	sadd.s32 $0x500, s4;
	s28 =	sadd.s32 $0x50, s6;
	[dreg:$0x6] =	wrdreg s9  }
0x15: {  	s11 =	sshrl.u32 s19, $0x3;
	s15 =	sshrl.u32 s15, $0x3;
	[dreg:$0x7] =	wrdreg s24  }
0x16: {  	s22 =	sadd.s32 $0x26E8, s6;
	s6 =	simm.s32 $0x7780;
	[dreg:$0x8] =	wrdreg s25  }
0x17: {  	s10 =	sadd.s32 s5, s1;
	s1 =	sadd.s32 $0x19000, s1;
	[dreg:$0x9] =	wrdreg s28  }
0x18: {  	s5 =	sor.u32 $0x1C07, s21;
	s21 =	sadd.s32 $0x4D800, s4;
	[dreg:$0xf] =	wrdreg s22  }
0x19: {  	s9 =	sshrl.u32 s26, $0x3;
	s4 =	sadd.s32 $0x4DD00, s4;
	[dreg:$0xe] =	wrdreg s21  }
0x1a: {  	s25 =	smax.u32 s13, $0x1;
	s28 =	sshrl.u32 s14, $0x3;
	[dreg:$0x10] =	wrdreg s4  }
0x1b: {  	s13 =	simm.s32 $0x4F00;
	s14 =	simm.s32 $0x6;
	[dreg:$0x12] =	wrdreg s25  }
0x1c: {  	s12 =	sadd.s32 s1, s12;
	s9 =	sadd.s32 s1, s9;
	[dreg:$0x14] =	wrdreg s28  }
0x1d: {  	s20 =	sadd.s32 s1, s11;
	s24 =	sadd.s32 $0x2CA00, s10;
	[dreg:$0xa] =	wrdreg s9  }
0x1e: {  	v0 =	vlaneseq.u32;
	s11 =	simm.s32 $0x5;
	s4 =	simm.s32 $0xA280;
	[dreg:$0xc] =	wrdreg s20  }
0x1f: {  	v0 =	vmul.u32 $0x4, v0;
	s10 =	simm.s32 $0x2;
	s9 =	sshrl.u32 s18, $0x3;
	[dreg:$0x11] =	wrdreg s24  }
0x20: {  	v2 =	vimm.f32 $0.0e+00;
	s26 =	sadd.s32 $0x4E2, s12;
	s25 =	sadd.s32 $0x9C4, s12;
	s20 =	sadd.s32 $0xA00, s17  }
.Ltmp0:
0x21: {  	v5 =	vimm.f32 $1.000000000e+00;
	v3 =	vor.u32 $0x1, v0;
	v4 =	vor.u32 $0x2, v0;
	s9 =	sadd.s32 s1, s9;
	[dreg:$0x13] =	wrdreg s26;
	(pc) =	sbr.rel .LBB2_1-.Ltmp0, $4  }
0x22: {  	v6 =	vor.u32 $0x40, v0;
	v7 =	vor.u32 $0x41, v0;
	v8 =	vor.u32 $0x42, v0;
	s18 =	simm.s32 $0x9F80;
	s1 =	sadd.s32 s1, s15;
	[dreg:$0xb] =	wrdreg s9  }
0x23: {  	v9 =	vor.u32 $0x80, v0;
	v10 =	vor.u32 $0x81, v0;
	v11 =	vor.u32 $0x82, v0;
	s26 =	sadd.s32 $0xEA6, s12;
	s15 =	simm.s32 $0x3;
	[dreg:$0xd] =	wrdreg s1  }
0x24: {  	v12 =	vor.u32 $0xC0, v0;
	v13 =	vor.u32 $0xC1, v0;
	v14 =	vor.u32 $0xC2, v0;
	s1 =	sadd.s32 s23, s2;
	s23 =	smov.u32 s17;
	s9 =	simm.s32 $0x4E80  }
0x25: {  	v15 =	vor.u32 $0x100, v0;
	v16 =	vor.u32 $0x101, v0;
	v17 =	vor.u32 $0x102, v0;
	s17 =	simm.s32 $0x0;
	s24 =	sshrl.u32 s1, $0x3;
	s1 =	simm.s32 $0x1  }
.LBB2_25:
0x26: {  	_ =	sdelay $0x3  }
0x27: {  	s19 =	sshra.s32 s8, $0x2;
	[tilespmem:v18+s4+$0x0] =	vst.idx.add.f32.msk $0xffff, v5  }
0x28: {  	v18 =	vor.u32 s8, v0;
	v19 =	vld [tilespmem:s19+$0x4DD0];
	_ =	sdelay $0x4  }
0x29: {  	v18 =	vld.idx.msk [tilespmem:v18+s31+$0x0], $0xffff;
	v19 =	vshll.u32 v19, $0x2  }
0x2a: {  	v20 =	vor.u32 s8, v3;
	_ =	sdelay $0x3  }
0x2b: {  	[tilespmem:v19+s4+$0x0] =	vst.idx.add.f32.msk $0xffff, v18  }
0x2c: {  	v62 =	vor.u32 $0x1, v19;
	v18 =	vld.idx.msk [tilespmem:v20+s31+$0x0], $0xffff  }
0x2d: {  	v21 =	vor.u32 s8, v4;
	_ =	sdelay $0x3  }
0x2e: {  	[tilespmem:v62+s4+$0x0] =	vst.idx.add.f32.msk $0xffff, v18  }
0x2f: {  	v63 =	vor.u32 $0x2, v19;
	v18 =	vld.idx.msk [tilespmem:v21+s31+$0x0], $0xffff  }
0x30: {  	v19 =	vor.u32 $0x3, v19;
	_ =	sdelay $0x3  }
0x31: {  	[tilespmem:v63+s4+$0x0] =	vst.idx.add.f32.msk $0xffff, v18  }
0x32: {  	[tilespmem:v19+s4+$0x0] =	vst.idx.add.f32.msk $0xffff, v5  }
.LBB2_26:
0x33: {  	_ =	swait.ge [sflag:s15], $0x2800  }
0x34: {  	[sflag:s15] =	ssyncset.done $0x0  }
0x35: {  	[sflag:s15] =	ssyncadd.s32 $0xFFFFD800  }
0x36: {  	_ =	swait.ge [sflag:s16], $0x2800  }
0x37: {  	[sflag:s16] =	ssyncset.done $0x0  }
0x38: {  	[sflag:s16] =	ssyncadd.s32 $0xFFFFD800  }
0x39: {  	[bflag:$0x0] =	sbarrier.arrive $0xFFFF  }
0x3a: {  	s8 =	rddreg [dreg:$0x11]  }
0x3b: {  	[hbm:s8], [sflag:s5] =	dma.local [spmem:s24], $0x1400  }
0x3c: {  	_ =	swait.ge [sflag:s29], $0x1400  }
0x3d: {  	[sflag:s29] =	ssyncset.done $0x0  }
0x3e: {  	s19 =	simm.s32 @!p0 $0xA280;
	s8 =	simm.s32 @!p0 $0x0;
	[sflag:s29] =	ssyncadd.s32 $0xFFFFEC00  }
0x3f: {  	[hbm4b:s12+s8] =	stream.linear.scatter @!p0 [tilespmem:s19], [sflag:$0x7], $0x1388, $0x38;
	[tilespmem:$0x1E700] =	vst v63  }
0x40: {  	s19 =	simm.s32 @!p0 $0x7  }
0x41: {  	_ =	swait.ge @!p0 [sflag:s19], $0x1388  }
0x42: {  	[sflag:s19] =	ssyncset.done @!p0 $0x0  }
0x43: {  	s21 =	simm.s32 @!p0 $0xB608;
	s22 =	rddreg [dreg:$0xa];
	[sflag:s19] =	ssyncadd.s32 @!p0 $0xFFFFEC78  }
0x44: {  	[hbm4b:s22+s8] =	stream.linear.scatter @!p0 [tilespmem:s21], [sflag:$0x7], $0x1388, $0x38;
	[tilespmem:$0x1E700] =	vst v63  }
0x45: {  	_ =	swait.ge @!p0 [sflag:s19], $0x1388  }
0x46: {  	[sflag:s19] =	ssyncset.done @!p0 $0x0  }
0x47: {  	s21 =	simm.s32 @!p0 $0xC990;
	s22 =	rddreg [dreg:$0x13];
	[sflag:s19] =	ssyncadd.s32 @!p0 $0xFFFFEC78  }
0x48: {  	[hbm4b:s22+s8] =	stream.linear.scatter @!p0 [tilespmem:s21], [sflag:$0x7], $0x1388, $0x38;
	[tilespmem:$0x1E700] =	vst v63  }
0x49: {  	_ =	swait.ge @!p0 [sflag:s19], $0x1388  }
0x4a: {  	[sflag:s19] =	ssyncset.done @!p0 $0x0  }
0x4b: {  	s21 =	simm.s32 @!p0 $0xDD18;
	s22 =	rddreg [dreg:$0xb];
	[sflag:s19] =	ssyncadd.s32 @!p0 $0xFFFFEC78  }
0x4c: {  	[hbm4b:s22+s8] =	stream.linear.scatter @!p0 [tilespmem:s21], [sflag:$0x7], $0x1388, $0x38;
	[tilespmem:$0x1E700] =	vst v63  }
0x4d: {  	_ =	swait.ge @!p0 [sflag:s19], $0x1388  }
0x4e: {  	[sflag:s19] =	ssyncset.done @!p0 $0x0  }
0x4f: {  	s21 =	simm.s32 @!p0 $0xF0A0;
	[sflag:s19] =	ssyncadd.s32 @!p0 $0xFFFFEC78  }
0x50: {  	[hbm4b:s25+s8] =	stream.linear.scatter @!p0 [tilespmem:s21], [sflag:$0x7], $0x1388, $0x38;
	[tilespmem:$0x1E700] =	vst v63  }
0x51: {  	_ =	swait.ge @!p0 [sflag:s19], $0x1388  }
0x52: {  	[sflag:s19] =	ssyncset.done @!p0 $0x0  }
0x53: {  	s21 =	simm.s32 @!p0 $0x10428;
	s22 =	rddreg [dreg:$0xc];
	[sflag:s19] =	ssyncadd.s32 @!p0 $0xFFFFEC78  }
0x54: {  	[hbm4b:s22+s8] =	stream.linear.scatter @!p0 [tilespmem:s21], [sflag:$0x7], $0x1388, $0x38;
	[tilespmem:$0x1E700] =	vst v63  }
0x55: {  	_ =	swait.ge @!p0 [sflag:s19], $0x1388  }
0x56: {  	[sflag:s19] =	ssyncset.done @!p0 $0x0  }
0x57: {  	s21 =	simm.s32 @!p0 $0x117B0;
	[sflag:s19] =	ssyncadd.s32 @!p0 $0xFFFFEC78  }
0x58: {  	[hbm4b:s26+s8] =	stream.linear.scatter @!p0 [tilespmem:s21], [sflag:$0x7], $0x1388, $0x38;
	[tilespmem:$0x1E700] =	vst v63  }
0x59: {  	_ =	swait.ge @!p0 [sflag:s19], $0x1388  }
0x5a: {  	[sflag:s19] =	ssyncset.done @!p0 $0x0  }
0x5b: {  	s21 =	simm.s32 @!p0 $0x12B38;
	s22 =	rddreg [dreg:$0xd];
	[sflag:s19] =	ssyncadd.s32 @!p0 $0xFFFFEC78  }
0x5c: {  	[hbm4b:s22+s8] =	stream.linear.scatter @!p0 [tilespmem:s21], [sflag:$0x7], $0x1388, $0x38;
	[tilespmem:$0x1E700] =	vst v63  }
0x5d: {  	_ =	swait.ge @!p0 [sflag:s19], $0x1388  }
0x5e: {  	s17 =	sadd.s32 $0x1, s17;
	s28 =	rddreg [dreg:$0x12]  }
0x5f: {  	p1 =	sne.s32 s17, s28  }
.Ltmp1:
0x60: {  	_ = 	snop;
	(pc) =	sbr.rel @!p1 .LBB2_27-.Ltmp1, $3  }
0x61: {  	_ =	sdelay $0x1  }
0x62: {  	[sflag:s19] =	ssyncset.done @!p0 $0x0  }
0x63: {  	[sflag:s19] =	ssyncadd.s32 @!p0 $0xFFFFEC78  }
.LBB2_1:
.Ltmp2:
0x64: {  	(pc) =	sbr.rel @p0 .LBB2_5-.Ltmp2, $1  }
0x65: {  	_ =	sdelay $0x3  }
0x66: {  	s8 =	simm.s32 $0x40;
	s19 =	simm.s32 $0x0  }
.LBB2_3:
0x67: {  	p1 =	sne.s32 s8, $0x270C0;
	[tilespmem:s19+$0xA280] =	vst v2;
	s19 =	smov.u32 s8;
	s8 =	sadd.s32 $0x40, s8  }
.Ltmp3:
0x68: {  	(pc) =	sbr.rel @p1 .LBB2_3-.Ltmp3, $2  }
0x69: {  	_ =	sdelay $0x2  }
0x6a: {  	s19 =	sshra.s32 s19, $0x2  }
0x6b: {  	[tilespmem:s19+$0xA280] =	vst v2  }
.LBB2_5:
0x6c: {  	s8 =	rddreg [dreg:$0x5]  }
0x6d: {  	s19 =	rddreg [dreg:$0x14]  }
0x6e: {  	[spmem:s19], [sflag:s5] =	dma.local [hbm:s8], $0x1500  }
0x6f: {  	_ =	swait.ge [sflag:s29], $0x1500  }
0x70: {  	[sflag:s29] =	ssyncset.done $0x0  }
0x71: {  	s28 =	rddreg [dreg:$0x6];
	[sflag:s29] =	ssyncadd.s32 $0xFFFFEB00  }
0x72: {  	[tilespmem:s3], [sflag:$0x7] =	stream.linear.gather [hbm4b:s28+s3], $0x4E20, $0x38;
	[tilespmem:$0x1E700] =	vst v63  }
0x73: {  	_ =	swait.ge [sflag:s29], $0x4E20  }
0x74: {  	[sflag:s29] =	ssyncset.done $0x0  }
0x75: {  	[sflag:s29] =	ssyncadd.s32 $0xFFFFB1E0  }
0x76: {  	s8 =	simm.s32 @!p0 $0x0;
	s19 =	simm.s32 @!p0 $0x9F80;
	[bflag:$0x0] =	sbarrier.arrive $0xFFFF  }
0x77: {  	[tilespmem:s19], [sflag:$0x5] =	stream.linear.gather @!p0 [hbm4b:s7+s8], $0x140, $0x38;
	[tilespmem:$0x1E700] =	vst v63  }
0x78: {  	_ = 	snop  }
0x79: {  	[tilespmem:s30], [sflag:$0x1] =	stream.linear.gather [hbm4b:s23+s3], $0x2800, $0x38;
	[tilespmem:$0x1E700] =	vst v63  }
0x7a: {  	v18 =	vld [tilespmem:$0x0]  }
0x7b: {  	v19 =	vld [tilespmem:$0x10]  }
0x7c: {  	v20 =	vld [tilespmem:$0x20]  }
0x7d: {  	v21 =	vld [tilespmem:$0x30]  }
0x7e: {  	v22 =	vld [tilespmem:$0x40]  }
0x7f: {  	v18 =	vsub.s32 v18, v1  }
0x80: {  	v19 =	vsub.s32 v19, v1;
	v18 =	vmin.u32 v18, $0x1400  }
.Ltmp4:
0x81: {  	[tilespmem:$0x4E80] =	vst v18;
	v18 =	vmin.u32 v19, $0x1400;
	v19 =	vsub.s32 v20, v1;
	(pc) =	sbr.rel @p0 .LBB2_7-.Ltmp4, $4  }
0x82: {  	[tilespmem:$0x4E90] =	vst v18;
	v18 =	vmin.u32 v19, $0x1400;
	v19 =	vsub.s32 v21, v1  }
0x83: {  	[tilespmem:$0x4EA0] =	vst v18;
	v18 =	vmin.u32 v19, $0x1400;
	v19 =	vsub.s32 v22, v1  }
0x84: {  	[tilespmem:$0x4EB0] =	vst v18;
	v18 =	vmin.u32 v19, $0x1400  }
0x85: {  	[tilespmem:$0x4EC0] =	vst v18  }
0x86: {  	s8 =	rddreg [dreg:$0x7]  }
0x87: {  	[tilespmem:s31], [sflag:$0x6] =	stream.linear.gather [hbm4b:s8+s3], $0x140, $0x38;
	[tilespmem:$0x1E700] =	vst v63  }
0x88: {  	_ =	swait.ge [sflag:s1], $0x2800  }
0x89: {  	[sflag:s1] =	ssyncset.done $0x0  }
0x8a: {  	[sflag:s1] =	ssyncadd.s32 $0xFFFFD800  }
0x8b: {  	[spmem:s2] =	stream.indirect.scatter.add.f32 [tilespmem:s30], [sflag:$0x3], $0x80, s9, s0, $0xb8;
	[tilespmem:$0x1E700] =	vst v63  }
0x8c: {  	_ =	swait.ge [sflag:s11], $0x140  }
0x8d: {  	[sflag:s11] =	ssyncset.done $0x0  }
0x8e: {  	[sflag:s11] =	ssyncadd.s32 $0xFFFFFEC0  }
0x8f: {  	v18 =	vld [tilespmem:$0x0];
	_ =	sdelay $0x4  }
0x90: {  	v19 =	vld.idx.msk [tilespmem:v0+s18+$0x0], $0xffff;
	v18 =	vshll.u32 v18, $0x2;
	_ =	sdelay $0x4  }
0x91: {  	[tilespmem:v18+s4+$0x0] =	vst.idx.add.f32.msk $0xffff, v19  }
0x92: {  	v20 =	vor.u32 $0x1, v18;
	v19 =	vld.idx.msk [tilespmem:v3+s18+$0x0], $0xffff;
	_ =	sdelay $0x4  }
0x93: {  	[tilespmem:v20+s4+$0x0] =	vst.idx.add.f32.msk $0xffff, v19  }
0x94: {  	v55 =	vor.u32 $0x2, v18;
	v19 =	vld.idx.msk [tilespmem:v4+s18+$0x0], $0xffff  }
0x95: {  	v18 =	vor.u32 $0x3, v18;
	_ =	sdelay $0x3  }
0x96: {  	[tilespmem:v55+s4+$0x0] =	vst.idx.add.f32.msk $0xffff, v19  }
0x97: {  	[tilespmem:v18+s4+$0x0] =	vst.idx.add.f32.msk $0xffff, v5  }
0x98: {  	v18 =	vld [tilespmem:$0x10];
	_ =	sdelay $0x4  }
0x99: {  	v19 =	vld.idx.msk [tilespmem:v6+s18+$0x0], $0xffff;
	v18 =	vshll.u32 v18, $0x2;
	_ =	sdelay $0x4  }
0x9a: {  	[tilespmem:v18+s4+$0x0] =	vst.idx.add.f32.msk $0xffff, v19  }
0x9b: {  	v56 =	vor.u32 $0x1, v18;
	v19 =	vld.idx.msk [tilespmem:v7+s18+$0x0], $0xffff;
	_ =	sdelay $0x4  }
0x9c: {  	[tilespmem:v56+s4+$0x0] =	vst.idx.add.f32.msk $0xffff, v19  }
0x9d: {  	v57 =	vor.u32 $0x2, v18;
	v19 =	vld.idx.msk [tilespmem:v8+s18+$0x0], $0xffff  }
0x9e: {  	v18 =	vor.u32 $0x3, v18;
	_ =	sdelay $0x3  }
0x9f: {  	[tilespmem:v57+s4+$0x0] =	vst.idx.add.f32.msk $0xffff, v19  }
0xa0: {  	[tilespmem:v18+s4+$0x0] =	vst.idx.add.f32.msk $0xffff, v5  }
0xa1: {  	v18 =	vld [tilespmem:$0x20];
	_ =	sdelay $0x4  }
0xa2: {  	v19 =	vld.idx.msk [tilespmem:v9+s18+$0x0], $0xffff;
	v18 =	vshll.u32 v18, $0x2;
	_ =	sdelay $0x4  }
0xa3: {  	[tilespmem:v18+s4+$0x0] =	vst.idx.add.f32.msk $0xffff, v19  }
0xa4: {  	v58 =	vor.u32 $0x1, v18;
	v19 =	vld.idx.msk [tilespmem:v10+s18+$0x0], $0xffff;
	_ =	sdelay $0x4  }
0xa5: {  	[tilespmem:v58+s4+$0x0] =	vst.idx.add.f32.msk $0xffff, v19  }
0xa6: {  	v59 =	vor.u32 $0x2, v18;
	v19 =	vld.idx.msk [tilespmem:v11+s18+$0x0], $0xffff  }
0xa7: {  	v18 =	vor.u32 $0x3, v18;
	_ =	sdelay $0x3  }
0xa8: {  	[tilespmem:v59+s4+$0x0] =	vst.idx.add.f32.msk $0xffff, v19  }
0xa9: {  	[tilespmem:v18+s4+$0x0] =	vst.idx.add.f32.msk $0xffff, v5  }
0xaa: {  	v18 =	vld [tilespmem:$0x30];
	_ =	sdelay $0x4  }
0xab: {  	v19 =	vld.idx.msk [tilespmem:v12+s18+$0x0], $0xffff;
	v18 =	vshll.u32 v18, $0x2;
	_ =	sdelay $0x4  }
0xac: {  	[tilespmem:v18+s4+$0x0] =	vst.idx.add.f32.msk $0xffff, v19  }
0xad: {  	v60 =	vor.u32 $0x1, v18;
	v19 =	vld.idx.msk [tilespmem:v13+s18+$0x0], $0xffff;
	_ =	sdelay $0x4  }
0xae: {  	[tilespmem:v60+s4+$0x0] =	vst.idx.add.f32.msk $0xffff, v19  }
0xaf: {  	v61 =	vor.u32 $0x2, v18;
	v19 =	vld.idx.msk [tilespmem:v14+s18+$0x0], $0xffff  }
0xb0: {  	v18 =	vor.u32 $0x3, v18;
	_ =	sdelay $0x3  }
0xb1: {  	[tilespmem:v61+s4+$0x0] =	vst.idx.add.f32.msk $0xffff, v19  }
0xb2: {  	[tilespmem:v18+s4+$0x0] =	vst.idx.add.f32.msk $0xffff, v5  }
0xb3: {  	v18 =	vld [tilespmem:$0x40];
	_ =	sdelay $0x4  }
0xb4: {  	v19 =	vld.idx.msk [tilespmem:v15+s18+$0x0], $0xffff;
	v18 =	vshll.u32 v18, $0x2;
	_ =	sdelay $0x4  }
0xb5: {  	[tilespmem:v18+s4+$0x0] =	vst.idx.add.f32.msk $0xffff, v19  }
0xb6: {  	v62 =	vor.u32 $0x1, v18;
	v19 =	vld.idx.msk [tilespmem:v16+s18+$0x0], $0xffff;
	_ =	sdelay $0x4  }
0xb7: {  	[tilespmem:v62+s4+$0x0] =	vst.idx.add.f32.msk $0xffff, v19  }
0xb8: {  	v63 =	vor.u32 $0x2, v18;
	v19 =	vld.idx.msk [tilespmem:v17+s18+$0x0], $0xffff  }
0xb9: {  	v18 =	vor.u32 $0x3, v18  }
.Ltmp5:
0xba: {  	_ = 	snop;
	(pc) =	sbr.rel .LBB2_8-.Ltmp5, $3  }
0xbb: {  	_ =	sdelay $0x1  }
0xbc: {  	[tilespmem:v63+s4+$0x0] =	vst.idx.add.f32.msk $0xffff, v19  }
0xbd: {  	[tilespmem:v18+s4+$0x0] =	vst.idx.add.f32.msk $0xffff, v5  }
.LBB2_7:
0xbe: {  	_ =	swait.ge [sflag:s1], $0x2800  }
0xbf: {  	[sflag:s1] =	ssyncset.done $0x0  }
0xc0: {  	[sflag:s1] =	ssyncadd.s32 $0xFFFFD800  }
0xc1: {  	[spmem:s2] =	stream.indirect.scatter.add.f32 [tilespmem:s30], [sflag:$0x3], $0x80, s9, s0, $0xb8;
	[tilespmem:$0x1E700] =	vst v63  }
.LBB2_8:
0xc2: {  	s8 =	rddreg [dreg:$0x8]  }
0xc3: {  	[tilespmem:s6], [sflag:$0x2] =	stream.linear.gather [hbm4b:s8+s3], $0x2800, $0x38;
	[tilespmem:$0x1E700] =	vst v63  }
0xc4: {  	v18 =	vld [tilespmem:$0x50]  }
0xc5: {  	v19 =	vld [tilespmem:$0x60]  }
0xc6: {  	v20 =	vld [tilespmem:$0x70]  }
0xc7: {  	v21 =	vld [tilespmem:$0x80]  }
0xc8: {  	v22 =	vld [tilespmem:$0x90]  }
0xc9: {  	v18 =	vsub.s32 v18, v1  }
0xca: {  	v19 =	vsub.s32 v19, v1;
	v18 =	vmin.u32 v18, $0x1400  }
.Ltmp6:
0xcb: {  	[tilespmem:$0x4F00] =	vst v18;
	v18 =	vmin.u32 v19, $0x1400;
	v19 =	vsub.s32 v20, v1;
	(pc) =	sbr.rel @p0 .LBB2_10-.Ltmp6, $4  }
0xcc: {  	[tilespmem:$0x4F10] =	vst v18;
	v18 =	vmin.u32 v19, $0x1400;
	v19 =	vsub.s32 v21, v1  }
0xcd: {  	[tilespmem:$0x4F20] =	vst v18;
	v18 =	vmin.u32 v19, $0x1400;
	v19 =	vsub.s32 v22, v1  }
0xce: {  	[tilespmem:$0x4F30] =	vst v18;
	v18 =	vmin.u32 v19, $0x1400  }
0xcf: {  	[tilespmem:$0x4F40] =	vst v18  }
0xd0: {  	s8 =	rddreg [dreg:$0x9]  }
0xd1: {  	[tilespmem:s18], [sflag:$0x5] =	stream.linear.gather [hbm4b:s8+s3], $0x140, $0x38;
	[tilespmem:$0x1E700] =	vst v63  }
0xd2: {  	_ =	swait.ge [sflag:s10], $0x2800  }
0xd3: {  	[sflag:s10] =	ssyncset.done $0x0  }
0xd4: {  	[sflag:s10] =	ssyncadd.s32 $0xFFFFD800  }
0xd5: {  	[spmem:s2] =	stream.indirect.scatter.add.f32 [tilespmem:s6], [sflag:$0x4], $0x80, s13, s0, $0xb8;
	[tilespmem:$0x1E700] =	vst v63  }
0xd6: {  	_ =	swait.ge [sflag:s14], $0x140  }
0xd7: {  	[sflag:s14] =	ssyncset.done $0x0  }
0xd8: {  	[sflag:s14] =	ssyncadd.s32 $0xFFFFFEC0  }
0xd9: {  	v18 =	vld [tilespmem:$0x50];
	_ =	sdelay $0x4  }
0xda: {  	v19 =	vld.idx.msk [tilespmem:v0+s31+$0x0], $0xffff;
	v18 =	vshll.u32 v18, $0x2;
	_ =	sdelay $0x4  }
0xdb: {  	[tilespmem:v18+s4+$0x0] =	vst.idx.add.f32.msk $0xffff, v19  }
0xdc: {  	v20 =	vor.u32 $0x1, v18;
	v19 =	vld.idx.msk [tilespmem:v3+s31+$0x0], $0xffff;
	_ =	sdelay $0x4  }
0xdd: {  	[tilespmem:v20+s4+$0x0] =	vst.idx.add.f32.msk $0xffff, v19  }
0xde: {  	v55 =	vor.u32 $0x2, v18;
	v19 =	vld.idx.msk [tilespmem:v4+s31+$0x0], $0xffff  }
0xdf: {  	v18 =	vor.u32 $0x3, v18;
	_ =	sdelay $0x3  }
0xe0: {  	[tilespmem:v55+s4+$0x0] =	vst.idx.add.f32.msk $0xffff, v19  }
0xe1: {  	[tilespmem:v18+s4+$0x0] =	vst.idx.add.f32.msk $0xffff, v5  }
0xe2: {  	v18 =	vld [tilespmem:$0x60];
	_ =	sdelay $0x4  }
0xe3: {  	v19 =	vld.idx.msk [tilespmem:v6+s31+$0x0], $0xffff;
	v18 =	vshll.u32 v18, $0x2;
	_ =	sdelay $0x4  }
0xe4: {  	[tilespmem:v18+s4+$0x0] =	vst.idx.add.f32.msk $0xffff, v19  }
0xe5: {  	v56 =	vor.u32 $0x1, v18;
	v19 =	vld.idx.msk [tilespmem:v7+s31+$0x0], $0xffff;
	_ =	sdelay $0x4  }
0xe6: {  	[tilespmem:v56+s4+$0x0] =	vst.idx.add.f32.msk $0xffff, v19  }
0xe7: {  	v57 =	vor.u32 $0x2, v18;
	v19 =	vld.idx.msk [tilespmem:v8+s31+$0x0], $0xffff  }
0xe8: {  	v18 =	vor.u32 $0x3, v18;
	_ =	sdelay $0x3  }
0xe9: {  	[tilespmem:v57+s4+$0x0] =	vst.idx.add.f32.msk $0xffff, v19  }
0xea: {  	[tilespmem:v18+s4+$0x0] =	vst.idx.add.f32.msk $0xffff, v5  }
0xeb: {  	v18 =	vld [tilespmem:$0x70];
	_ =	sdelay $0x4  }
0xec: {  	v19 =	vld.idx.msk [tilespmem:v9+s31+$0x0], $0xffff;
	v18 =	vshll.u32 v18, $0x2;
	_ =	sdelay $0x4  }
0xed: {  	[tilespmem:v18+s4+$0x0] =	vst.idx.add.f32.msk $0xffff, v19  }
0xee: {  	v58 =	vor.u32 $0x1, v18;
	v19 =	vld.idx.msk [tilespmem:v10+s31+$0x0], $0xffff;
	_ =	sdelay $0x4  }
0xef: {  	[tilespmem:v58+s4+$0x0] =	vst.idx.add.f32.msk $0xffff, v19  }
0xf0: {  	v59 =	vor.u32 $0x2, v18;
	v19 =	vld.idx.msk [tilespmem:v11+s31+$0x0], $0xffff  }
0xf1: {  	v18 =	vor.u32 $0x3, v18;
	_ =	sdelay $0x3  }
0xf2: {  	[tilespmem:v59+s4+$0x0] =	vst.idx.add.f32.msk $0xffff, v19  }
0xf3: {  	[tilespmem:v18+s4+$0x0] =	vst.idx.add.f32.msk $0xffff, v5  }
0xf4: {  	v18 =	vld [tilespmem:$0x80];
	_ =	sdelay $0x4  }
0xf5: {  	v19 =	vld.idx.msk [tilespmem:v12+s31+$0x0], $0xffff;
	v18 =	vshll.u32 v18, $0x2;
	_ =	sdelay $0x4  }
0xf6: {  	[tilespmem:v18+s4+$0x0] =	vst.idx.add.f32.msk $0xffff, v19  }
0xf7: {  	v60 =	vor.u32 $0x1, v18;
	v19 =	vld.idx.msk [tilespmem:v13+s31+$0x0], $0xffff;
	_ =	sdelay $0x4  }
0xf8: {  	[tilespmem:v60+s4+$0x0] =	vst.idx.add.f32.msk $0xffff, v19  }
0xf9: {  	v61 =	vor.u32 $0x2, v18;
	v19 =	vld.idx.msk [tilespmem:v14+s31+$0x0], $0xffff  }
0xfa: {  	v18 =	vor.u32 $0x3, v18;
	_ =	sdelay $0x3  }
0xfb: {  	[tilespmem:v61+s4+$0x0] =	vst.idx.add.f32.msk $0xffff, v19  }
0xfc: {  	[tilespmem:v18+s4+$0x0] =	vst.idx.add.f32.msk $0xffff, v5  }
0xfd: {  	v18 =	vld [tilespmem:$0x90];
	_ =	sdelay $0x4  }
0xfe: {  	v19 =	vld.idx.msk [tilespmem:v15+s31+$0x0], $0xffff;
	v18 =	vshll.u32 v18, $0x2;
	_ =	sdelay $0x4  }
0xff: {  	[tilespmem:v18+s4+$0x0] =	vst.idx.add.f32.msk $0xffff, v19  }
0x100: {  	v62 =	vor.u32 $0x1, v18;
	v19 =	vld.idx.msk [tilespmem:v16+s31+$0x0], $0xffff;
	_ =	sdelay $0x4  }
0x101: {  	[tilespmem:v62+s4+$0x0] =	vst.idx.add.f32.msk $0xffff, v19  }
0x102: {  	v63 =	vor.u32 $0x2, v18;
	v19 =	vld.idx.msk [tilespmem:v17+s31+$0x0], $0xffff  }
0x103: {  	v18 =	vor.u32 $0x3, v18  }
.Ltmp7:
0x104: {  	_ = 	snop;
	(pc) =	sbr.rel .LBB2_11-.Ltmp7, $3  }
0x105: {  	_ =	sdelay $0x1  }
0x106: {  	[tilespmem:v63+s4+$0x0] =	vst.idx.add.f32.msk $0xffff, v19  }
0x107: {  	[tilespmem:v18+s4+$0x0] =	vst.idx.add.f32.msk $0xffff, v5  }
.LBB2_10:
0x108: {  	_ =	swait.ge [sflag:s10], $0x2800  }
0x109: {  	[sflag:s10] =	ssyncset.done $0x0  }
0x10a: {  	[sflag:s10] =	ssyncadd.s32 $0xFFFFD800  }
0x10b: {  	[spmem:s2] =	stream.indirect.scatter.add.f32 [tilespmem:s6], [sflag:$0x4], $0x80, s13, s0, $0xb8;
	[tilespmem:$0x1E700] =	vst v63  }
.LBB2_11:
.Ltmp8:
0x10c: {  	(pc) =	sbr.rel .LBB2_12-.Ltmp8, $2  }
0x10d: {  	_ =	sdelay $0x2  }
0x10e: {  	s19 =	simm.s32 $0x0;
	s8 =	simm.s32 $0x130;
	s28 =	smov.u32 s20  }
.LBB2_17:
0x10f: {  	_ =	swait.ge [sflag:s10], $0x2800  }
0x110: {  	[sflag:s10] =	ssyncset.done $0x0  }
0x111: {  	[sflag:s10] =	ssyncadd.s32 $0xFFFFD800  }
0x112: {  	[spmem:s2] =	stream.indirect.scatter.add.f32 [tilespmem:s6], [sflag:$0x4], $0x80, s13, s0, $0xb8;
	[tilespmem:$0x1E700] =	vst v63  }
.LBB2_18:
0x113: {  	s19 =	sadd.s32 $0x50, s19  }
0x114: {  	p1 =	sne.s32 s19, $0x2670  }
.Ltmp9:
0x115: {  	_ = 	snop;
	(pc) =	sbr.rel @!p1 .LBB2_19-.Ltmp9, $2  }
0x116: {  	_ =	sdelay $0x2  }
0x117: {  	s28 =	sadd.s32 $0xA00, s28;
	s8 =	sadd.s32 $0xA0, s8  }
.LBB2_12:
0x118: {  	_ =	swait.ge [sflag:s15], $0x2800  }
0x119: {  	[sflag:s15] =	ssyncset.done $0x0  }
0x11a: {  	[sflag:s15] =	ssyncadd.s32 $0xFFFFD800  }
0x11b: {  	[tilespmem:s30], [sflag:$0x1] =	stream.linear.gather [hbm4b:s28+s3], $0x2800, $0x38;
	[tilespmem:$0x1E700] =	vst v63  }
0x11c: {  	v18 =	vld [tilespmem:s8+$0xFFFFFF70];
	_ =	sdelay $0x4  }
0x11d: {  	v18 =	vsub.s32 v18, v1  }
0x11e: {  	v18 =	vmin.u32 v18, $0x1400  }
0x11f: {  	[tilespmem:$0x4E80] =	vst v18  }
0x120: {  	v18 =	vld [tilespmem:s8+$0xFFFFFF80];
	_ =	sdelay $0x4  }
0x121: {  	v18 =	vsub.s32 v18, v1  }
0x122: {  	v18 =	vmin.u32 v18, $0x1400  }
0x123: {  	[tilespmem:$0x4E90] =	vst v18  }
0x124: {  	v18 =	vld [tilespmem:s8+$0xFFFFFF90];
	_ =	sdelay $0x4  }
0x125: {  	v18 =	vsub.s32 v18, v1  }
0x126: {  	v18 =	vmin.u32 v18, $0x1400  }
0x127: {  	[tilespmem:$0x4EA0] =	vst v18  }
0x128: {  	v18 =	vld [tilespmem:s8+$0xFFFFFFA0];
	_ =	sdelay $0x4  }
0x129: {  	v18 =	vsub.s32 v18, v1  }
0x12a: {  	v18 =	vmin.u32 v18, $0x1400  }
0x12b: {  	[tilespmem:$0x4EB0] =	vst v18  }
0x12c: {  	v18 =	vld [tilespmem:s8+$0xFFFFFFB0];
	_ =	sdelay $0x2  }
.Ltmp10:
0x12d: {  	_ = 	snop;
	(pc) =	sbr.rel @p0 .LBB2_14-.Ltmp10, $4  }
0x12e: {  	_ = 	snop  }
0x12f: {  	v18 =	vsub.s32 v18, v1  }
0x130: {  	v18 =	vmin.u32 v18, $0x1400  }
0x131: {  	s21 =	sadd.s32 s19, s7;
	[tilespmem:$0x4EC0] =	vst v18  }
0x132: {  	s22 =	sadd.s32 $0x78, s21  }
0x133: {  	[tilespmem:s31], [sflag:$0x6] =	stream.linear.gather [hbm4b:s22+s3], $0x140, $0x38;
	[tilespmem:$0x1E700] =	vst v63  }
0x134: {  	_ =	swait.ge [sflag:s1], $0x2800  }
0x135: {  	[sflag:s1] =	ssyncset.done $0x0  }
0x136: {  	[sflag:s1] =	ssyncadd.s32 $0xFFFFD800  }
0x137: {  	[spmem:s2] =	stream.indirect.scatter.add.f32 [tilespmem:s30], [sflag:$0x3], $0x80, s9, s0, $0xb8;
	[tilespmem:$0x1E700] =	vst v63  }
0x138: {  	_ =	swait.ge [sflag:s11], $0x140  }
0x139: {  	[sflag:s11] =	ssyncset.done $0x0  }
0x13a: {  	[sflag:s11] =	ssyncadd.s32 $0xFFFFFEC0  }
0x13b: {  	v18 =	vld [tilespmem:s8+$0xFFFFFF70];
	_ =	sdelay $0x4  }
0x13c: {  	v19 =	vld.idx.msk [tilespmem:v0+s18+$0x0], $0xffff;
	v18 =	vshll.u32 v18, $0x2;
	_ =	sdelay $0x4  }
0x13d: {  	[tilespmem:v18+s4+$0x0] =	vst.idx.add.f32.msk $0xffff, v19  }
0x13e: {  	v20 =	vor.u32 $0x1, v18;
	v19 =	vld.idx.msk [tilespmem:v3+s18+$0x0], $0xffff;
	_ =	sdelay $0x4  }
0x13f: {  	[tilespmem:v20+s4+$0x0] =	vst.idx.add.f32.msk $0xffff, v19  }
0x140: {  	v55 =	vor.u32 $0x2, v18;
	v19 =	vld.idx.msk [tilespmem:v4+s18+$0x0], $0xffff  }
0x141: {  	v18 =	vor.u32 $0x3, v18;
	_ =	sdelay $0x3  }
0x142: {  	[tilespmem:v55+s4+$0x0] =	vst.idx.add.f32.msk $0xffff, v19  }
0x143: {  	[tilespmem:v18+s4+$0x0] =	vst.idx.add.f32.msk $0xffff, v5  }
0x144: {  	v18 =	vld [tilespmem:s8+$0xFFFFFF80];
	_ =	sdelay $0x4  }
0x145: {  	v19 =	vld.idx.msk [tilespmem:v6+s18+$0x0], $0xffff;
	v18 =	vshll.u32 v18, $0x2;
	_ =	sdelay $0x4  }
0x146: {  	[tilespmem:v18+s4+$0x0] =	vst.idx.add.f32.msk $0xffff, v19  }
0x147: {  	v56 =	vor.u32 $0x1, v18;
	v19 =	vld.idx.msk [tilespmem:v7+s18+$0x0], $0xffff;
	_ =	sdelay $0x4  }
0x148: {  	[tilespmem:v56+s4+$0x0] =	vst.idx.add.f32.msk $0xffff, v19  }
0x149: {  	v57 =	vor.u32 $0x2, v18;
	v19 =	vld.idx.msk [tilespmem:v8+s18+$0x0], $0xffff  }
0x14a: {  	v18 =	vor.u32 $0x3, v18;
	_ =	sdelay $0x3  }
0x14b: {  	[tilespmem:v57+s4+$0x0] =	vst.idx.add.f32.msk $0xffff, v19  }
0x14c: {  	[tilespmem:v18+s4+$0x0] =	vst.idx.add.f32.msk $0xffff, v5  }
0x14d: {  	v18 =	vld [tilespmem:s8+$0xFFFFFF90];
	_ =	sdelay $0x4  }
0x14e: {  	v19 =	vld.idx.msk [tilespmem:v9+s18+$0x0], $0xffff;
	v18 =	vshll.u32 v18, $0x2;
	_ =	sdelay $0x4  }
0x14f: {  	[tilespmem:v18+s4+$0x0] =	vst.idx.add.f32.msk $0xffff, v19  }
0x150: {  	v58 =	vor.u32 $0x1, v18;
	v19 =	vld.idx.msk [tilespmem:v10+s18+$0x0], $0xffff;
	_ =	sdelay $0x4  }
0x151: {  	[tilespmem:v58+s4+$0x0] =	vst.idx.add.f32.msk $0xffff, v19  }
0x152: {  	v59 =	vor.u32 $0x2, v18;
	v19 =	vld.idx.msk [tilespmem:v11+s18+$0x0], $0xffff  }
0x153: {  	v18 =	vor.u32 $0x3, v18;
	_ =	sdelay $0x3  }
0x154: {  	[tilespmem:v59+s4+$0x0] =	vst.idx.add.f32.msk $0xffff, v19  }
0x155: {  	[tilespmem:v18+s4+$0x0] =	vst.idx.add.f32.msk $0xffff, v5  }
0x156: {  	v18 =	vld [tilespmem:s8+$0xFFFFFFA0];
	_ =	sdelay $0x4  }
0x157: {  	v19 =	vld.idx.msk [tilespmem:v12+s18+$0x0], $0xffff;
	v18 =	vshll.u32 v18, $0x2;
	_ =	sdelay $0x4  }
0x158: {  	[tilespmem:v18+s4+$0x0] =	vst.idx.add.f32.msk $0xffff, v19  }
0x159: {  	v60 =	vor.u32 $0x1, v18;
	v19 =	vld.idx.msk [tilespmem:v13+s18+$0x0], $0xffff;
	_ =	sdelay $0x4  }
0x15a: {  	[tilespmem:v60+s4+$0x0] =	vst.idx.add.f32.msk $0xffff, v19  }
0x15b: {  	v61 =	vor.u32 $0x2, v18;
	v19 =	vld.idx.msk [tilespmem:v14+s18+$0x0], $0xffff  }
0x15c: {  	v18 =	vor.u32 $0x3, v18;
	_ =	sdelay $0x3  }
0x15d: {  	[tilespmem:v61+s4+$0x0] =	vst.idx.add.f32.msk $0xffff, v19  }
0x15e: {  	[tilespmem:v18+s4+$0x0] =	vst.idx.add.f32.msk $0xffff, v5  }
0x15f: {  	v18 =	vld [tilespmem:s8+$0xFFFFFFB0];
	_ =	sdelay $0x4  }
0x160: {  	v19 =	vld.idx.msk [tilespmem:v15+s18+$0x0], $0xffff;
	v18 =	vshll.u32 v18, $0x2;
	_ =	sdelay $0x4  }
0x161: {  	[tilespmem:v18+s4+$0x0] =	vst.idx.add.f32.msk $0xffff, v19  }
0x162: {  	v62 =	vor.u32 $0x1, v18;
	v19 =	vld.idx.msk [tilespmem:v16+s18+$0x0], $0xffff;
	_ =	sdelay $0x4  }
0x163: {  	[tilespmem:v62+s4+$0x0] =	vst.idx.add.f32.msk $0xffff, v19  }
0x164: {  	v63 =	vor.u32 $0x2, v18;
	v19 =	vld.idx.msk [tilespmem:v17+s18+$0x0], $0xffff  }
0x165: {  	v18 =	vor.u32 $0x3, v18  }
.Ltmp11:
0x166: {  	_ = 	snop;
	(pc) =	sbr.rel .LBB2_15-.Ltmp11, $3  }
0x167: {  	_ =	sdelay $0x1  }
0x168: {  	[tilespmem:v63+s4+$0x0] =	vst.idx.add.f32.msk $0xffff, v19  }
0x169: {  	[tilespmem:v18+s4+$0x0] =	vst.idx.add.f32.msk $0xffff, v5  }
.LBB2_14:
0x16a: {  	_ =	swait.ge [sflag:s1], $0x2800  }
0x16b: {  	[sflag:s1] =	ssyncset.done $0x0  }
0x16c: {  	[sflag:s1] =	ssyncadd.s32 $0xFFFFD800  }
0x16d: {  	[spmem:s2] =	stream.indirect.scatter.add.f32 [tilespmem:s30], [sflag:$0x3], $0x80, s9, s0, $0xb8;
	[tilespmem:$0x1E700] =	vst v63  }
.LBB2_15:
0x16e: {  	_ =	swait.ge [sflag:s16], $0x2800  }
0x16f: {  	[sflag:s16] =	ssyncset.done $0x0  }
0x170: {  	s22 =	sadd.s32 $0x500, s28;
	[sflag:s16] =	ssyncadd.s32 $0xFFFFD800  }
0x171: {  	[tilespmem:s6], [sflag:$0x2] =	stream.linear.gather [hbm4b:s22+s3], $0x2800, $0x38;
	[tilespmem:$0x1E700] =	vst v63  }
0x172: {  	v18 =	vld [tilespmem:s8+$0xFFFFFFC0];
	_ =	sdelay $0x4  }
0x173: {  	v18 =	vsub.s32 v18, v1  }
0x174: {  	v18 =	vmin.u32 v18, $0x1400  }
0x175: {  	[tilespmem:$0x4F00] =	vst v18  }
0x176: {  	v18 =	vld [tilespmem:s8+$0xFFFFFFD0];
	_ =	sdelay $0x4  }
0x177: {  	v18 =	vsub.s32 v18, v1  }
0x178: {  	v18 =	vmin.u32 v18, $0x1400  }
0x179: {  	[tilespmem:$0x4F10] =	vst v18  }
0x17a: {  	v18 =	vld [tilespmem:s8+$0xFFFFFFE0];
	_ =	sdelay $0x4  }
0x17b: {  	v18 =	vsub.s32 v18, v1  }
0x17c: {  	v18 =	vmin.u32 v18, $0x1400  }
0x17d: {  	[tilespmem:$0x4F20] =	vst v18  }
0x17e: {  	v18 =	vld [tilespmem:s8+$0xFFFFFFF0];
	_ =	sdelay $0x4  }
0x17f: {  	v18 =	vsub.s32 v18, v1  }
0x180: {  	v18 =	vmin.u32 v18, $0x1400  }
0x181: {  	[tilespmem:$0x4F30] =	vst v18  }
0x182: {  	v18 =	vld [tilespmem:s8+$0x0];
	_ =	sdelay $0x2  }
.Ltmp12:
0x183: {  	_ = 	snop;
	(pc) =	sbr.rel @p0 .LBB2_17-.Ltmp12, $4  }
0x184: {  	_ = 	snop  }
0x185: {  	v18 =	vsub.s32 v18, v1  }
0x186: {  	v18 =	vmin.u32 v18, $0x1400  }
0x187: {  	[tilespmem:$0x4F40] =	vst v18  }
0x188: {  	s21 =	sadd.s32 $0xA0, s21  }
0x189: {  	[tilespmem:s18], [sflag:$0x5] =	stream.linear.gather [hbm4b:s21+s3], $0x140, $0x38;
	[tilespmem:$0x1E700] =	vst v63  }
0x18a: {  	_ =	swait.ge [sflag:s10], $0x2800  }
0x18b: {  	[sflag:s10] =	ssyncset.done $0x0  }
0x18c: {  	[sflag:s10] =	ssyncadd.s32 $0xFFFFD800  }
0x18d: {  	[spmem:s2] =	stream.indirect.scatter.add.f32 [tilespmem:s6], [sflag:$0x4], $0x80, s13, s0, $0xb8;
	[tilespmem:$0x1E700] =	vst v63  }
0x18e: {  	_ =	swait.ge [sflag:s14], $0x140  }
0x18f: {  	[sflag:s14] =	ssyncset.done $0x0  }
0x190: {  	[sflag:s14] =	ssyncadd.s32 $0xFFFFFEC0  }
0x191: {  	v18 =	vld [tilespmem:s8+$0xFFFFFFC0];
	_ =	sdelay $0x4  }
0x192: {  	v19 =	vld.idx.msk [tilespmem:v0+s31+$0x0], $0xffff;
	v18 =	vshll.u32 v18, $0x2;
	_ =	sdelay $0x4  }
0x193: {  	[tilespmem:v18+s4+$0x0] =	vst.idx.add.f32.msk $0xffff, v19  }
0x194: {  	v20 =	vor.u32 $0x1, v18;
	v19 =	vld.idx.msk [tilespmem:v3+s31+$0x0], $0xffff;
	_ =	sdelay $0x4  }
0x195: {  	[tilespmem:v20+s4+$0x0] =	vst.idx.add.f32.msk $0xffff, v19  }
0x196: {  	v55 =	vor.u32 $0x2, v18;
	v19 =	vld.idx.msk [tilespmem:v4+s31+$0x0], $0xffff  }
0x197: {  	v18 =	vor.u32 $0x3, v18;
	_ =	sdelay $0x3  }
0x198: {  	[tilespmem:v55+s4+$0x0] =	vst.idx.add.f32.msk $0xffff, v19  }
0x199: {  	[tilespmem:v18+s4+$0x0] =	vst.idx.add.f32.msk $0xffff, v5  }
0x19a: {  	v18 =	vld [tilespmem:s8+$0xFFFFFFD0];
	_ =	sdelay $0x4  }
0x19b: {  	v19 =	vld.idx.msk [tilespmem:v6+s31+$0x0], $0xffff;
	v18 =	vshll.u32 v18, $0x2;
	_ =	sdelay $0x4  }
0x19c: {  	[tilespmem:v18+s4+$0x0] =	vst.idx.add.f32.msk $0xffff, v19  }
0x19d: {  	v56 =	vor.u32 $0x1, v18;
	v19 =	vld.idx.msk [tilespmem:v7+s31+$0x0], $0xffff;
	_ =	sdelay $0x4  }
0x19e: {  	[tilespmem:v56+s4+$0x0] =	vst.idx.add.f32.msk $0xffff, v19  }
0x19f: {  	v57 =	vor.u32 $0x2, v18;
	v19 =	vld.idx.msk [tilespmem:v8+s31+$0x0], $0xffff  }
0x1a0: {  	v18 =	vor.u32 $0x3, v18;
	_ =	sdelay $0x3  }
0x1a1: {  	[tilespmem:v57+s4+$0x0] =	vst.idx.add.f32.msk $0xffff, v19  }
0x1a2: {  	[tilespmem:v18+s4+$0x0] =	vst.idx.add.f32.msk $0xffff, v5  }
0x1a3: {  	v18 =	vld [tilespmem:s8+$0xFFFFFFE0];
	_ =	sdelay $0x4  }
0x1a4: {  	v19 =	vld.idx.msk [tilespmem:v9+s31+$0x0], $0xffff;
	v18 =	vshll.u32 v18, $0x2;
	_ =	sdelay $0x4  }
0x1a5: {  	[tilespmem:v18+s4+$0x0] =	vst.idx.add.f32.msk $0xffff, v19  }
0x1a6: {  	v58 =	vor.u32 $0x1, v18;
	v19 =	vld.idx.msk [tilespmem:v10+s31+$0x0], $0xffff;
	_ =	sdelay $0x4  }
0x1a7: {  	[tilespmem:v58+s4+$0x0] =	vst.idx.add.f32.msk $0xffff, v19  }
0x1a8: {  	v59 =	vor.u32 $0x2, v18;
	v19 =	vld.idx.msk [tilespmem:v11+s31+$0x0], $0xffff  }
0x1a9: {  	v18 =	vor.u32 $0x3, v18;
	_ =	sdelay $0x3  }
0x1aa: {  	[tilespmem:v59+s4+$0x0] =	vst.idx.add.f32.msk $0xffff, v19  }
0x1ab: {  	[tilespmem:v18+s4+$0x0] =	vst.idx.add.f32.msk $0xffff, v5  }
0x1ac: {  	v18 =	vld [tilespmem:s8+$0xFFFFFFF0];
	_ =	sdelay $0x4  }
0x1ad: {  	v19 =	vld.idx.msk [tilespmem:v12+s31+$0x0], $0xffff;
	v18 =	vshll.u32 v18, $0x2;
	_ =	sdelay $0x4  }
0x1ae: {  	[tilespmem:v18+s4+$0x0] =	vst.idx.add.f32.msk $0xffff, v19  }
0x1af: {  	v60 =	vor.u32 $0x1, v18;
	v19 =	vld.idx.msk [tilespmem:v13+s31+$0x0], $0xffff;
	_ =	sdelay $0x4  }
0x1b0: {  	[tilespmem:v60+s4+$0x0] =	vst.idx.add.f32.msk $0xffff, v19  }
0x1b1: {  	v61 =	vor.u32 $0x2, v18;
	v19 =	vld.idx.msk [tilespmem:v14+s31+$0x0], $0xffff  }
0x1b2: {  	v18 =	vor.u32 $0x3, v18;
	_ =	sdelay $0x3  }
0x1b3: {  	[tilespmem:v61+s4+$0x0] =	vst.idx.add.f32.msk $0xffff, v19  }
0x1b4: {  	[tilespmem:v18+s4+$0x0] =	vst.idx.add.f32.msk $0xffff, v5  }
0x1b5: {  	v18 =	vld [tilespmem:s8+$0x0];
	_ =	sdelay $0x4  }
0x1b6: {  	v19 =	vld.idx.msk [tilespmem:v15+s31+$0x0], $0xffff;
	v18 =	vshll.u32 v18, $0x2;
	_ =	sdelay $0x4  }
0x1b7: {  	[tilespmem:v18+s4+$0x0] =	vst.idx.add.f32.msk $0xffff, v19  }
0x1b8: {  	v62 =	vor.u32 $0x1, v18;
	v19 =	vld.idx.msk [tilespmem:v16+s31+$0x0], $0xffff;
	_ =	sdelay $0x4  }
0x1b9: {  	[tilespmem:v62+s4+$0x0] =	vst.idx.add.f32.msk $0xffff, v19  }
0x1ba: {  	v63 =	vor.u32 $0x2, v18;
	v19 =	vld.idx.msk [tilespmem:v17+s31+$0x0], $0xffff  }
0x1bb: {  	v18 =	vor.u32 $0x3, v18  }
.Ltmp13:
0x1bc: {  	_ = 	snop;
	(pc) =	sbr.rel .LBB2_18-.Ltmp13, $3  }
0x1bd: {  	_ =	sdelay $0x1  }
0x1be: {  	[tilespmem:v63+s4+$0x0] =	vst.idx.add.f32.msk $0xffff, v19  }
0x1bf: {  	[tilespmem:v18+s4+$0x0] =	vst.idx.add.f32.msk $0xffff, v5  }
.LBB2_19:
0x1c0: {  	_ =	swait.ge [sflag:s15], $0x2800  }
0x1c1: {  	[sflag:s15] =	ssyncset.done $0x0  }
0x1c2: {  	s8 =	rddreg [dreg:$0xe];
	[sflag:s15] =	ssyncadd.s32 $0xFFFFD800  }
0x1c3: {  	[tilespmem:s30], [sflag:$0x1] =	stream.linear.gather [hbm4b:s8+s3], $0x2800, $0x38;
	[tilespmem:$0x1E700] =	vst v63  }
0x1c4: {  	v18 =	vld [tilespmem:$0x4D80]  }
0x1c5: {  	v19 =	vld [tilespmem:$0x4D90]  }
0x1c6: {  	v20 =	vld [tilespmem:$0x4DA0]  }
0x1c7: {  	v21 =	vld [tilespmem:$0x4DB0]  }
0x1c8: {  	v22 =	vld [tilespmem:$0x4DC0]  }
0x1c9: {  	v18 =	vsub.s32 v18, v1  }
0x1ca: {  	v19 =	vsub.s32 v19, v1;
	v18 =	vmin.u32 v18, $0x1400  }
.Ltmp14:
0x1cb: {  	[tilespmem:$0x4E80] =	vst v18;
	v18 =	vmin.u32 v19, $0x1400;
	v19 =	vsub.s32 v20, v1;
	(pc) =	sbr.rel @p0 .LBB2_21-.Ltmp14, $4  }
0x1cc: {  	[tilespmem:$0x4E90] =	vst v18;
	v18 =	vmin.u32 v19, $0x1400;
	v19 =	vsub.s32 v21, v1  }
0x1cd: {  	[tilespmem:$0x4EA0] =	vst v18;
	v18 =	vmin.u32 v19, $0x1400;
	v19 =	vsub.s32 v22, v1  }
0x1ce: {  	[tilespmem:$0x4EB0] =	vst v18;
	v18 =	vmin.u32 v19, $0x1400  }
0x1cf: {  	[tilespmem:$0x4EC0] =	vst v18  }
0x1d0: {  	s8 =	rddreg [dreg:$0xf]  }
0x1d1: {  	[tilespmem:s31], [sflag:$0x6] =	stream.linear.gather [hbm4b:s8+s3], $0x140, $0x38;
	[tilespmem:$0x1E700] =	vst v63  }
0x1d2: {  	_ =	swait.ge [sflag:s1], $0x2800  }
0x1d3: {  	[sflag:s1] =	ssyncset.done $0x0  }
0x1d4: {  	[sflag:s1] =	ssyncadd.s32 $0xFFFFD800  }
0x1d5: {  	[spmem:s2] =	stream.indirect.scatter.add.f32 [tilespmem:s30], [sflag:$0x3], $0x80, s9, s0, $0xb8;
	[tilespmem:$0x1E700] =	vst v63  }
0x1d6: {  	_ =	swait.ge [sflag:s11], $0x140  }
0x1d7: {  	[sflag:s11] =	ssyncset.done $0x0  }
0x1d8: {  	[sflag:s11] =	ssyncadd.s32 $0xFFFFFEC0  }
0x1d9: {  	v18 =	vld [tilespmem:$0x4D80];
	_ =	sdelay $0x4  }
0x1da: {  	v19 =	vld.idx.msk [tilespmem:v0+s18+$0x0], $0xffff;
	v18 =	vshll.u32 v18, $0x2;
	_ =	sdelay $0x4  }
0x1db: {  	[tilespmem:v18+s4+$0x0] =	vst.idx.add.f32.msk $0xffff, v19  }
0x1dc: {  	v20 =	vor.u32 $0x1, v18;
	v19 =	vld.idx.msk [tilespmem:v3+s18+$0x0], $0xffff;
	_ =	sdelay $0x4  }
0x1dd: {  	[tilespmem:v20+s4+$0x0] =	vst.idx.add.f32.msk $0xffff, v19  }
0x1de: {  	v55 =	vor.u32 $0x2, v18;
	v19 =	vld.idx.msk [tilespmem:v4+s18+$0x0], $0xffff  }
0x1df: {  	v18 =	vor.u32 $0x3, v18;
	_ =	sdelay $0x3  }
0x1e0: {  	[tilespmem:v55+s4+$0x0] =	vst.idx.add.f32.msk $0xffff, v19  }
0x1e1: {  	[tilespmem:v18+s4+$0x0] =	vst.idx.add.f32.msk $0xffff, v5  }
0x1e2: {  	v18 =	vld [tilespmem:$0x4D90];
	_ =	sdelay $0x4  }
0x1e3: {  	v19 =	vld.idx.msk [tilespmem:v6+s18+$0x0], $0xffff;
	v18 =	vshll.u32 v18, $0x2;
	_ =	sdelay $0x4  }
0x1e4: {  	[tilespmem:v18+s4+$0x0] =	vst.idx.add.f32.msk $0xffff, v19  }
0x1e5: {  	v56 =	vor.u32 $0x1, v18;
	v19 =	vld.idx.msk [tilespmem:v7+s18+$0x0], $0xffff;
	_ =	sdelay $0x4  }
0x1e6: {  	[tilespmem:v56+s4+$0x0] =	vst.idx.add.f32.msk $0xffff, v19  }
0x1e7: {  	v57 =	vor.u32 $0x2, v18;
	v19 =	vld.idx.msk [tilespmem:v8+s18+$0x0], $0xffff  }
0x1e8: {  	v18 =	vor.u32 $0x3, v18;
	_ =	sdelay $0x3  }
0x1e9: {  	[tilespmem:v57+s4+$0x0] =	vst.idx.add.f32.msk $0xffff, v19  }
0x1ea: {  	[tilespmem:v18+s4+$0x0] =	vst.idx.add.f32.msk $0xffff, v5  }
0x1eb: {  	v18 =	vld [tilespmem:$0x4DA0];
	_ =	sdelay $0x4  }
0x1ec: {  	v19 =	vld.idx.msk [tilespmem:v9+s18+$0x0], $0xffff;
	v18 =	vshll.u32 v18, $0x2;
	_ =	sdelay $0x4  }
0x1ed: {  	[tilespmem:v18+s4+$0x0] =	vst.idx.add.f32.msk $0xffff, v19  }
0x1ee: {  	v58 =	vor.u32 $0x1, v18;
	v19 =	vld.idx.msk [tilespmem:v10+s18+$0x0], $0xffff;
	_ =	sdelay $0x4  }
0x1ef: {  	[tilespmem:v58+s4+$0x0] =	vst.idx.add.f32.msk $0xffff, v19  }
0x1f0: {  	v59 =	vor.u32 $0x2, v18;
	v19 =	vld.idx.msk [tilespmem:v11+s18+$0x0], $0xffff  }
0x1f1: {  	v18 =	vor.u32 $0x3, v18;
	_ =	sdelay $0x3  }
0x1f2: {  	[tilespmem:v59+s4+$0x0] =	vst.idx.add.f32.msk $0xffff, v19  }
0x1f3: {  	[tilespmem:v18+s4+$0x0] =	vst.idx.add.f32.msk $0xffff, v5  }
0x1f4: {  	v18 =	vld [tilespmem:$0x4DB0];
	_ =	sdelay $0x4  }
0x1f5: {  	v19 =	vld.idx.msk [tilespmem:v12+s18+$0x0], $0xffff;
	v18 =	vshll.u32 v18, $0x2;
	_ =	sdelay $0x4  }
0x1f6: {  	[tilespmem:v18+s4+$0x0] =	vst.idx.add.f32.msk $0xffff, v19  }
0x1f7: {  	v60 =	vor.u32 $0x1, v18;
	v19 =	vld.idx.msk [tilespmem:v13+s18+$0x0], $0xffff;
	_ =	sdelay $0x4  }
0x1f8: {  	[tilespmem:v60+s4+$0x0] =	vst.idx.add.f32.msk $0xffff, v19  }
0x1f9: {  	v61 =	vor.u32 $0x2, v18;
	v19 =	vld.idx.msk [tilespmem:v14+s18+$0x0], $0xffff  }
0x1fa: {  	v18 =	vor.u32 $0x3, v18;
	_ =	sdelay $0x3  }
0x1fb: {  	[tilespmem:v61+s4+$0x0] =	vst.idx.add.f32.msk $0xffff, v19  }
0x1fc: {  	[tilespmem:v18+s4+$0x0] =	vst.idx.add.f32.msk $0xffff, v5  }
0x1fd: {  	v18 =	vld [tilespmem:$0x4DC0];
	_ =	sdelay $0x4  }
0x1fe: {  	v19 =	vld.idx.msk [tilespmem:v15+s18+$0x0], $0xffff;
	v18 =	vshll.u32 v18, $0x2;
	_ =	sdelay $0x4  }
0x1ff: {  	[tilespmem:v18+s4+$0x0] =	vst.idx.add.f32.msk $0xffff, v19  }
0x200: {  	v62 =	vor.u32 $0x1, v18;
	v19 =	vld.idx.msk [tilespmem:v16+s18+$0x0], $0xffff;
	_ =	sdelay $0x4  }
0x201: {  	[tilespmem:v62+s4+$0x0] =	vst.idx.add.f32.msk $0xffff, v19  }
0x202: {  	v63 =	vor.u32 $0x2, v18;
	v19 =	vld.idx.msk [tilespmem:v17+s18+$0x0], $0xffff  }
0x203: {  	v18 =	vor.u32 $0x3, v18  }
.Ltmp15:
0x204: {  	_ = 	snop;
	(pc) =	sbr.rel .LBB2_22-.Ltmp15, $3  }
0x205: {  	_ =	sdelay $0x1  }
0x206: {  	[tilespmem:v63+s4+$0x0] =	vst.idx.add.f32.msk $0xffff, v19  }
0x207: {  	[tilespmem:v18+s4+$0x0] =	vst.idx.add.f32.msk $0xffff, v5  }
.LBB2_21:
0x208: {  	_ =	swait.ge [sflag:s1], $0x2800  }
0x209: {  	[sflag:s1] =	ssyncset.done $0x0  }
0x20a: {  	[sflag:s1] =	ssyncadd.s32 $0xFFFFD800  }
0x20b: {  	[spmem:s2] =	stream.indirect.scatter.add.f32 [tilespmem:s30], [sflag:$0x3], $0x80, s9, s0, $0xb8;
	[tilespmem:$0x1E700] =	vst v63  }
.LBB2_22:
0x20c: {  	_ =	swait.ge [sflag:s16], $0x2800  }
0x20d: {  	[sflag:s16] =	ssyncset.done $0x0  }
0x20e: {  	s8 =	rddreg [dreg:$0x10];
	[sflag:s16] =	ssyncadd.s32 $0xFFFFD800  }
0x20f: {  	[tilespmem:s6], [sflag:$0x2] =	stream.linear.gather [hbm4b:s8+s3], $0x2800, $0x38;
	[tilespmem:$0x1E700] =	vst v63  }
0x210: {  	v18 =	vld [tilespmem:$0x4DD0]  }
0x211: {  	v19 =	vld [tilespmem:$0x4DE0]  }
0x212: {  	v20 =	vld [tilespmem:$0x4DF0]  }
0x213: {  	v21 =	vld [tilespmem:$0x4E00]  }
0x214: {  	v22 =	vld [tilespmem:$0x4E10]  }
0x215: {  	v18 =	vsub.s32 v18, v1  }
0x216: {  	v19 =	vsub.s32 v19, v1;
	v18 =	vmin.u32 v18, $0x1400  }
0x217: {  	[tilespmem:$0x4F00] =	vst v18;
	v18 =	vmin.u32 v19, $0x1400;
	v19 =	vsub.s32 v20, v1  }
0x218: {  	[tilespmem:$0x4F10] =	vst v18;
	v18 =	vmin.u32 v19, $0x1400;
	v19 =	vsub.s32 v21, v1  }
0x219: {  	[tilespmem:$0x4F20] =	vst v18;
	v18 =	vmin.u32 v19, $0x1400;
	v19 =	vsub.s32 v22, v1  }
0x21a: {  	[tilespmem:$0x4F30] =	vst v18;
	v18 =	vmin.u32 v19, $0x1400  }
.Ltmp16:
0x21b: {  	[tilespmem:$0x4F40] =	vst v18;
	(pc) =	sbr.rel @p0 .LBB2_26-.Ltmp16, $4  }
0x21c: {  	_ =	swait.ge [sflag:s10], $0x2800  }
0x21d: {  	[sflag:s10] =	ssyncset.done $0x0  }
0x21e: {  	[sflag:s10] =	ssyncadd.s32 $0xFFFFD800  }
0x21f: {  	[spmem:s2] =	stream.indirect.scatter.add.f32 [tilespmem:s6], [sflag:$0x4], $0x80, s13, s0, $0xb8;
	[tilespmem:$0x1E700] =	vst v63  }
0x220: {  	_ =	swait.ge [sflag:s14], $0x140  }
0x221: {  	[sflag:s14] =	ssyncset.done $0x0  }
0x222: {  	s8 =	simm.s32 $0x0;
	s19 =	simm.s32 $0x0;
	[sflag:s14] =	ssyncadd.s32 $0xFFFFFEC0  }
0x223: {  	v18 =	vor.u32 s8, v0;
	v19 =	vld [tilespmem:s19+$0x4DD0];
	_ =	sdelay $0x4  }
0x224: {  	v18 =	vld.idx.msk [tilespmem:v18+s31+$0x0], $0xffff;
	v19 =	vshll.u32 v19, $0x2  }
0x225: {  	v20 =	vor.u32 s8, v3;
	_ =	sdelay $0x3  }
0x226: {  	[tilespmem:v19+s4+$0x0] =	vst.idx.add.f32.msk $0xffff, v18  }
0x227: {  	v18 =	vld.idx.msk [tilespmem:v20+s31+$0x0], $0xffff;
	v20 =	vor.u32 $0x1, v19  }
0x228: {  	v21 =	vor.u32 s8, v4;
	_ =	sdelay $0x3  }
0x229: {  	[tilespmem:v20+s4+$0x0] =	vst.idx.add.f32.msk $0xffff, v18  }
0x22a: {  	v63 =	vor.u32 $0x2, v19;
	v20 =	vld.idx.msk [tilespmem:v21+s31+$0x0], $0xffff;
	_ =	sdelay $0x1  }
0x22b: {  	v18 =	vor.u32 $0x3, v19;
	_ =	sdelay $0x2  }
0x22c: {  	s8 =	simm.s32 $0x40;
	s19 =	simm.s32 $0x80;
	[tilespmem:v63+s4+$0x0] =	vst.idx.add.f32.msk $0xffff, v20  }
.LBB2_24:
0x22d: {  	p1 =	sne.s32 s19, $0x100  }
0x22e: {  	s21 =	sshra.s32 s8, $0x2;
	v19 =	vor.u32 s8, v0;
	[tilespmem:v18+s4+$0x0] =	vst.idx.add.f32.msk $0xffff, v5;
	s22 =	smov.u32 s19;
	s19 =	sadd.s32 $0x40, s19  }
0x22f: {  	v18 =	vld [tilespmem:s21+$0x4DD0];
	_ =	sdelay $0x3  }
0x230: {  	v19 =	vld.idx.msk [tilespmem:v19+s31+$0x0], $0xffff  }
0x231: {  	v18 =	vshll.u32 v18, $0x2  }
0x232: {  	v20 =	vor.u32 s8, v3;
	_ =	sdelay $0x3  }
0x233: {  	[tilespmem:v18+s4+$0x0] =	vst.idx.add.f32.msk $0xffff, v19  }
0x234: {  	v19 =	vld.idx.msk [tilespmem:v20+s31+$0x0], $0xffff  }
0x235: {  	v20 =	vor.u32 $0x1, v18  }
0x236: {  	v21 =	vor.u32 s8, v4;
	s8 =	smov.u32 s22;
	_ =	sdelay $0x3  }
0x237: {  	[tilespmem:v20+s4+$0x0] =	vst.idx.add.f32.msk $0xffff, v19  }
0x238: {  	v19 =	vld.idx.msk [tilespmem:v21+s31+$0x0], $0xffff  }
0x239: {  	v20 =	vor.u32 $0x2, v18  }
.Ltmp17:
0x23a: {  	v18 =	vor.u32 $0x3, v18;
	(pc) =	sbr.rel @p1 .LBB2_24-.Ltmp17, $2  }
0x23b: {  	_ =	sdelay $0x2  }
0x23c: {  	[tilespmem:v20+s4+$0x0] =	vst.idx.add.f32.msk $0xffff, v19  }
.Ltmp18:
0x23d: {  	_ = 	snop;
	(pc) =	sbr.rel .LBB2_25-.Ltmp18, $1  }
0x23e: {  	_ =	sdelay $0x3  }
.LBB2_27:
0x23f: {  	_ =	sfence.sel $0x180000  }
0x240: {  	[bflag:$0x0] =	sbarrier.arrive $0xFFFF  }
0x241: {  	_ =	strace $0x9000004A  }
0x242: {  	s0 =	stileid.u32;
	[bflag:$0x2] =	sbarrier.arrive $0xFFFF  }
0x243: {  	p0 =	sne.s32 s0, $0x0;
	s0 =	rddreg [dreg:$0x4]  }
0x244: {  	s0 =	sadd.s32 @!p0 $0x100000, s0  }
0x245: {  	[sflag:s0] =	ssyncadd.tile.s32 @!p0 $0x1;
	_ =	shalt  }
.Lfunc_end2:
_tile_overlayer_lowered:
.L_overlay_start_2:
0x246: {  	(tag) =	ssettag $0x2  }
0x247: {  	s0 =	rddreg [dreg:$0x0];
	s2 =	stileid.u32  }
0x248: {  	s1 =	rddreg [dreg:$0x1];
	p0 =	sne.s32 s2, $0x0  }
0x249: {  	s3 =	rddreg [dreg:$0x2];
	[bflag:$0x3] =	sbarrier.arrive $0xFFFF;
	s2 =	simm.s32 @!p0 $0x1C07  }
0x24a: {  	[timem:s3], [sflag:s2] =	dma.local @!p0 [hbm:s0], s1  }
0x24b: {  	s0 =	simm.s32 @!p0 $0x7  }
0x24c: {  	_ =	swait.ge @!p0 [sflag:s0], s1  }
0x24d: {  	s1 =	ssub.s32 @!p0 $0x0, s1;
	[sflag:s0] =	ssyncset.done @!p0 $0x0  }
0x24e: {  	[sflag:s0] =	ssyncadd.s32 @!p0 s1  }
0x24f: {  	[bflag:$0x3] =	sbarrier.arrive $0xFFFF  }
0x250: {  	_ =	shalt  }

// kernel: kernel.7.cloned.1.call-start
scs
__scs_entry_jumppad:
0x0: {  	(pc) =	sbr.rel $0x88, $3  }
0x1: {  	(tag) =	ssettag $0x0;
	lr =	simm.s32 $0x1  }
0x2: {  	[smem:$0x3F91] =	sst lr;
	_ =	strace $0xD0000000  }
0x3: {  	_ = 	snop  }
0x4: {  	_ = 	snop  }
0x5: {  	_ = 	snop  }
0x6: {  	_ = 	snop  }
0x7: {  	_ = 	snop  }
__scs_overlays_trampoline_lowered:
0x8: {  	[smem:$0x3FA0] =	sst s0  }
0x9: {  	[smem:$0x3FA1] =	sst s1  }
0xa: {  	[smem:$0x3FA2] =	sst s2  }
0xb: {  	[smem:$0x3FA3] =	sst s3  }
0xc: {  	[smem:$0x3FA4] =	sst s4  }
0xd: {  	[smem:$0x3FA5] =	sst s5  }
0xe: {  	[smem:$0x3FA6] =	sst s6  }
0xf: {  	[smem:$0x3FA7] =	sst s7  }
0x10: {  	[smem:$0x3FA8] =	sst s8  }
0x11: {  	[smem:$0x3FA9] =	sst s9;
	s0 =	simm.s32 @!p0 $0x0  }
0x12: {  	s1 =	sld [smem:$0x3F8F];
	s0 =	simm.s32 @p0 $0x1  }
0x13: {  	[smem:$0x3FAA] =	sst s0;
	s0 =	simm.s32 @!p1 $0x0  }
0x14: {  	s2 =	sld [smem:$0x3F8E];
	s0 =	simm.s32 @p1 $0x1  }
0x15: {  	[smem:$0x3FAB] =	sst s0;
	s0 =	simm.s32 @!p2 $0x0  }
0x16: {  	s3 =	sld [smem:$0x3FDB];
	s0 =	simm.s32 @p2 $0x1  }
0x17: {  	s4 =	simm.s32 $0x1BF5;
	[smem:$0x3FAD] =	sst s0  }
0x18: {  	s0 =	sld [smem:$0x3F90];
	_ =	swait.ge [sflag:s4], $0x0  }
0x19: {  	s7 =	sld [smem:$0x3F91]  }
0x1a: {  	s8 =	sadd.s32 $0xFFFFE003, lr  }
0x1b: {  	s9 =	sadd.s32 $0xFFFFFEF7, lr;
	s5 =	simm.s32 $0xFFFFFFFF;
	p2 =	slt.u32 s8, $0xFFFFF086  }
0x1c: {  	p1 =	slt.u32 s9, $0xF7A;
	s5 =	simm.s32 @!p2 $0x0  }
0x1d: {  	s5 =	simm.s32 @p1 $0x1;
	p0 =	seq.s32 s7, s2  }
0x1e: {  	s7 =	smul.u32 @!p0 $0xF7A, s2;
	p2 =	seq.s32 @!p0 s5, $0x0  }
0x1f: {  	s9 =	smul.u32 $0xF7A, s1;
	s8 =	simm.s32 @!p0 $0x1BF5;
	p2 =	por !p2, p0  }
0x20: {  	[sflag:s8] =	ssyncset.s32 @!p0 $0xFFFFF086;
	s6 =	sadd.s32 @!p0 s3, s7;
	s7 =	simm.s32 @!p0 $0x108  }
0x21: {  	s3 =	sadd.s32 s3, s9;
	s6 =	sadd.s32 @!p0 $0x88, s6;
	s7 =	simm.s32 @p2 $0x1082  }
0x22: {  	[simem:s7], [sflag:s8] =	dma.local @!p0 [hbm:s6], $0xF7A  }
0x23: {  	s9 =	sor.u32 $0xD0000000, s2;
	s6 =	simm.s32 $0x108;
	_ =	swait.ge @!p0 [sflag:s8], $0x0  }
0x24: {  	s3 =	sadd.s32 $0x88, s3;
	s6 =	simm.s32 @!p1 $0x1082;
	[sflag:s4] =	ssyncset.s32 $0xFFFFF086  }
0x25: {  	[simem:s6], [sflag:s4] =	dma.local [hbm:s3], $0xF7A  }
0x26: {  	[smem:$0x3F91] =	sst s1;
	(tag) =	ssettag s2;
	_ =	strace s9  }
0x27: {  	s1 =	sld [smem:$0x3FA1]  }
0x28: {  	s2 =	sld [smem:$0x3FA2]  }
0x29: {  	s4 =	sld [smem:$0x3FA4]  }
0x2a: {  	p0 =	seq.s32 s5, $0x0;
	s5 =	sld [smem:$0x3FA5]  }
0x2b: {  	s6 =	sld [smem:$0x3FA6]  }
0x2c: {  	s7 =	sld [smem:$0x3FA7]  }
0x2d: {  	s3 =	simm.s32 $0x108;
	s8 =	sld [smem:$0x3FA8]  }
0x2e: {  	s3 =	simm.s32 @!p0 $0x1082;
	s9 =	sld [smem:$0x3FA9]  }
0x2f: {  	lr =	sadd.s32 s0, s3;
	s0 =	sld [smem:$0x3FA0]  }
0x30: {  	s3 =	sld [smem:$0x3FA3]  }
0x31: {  	[smem:$0x3FAC] =	sst s10  }
0x32: {  	s10 =	sld [smem:$0x3FAA];
	_ =	sdelay $0x3  }
0x33: {  	p0 =	seq.s32 s10, $0x1;
	s10 =	sld [smem:$0x3FAC];
	_ =	sdelay $0x3  }
0x34: {  	[smem:$0x3FAC] =	sst s10  }
0x35: {  	s10 =	sld [smem:$0x3FAB];
	_ =	sdelay $0x3  }
0x36: {  	p1 =	seq.s32 s10, $0x1;
	s10 =	sld [smem:$0x3FAC];
	_ =	sdelay $0x3  }
0x37: {  	[smem:$0x3FAC] =	sst s10  }
0x38: {  	s10 =	sld [smem:$0x3FAD]  }
0x39: {  	_ = 	snop;
	(pc) =	sbr.ind lr, $3  }
0x3a: {  	_ = 	snop  }
0x3b: {  	_ = 	snop  }
0x3c: {  	p2 =	seq.s32 s10, $0x1;
	s10 =	sld [smem:$0x3FAC]  }
0x3d: {  	_ =	shalt  }
0x3e: {  	_ =	shalt  }
0x3f: {  	_ =	shalt  }
0x40: {  	_ =	shalt  }
0x41: {  	_ =	shalt  }
0x42: {  	_ =	shalt  }
0x43: {  	_ =	shalt  }
0x44: {  	_ =	shalt  }
0x45: {  	_ =	shalt  }
0x46: {  	_ =	shalt  }
0x47: {  	_ =	shalt  }
0x48: {  	_ =	shalt  }
0x49: {  	_ =	shalt  }
0x4a: {  	_ =	shalt  }
0x4b: {  	_ =	shalt  }
0x4c: {  	_ =	shalt  }
0x4d: {  	_ =	shalt  }
0x4e: {  	_ =	shalt  }
0x4f: {  	_ =	shalt  }
0x50: {  	_ =	shalt  }
0x51: {  	_ =	shalt  }
0x52: {  	_ =	shalt  }
0x53: {  	_ =	shalt  }
0x54: {  	_ =	shalt  }
0x55: {  	_ =	shalt  }
0x56: {  	_ =	shalt  }
0x57: {  	_ =	shalt  }
0x58: {  	_ =	shalt  }
0x59: {  	_ =	shalt  }
0x5a: {  	_ =	shalt  }
0x5b: {  	_ =	shalt  }
0x5c: {  	_ =	shalt  }
0x5d: {  	_ =	shalt  }
0x5e: {  	_ =	shalt  }
0x5f: {  	_ =	shalt  }
0x60: {  	_ =	shalt  }
0x61: {  	_ =	shalt  }
0x62: {  	_ =	shalt  }
0x63: {  	_ =	shalt  }
0x64: {  	_ =	shalt  }
0x65: {  	_ =	shalt  }
0x66: {  	_ =	shalt  }
0x67: {  	_ =	shalt  }
0x68: {  	_ =	shalt  }
0x69: {  	_ =	shalt  }
0x6a: {  	_ =	shalt  }
0x6b: {  	_ =	shalt  }
0x6c: {  	_ =	shalt  }
0x6d: {  	_ =	shalt  }
0x6e: {  	_ =	shalt  }
0x6f: {  	_ =	shalt  }
0x70: {  	_ =	shalt  }
0x71: {  	_ =	shalt  }
0x72: {  	_ =	shalt  }
0x73: {  	_ =	shalt  }
0x74: {  	_ =	shalt  }
0x75: {  	_ =	shalt  }
0x76: {  	_ =	shalt  }
0x77: {  	_ =	shalt  }
0x78: {  	_ =	shalt  }
0x79: {  	_ =	shalt  }
0x7a: {  	_ =	shalt  }
0x7b: {  	_ =	shalt  }
0x7c: {  	_ =	shalt  }
0x7d: {  	_ =	shalt  }
0x7e: {  	_ =	shalt  }
0x7f: {  	_ =	shalt  }
0x80: {  	_ =	shalt  }
0x81: {  	_ =	shalt  }
0x82: {  	_ =	shalt  }
0x83: {  	_ =	shalt  }
0x84: {  	_ =	shalt  }
0x85: {  	_ =	shalt  }
0x86: {  	_ =	shalt  }
0x87: {  	_ =	shalt  }
.Lfunc_end0:
.L_simem_size_0:
called_computation_lowered:
.L_overlay_start_0:
0x88: {  	s2 =	sld [smem:$0x3FD9]  }
0x89: {  	s3 =	sld [smem:$0x3FFE];
	_ =	sdelay $0x1  }
0x8a: {  	s1 =	srdreg.scid  }
0x8b: {  	s0 =	sand.u32 $0x1, s1  }
0x8c: {  	s14 =	sshll.u32 s0, $0xA;
	s2 =	sadd.s32 s3, s2  }
0x8d: {  	s2 =	sadd.s32 s2, s14  }
0x8e: {  	[smem:$0x3FB8] =	sst s2  }
0x8f: {  	_ = 	snop  }
0x90: {  	s2 =	sld [smem:$0x3FD0];
	_ =	sdelay $0x2  }
0x91: {  	s15 =	simm.s32 $0xA;
	s4 =	simm.s32 $0x10  }
0x92: {  	[smem:s4], [sflag:s15] =	dma.local [hbm:s2], $0x1  }
0x93: {  	_ =	swait.eq [sflag:s15], $0x1  }
0x94: {  	[sflag:s15] =	ssyncset.done $0x0  }
0x95: {  	s16 =	sld [smem:$0x10];
	[sflag:s15] =	ssyncadd.s32 $0xFFFFFFFF  }
0x96: {  	s17 =	sld [smem:$0x12];
	(tm) =	ssettm $0x1  }
0x97: {  	s18 =	sld [smem:$0x3FFB];
	_ =	sdelay $0x3  }
0x98: {  	_ =	strace s18  }
0x99: {  	s4 =	sld [smem:$0x3FFC];
	_ =	sdelay $0x3  }
0x9a: {  	_ =	strace s4  }
0x9b: {  	s4 =	sld [smem:$0x3FFD];
	_ =	sdelay $0x3  }
0x9c: {  	_ =	strace s4  }
0x9d: {  	_ =	strace $0x8FFFFFFF  }
0x9e: {  	s19 =	sld [smem:$0x3FDB];
	_ =	sdelay $0x1  }
0x9f: {  	s5 =	simm.s32 $_scs_section_size  }
0xa0: {  	s6 =	simm.s32 $_size__tile_overlayer_lowered;
	s7 =	simm.s32 $_tile_overlayer_lowered  }
0xa1: {  	s22 =	simm.s32 $0x1BFF;
	s21 =	sshll.u32 s7, $0x1;
	s4 =	sadd.s32 s5, s19  }
0xa2: {  	s8 =	simm.s32 $0x0;
	s20 =	sshll.u32 s6, $0x1;
	s6 =	sadd.s32 s21, s4  }
0xa3: {  	[timem:s8], [sflag:s22] =	dma.local [hbm:s6], s20  }
0xa4: {  	_ =	swait.ge [sflag:s22], s20  }
0xa5: {  	s5 =	ssub.s32 $0x0, s20;
	[sflag:s22] =	ssyncset.done $0x0  }
0xa6: {  	[sflag:s22] =	ssyncadd.s32 s5;
	_ =	sdelay $0x1  }
0xa7: {  	s23 =	simm.s32 $0x1B8B  }
0xa8: {  	_ =	swait.ge [sflag:s23], $0x1  }
0xa9: {  	[sflag:s23] =	ssyncset.done $0x0  }
0xaa: {  	s25 =	simm.s32 $0x1B8E;
	s24 =	sld [smem:$0x3FFE];
	[sflag:s23] =	ssyncadd.s32 $0xFFFFFFFF  }
0xab: {  	s26 =	simm.s32 $execute0_lowered;
	[smem:$0x3FD2] =	sst s25  }
0xac: {  	s6 =	sshll.u32 s26, $0x1;
	_ =	strace $0x80000046;
	[dreg:$0x1] =	wrdreg $0xFFFFFFFF  }
0xad: {  	s28 =	simm.s32 $_size_execute0_lowered;
	s4 =	sadd.s32 s4, s6;
	[dreg:$0x0] =	wrdreg $0x0  }
0xae: {  	s6 =	sshll.u32 s28, $0x1;
	[dreg:$0x2] =	wrdreg s4  }
0xaf: {  	[dreg:$0x3] =	wrdreg s6  }
0xb0: {  	[dreg:$0x4] =	wrdreg $0xC0  }
0xb1: {  	_ =	task [dreg:s8], $0x5FFFF  }
0xb2: {  	[dreg:$0x1] =	wrdreg $0xFFFFFFFF  }
0xb3: {  	[dreg:$0x0] =	wrdreg $0x60  }
0xb4: {  	[dreg:$0x2] =	wrdreg s24  }
0xb5: {  	[dreg:$0x3] =	wrdreg s16  }
0xb6: {  	[dreg:$0x4] =	wrdreg s17  }
0xb7: {  	[dreg:$0x5] =	wrdreg $0x9  }
0xb8: {  	_ =	task.clear_ibuf [dreg:s8], $0x6FFFF;
	_ =	strace $0x90000046  }
0xb9: {  	s29 =	simm.s32 $0x9;
	_ =	strace $0x80000048  }
0xba: {  	_ =	swait.ge [sflag:s29], $0x1  }
0xbb: {  	[sflag:s29] =	ssyncadd.s32 $0xFFFFFFFF  }
0xbc: {  	_ =	strace $0x90000048  }
0xbd: {  	_ =	sfence  }
0xbe: {  	s30 =	sld [smem:$0x0];
	_ =	sdelay $0x2  }
0xbf: {  	s31 =	sshll.u32 s1, $0xD;
	s1 =	sshrl.u32 s1, $0x2  }
0xc0: {  	s3 =	sand.u32 $0x4000, s31;
	s1 =	sadd.s32 s1, s30  }
0xc1: {  	s0 =	sor.u32 s3, s0;
	s1 =	sshll.u32 s1, $0x11  }
0xc2: {  	s0 =	sor.u32 s1, s0  }
0xc3: {  	s0 =	sadd.s32 $0x8F2B, s0  }
0xc4: {  	[sflag:s0] =	ssyncadd.remote.s32 $0x1  }
0xc5: {  	_ =	sfence.sel $0xFFFF  }
0xc6: {  	[dreg:$0x0] =	wrdreg $0xFFFFFFFF;
	(pc) =	sbr.abs _section_cstart, $3  }
0xc7: {  	[dreg:$0x1] =	wrdreg $0xFFFFFFFF  }
0xc8: {  	_ =	task.clear_ibuf [dreg:s8], $0x2FFFF;
	_ =	strace $0x9FFFFFFF  }
0xc9: {  	(tm) =	ssettm $0x7FFFFFFF  }
tec
execute0_lowered:
.L_overlay_start_1:
0x0: {  	(tag) =	ssettag $0x1  }
0x1: {  	s0 =	srdreg.scid  }
0x2: {  	s2 =	stileid.u32;
	s1 =	rddreg [dreg:$0x0];
	s5 =	simm.s32 $0x0  }
0x3: {  	s29 =	simm.s32 $0xC700;
	s30 =	simm.s32 $0x18D00;
	s31 =	simm.s32 $0x2  }
0x4: {  	s28 =	simm.s32 $0x5;
	s3 =	sshll.u32 s2, $0x1;
	s2 =	rddreg [dreg:$0x1]  }
0x5: {  	s0 =	sand.u32 $0x1, s0;
	[smem:$0x7FF] =	sst s5;
	s14 =	sadd.s32 $0x19000, s1  }
0x6: {  	s8 =	sadd.s32 $0x1A400, s1;
	s6 =	sor.u32 s0, s3;
	s3 =	rddreg [dreg:$0x2]  }
0x7: {  	_ =	strace $0x80000047;
	s0 =	ssub.s32 $0x2, s0;
	s4 =	smul.u32 $0x2710, s6  }
0x8: {  	[dreg:$0x4] =	wrdreg s14;
	s15 =	sshrl.u32 s0, $0x1;
	s10 =	smul.u32 $0x27100, s6  }
0x9: {  	s17 =	smul.u32 $0x1388, s6;
	s6 =	simm.s32 $0x0;
	s0 =	ssub.s32 s0, s15  }
0xa: {  	s7 =	sshrl.u32 s4, $0x3;
	s20 =	sadd.s32 $0x50, s4;
	s22 =	sadd.s32 $0x26C0, s4  }
0xb: {  	s0 =	smax.u32 s0, $0x1;
	s9 =	sadd.s32 s7, s1;
	s7 =	sadd.s32 $0x41600, s1  }
0xc: {  	s1 =	sadd.s32 s8, s17;
	s21 =	sshll.u32 s20, $0x4;
	s23 =	sshrl.u32 s20, $0x1  }
0xd: {  	s24 =	sshll.u32 s22, $0x4;
	s26 =	sshrl.u32 s22, $0x1;
	[dreg:$0xd] =	wrdreg s0  }
0xe: {  	s20 =	simm.s32 $0xEF00;
	s16 =	sadd.s32 $0xF200, s9;
	[dreg:$0x8] =	wrdreg s1  }
0xf: {  	s22 =	simm.s32 $0x4F00;
	s18 =	sadd.s32 $0x5400, s9;
	[dreg:$0x5] =	wrdreg s16  }
0x10: {  	s0 =	simm.s32 $0x3;
	s19 =	sadd.s32 s7, s10;
	[dreg:$0x6] =	wrdreg s18  }
0x11: {  	s1 =	sadd.s32 s7, s21;
	s25 =	sadd.s32 s7, s24;
	[dreg:$0x7] =	wrdreg s19  }
0x12: {  	s21 =	simm.s32 $0x50;
	s24 =	simm.s32 $0x18B80;
	[dreg:$0x9] =	wrdreg s1  }
0x13: {  	s1 =	sadd.s32 s8, s23;
	[dreg:$0xb] =	wrdreg s25;
	s23 =	simm.s32 $0x9F00  }
0x14: {  	v0 =	vlaneseq.u32;
	s25 =	simm.s32 $0x1;
	[dreg:$0xa] =	wrdreg s1;
	s1 =	sadd.s32 s8, s26  }
0x15: {  	v0 =	vmul.u32 $0x4, v0;
	s26 =	simm.s32 $0x7700;
	[dreg:$0xc] =	wrdreg s1;
	s1 =	simm.s32 $0x4  }
.LBB2_1:
0x16: {  	s9 =	rddreg [dreg:$0x5];
	s10 =	simm.s32 $0x6  }
0x17: {  	[tilespmem:s5], [sflag:$0x6] =	stream.linear.gather [hbm4b:s9+s5], $0x2710, $0x38;
	[tilespmem:$0x18E80] =	vst v63  }
0x18: {  	_ =	swait.ge [sflag:s10], $0x2710  }
0x19: {  	[sflag:s10] =	ssyncset.done $0x0  }
0x1a: {  	s11 =	simm.s32 $0x2780;
	s14 =	rddreg [dreg:$0x6];
	[sflag:s10] =	ssyncadd.s32 $0xFFFFD8F0  }
0x1b: {  	[tilespmem:s11], [sflag:$0x6] =	stream.linear.gather [hbm4b:s14+s5], $0x2710, $0x38;
	[tilespmem:$0x18E80] =	vst v63  }
0x1c: {  	_ =	swait.ge [sflag:s10], $0x2710  }
0x1d: {  	[sflag:s10] =	ssyncset.done $0x0  }
0x1e: {  	s15 =	rddreg [dreg:$0x4];
	[sflag:s10] =	ssyncadd.s32 $0xFFFFD8F0  }
0x1f: {  	[tilespmem:s20], [sflag:$0x6] =	stream.linear.gather [hbm4b:s15+s5], $0x9C80, $0x38;
	[tilespmem:$0x18E80] =	vst v63  }
0x20: {  	_ =	swait.ge [sflag:s10], $0x9C80  }
0x21: {  	[sflag:s10] =	ssyncset.done $0x0  }
0x22: {  	[sflag:s10] =	ssyncadd.s32 $0xFFFF6380  }
0x23: {  	[tilespmem:s22], [sflag:$0x1] =	stream.indirect.gather [hbm4b:s2+s21], $0x80, s5, s21, $0xb8;
	[tilespmem:$0x18E80] =	vst v63  }
0x24: {  	s16 =	simm.s32 $0x0  }
0x25: {  	[tilespmem:s23], [sflag:$0x1] =	stream.indirect.gather [hbm4b:s3+s21], $0x80, s11, s21, $0xb8;
	[tilespmem:$0x18E80] =	vst v63  }
0x26: {  	v1 =	vld [tilespmem:s16+$0x0]  }
0x27: {  	v2 =	vld [tilespmem:s16+$0x2780];
	_ =	sdelay $0x3  }
0x28: {  	v1 =	vshll.u32 v1, $0x2  }
0x29: {  	v2 =	vshll.u32 v2, $0x2;
	_ =	sdelay $0x3  }
0x2a: {  	v3 =	vld.idx.msk [tilespmem:v1+s20+$0x0], $0xffff  }
0x2b: {  	v4 =	vld.idx.msk [tilespmem:v2+s20+$0x0], $0xffff;
	_ =	sdelay $0x1  }
0x2c: {  	v5 =	vor.u32 s5, v0  }
0x2d: {  	v6 =	vor.u32 $0x1, v1  }
0x2e: {  	v7 =	vor.u32 $0x1, v2  }
0x2f: {  	v3 =	vsub.f32 v3, v4;
	_ =	sdelay $0x1  }
0x30: {  	[tilespmem:v5+s24+$0x0] =	vst.idx.msk $0xffff, v3  }
0x31: {  	v4 =	vld.idx.msk [tilespmem:v6+s20+$0x0], $0xffff  }
0x32: {  	v5 =	vld.idx.msk [tilespmem:v7+s20+$0x0], $0xffff  }
0x33: {  	s17 =	simm.s32 $0x1  }
0x34: {  	v62 =	vor.u32 s17, v0  }
0x35: {  	v1 =	vor.u32 $0x2, v1  }
0x36: {  	v2 =	vor.u32 $0x2, v2  }
0x37: {  	v4 =	vsub.f32 v4, v5;
	_ =	sdelay $0x1  }
0x38: {  	[tilespmem:v62+s24+$0x0] =	vst.idx.msk $0xffff, v4  }
0x39: {  	v1 =	vld.idx.msk [tilespmem:v1+s20+$0x0], $0xffff  }
0x3a: {  	v2 =	vld.idx.msk [tilespmem:v2+s20+$0x0], $0xffff  }
0x3b: {  	s18 =	simm.s32 $0x2  }
0x3c: {  	v5 =	vor.u32 s18, v0;
	_ =	sdelay $0x2  }
0x3d: {  	s19 =	simm.s32 $0x3;
	v3 =	vmul.f32 v3, v3;
	v4 =	vmul.f32 v4, v4;
	v63 =	vsub.f32 v1, v2  }
0x3e: {  	v1 =	vor.u32 s19, v0  }
0x3f: {  	s9 =	simm.s32 $0x40;
	v2 =	vadd.f32 v4, v3;
	[tilespmem:v5+s24+$0x0] =	vst.idx.msk $0xffff, v63;
	v3 =	vmul.f32 v63, v63  }
.LBB2_2:
0x40: {  	p0 =	sne.s32 s9, $0x100;
	s10 =	smov.u32 s9;
	s9 =	sadd.s32 $0x40, s9  }
0x41: {  	v2 =	vadd.f32 v3, v2;
	_ =	sdelay $0x1  }
0x42: {  	s11 =	sshra.s32 s10, $0x2;
	[tilespmem:v1+s24+$0x0] =	vst.idx.msk $0xffff, v2  }
0x43: {  	v1 =	vld [tilespmem:s11+$0x0]  }
0x44: {  	v2 =	vld [tilespmem:s11+$0x2780];
	_ =	sdelay $0x3  }
0x45: {  	v1 =	vshll.u32 v1, $0x2  }
0x46: {  	v2 =	vshll.u32 v2, $0x2;
	_ =	sdelay $0x3  }
0x47: {  	v3 =	vld.idx.msk [tilespmem:v1+s20+$0x0], $0xffff  }
0x48: {  	v4 =	vld.idx.msk [tilespmem:v2+s20+$0x0], $0xffff;
	_ =	sdelay $0x1  }
0x49: {  	v5 =	vor.u32 s10, v0;
	_ =	sdelay $0x1  }
0x4a: {  	v6 =	vor.u32 $0x1, v1;
	v7 =	vor.u32 $0x1, v2;
	_ =	sdelay $0x1  }
0x4b: {  	v3 =	vsub.f32 v3, v4;
	_ =	sdelay $0x1  }
0x4c: {  	[tilespmem:v5+s24+$0x0] =	vst.idx.msk $0xffff, v3  }
0x4d: {  	v4 =	vld.idx.msk [tilespmem:v6+s20+$0x0], $0xffff  }
0x4e: {  	s11 =	sadd.s32 $0x1, s10;
	v5 =	vld.idx.msk [tilespmem:v7+s20+$0x0], $0xffff  }
0x4f: {  	v6 =	vor.u32 s11, v0;
	_ =	sdelay $0x2  }
0x50: {  	v1 =	vor.u32 $0x2, v1;
	v2 =	vor.u32 $0x2, v2;
	_ =	sdelay $0x1  }
0x51: {  	v4 =	vsub.f32 v4, v5;
	_ =	sdelay $0x1  }
0x52: {  	[tilespmem:v6+s24+$0x0] =	vst.idx.msk $0xffff, v4;
	v4 =	vmul.f32 v4, v4  }
0x53: {  	v5 =	vld.idx.msk [tilespmem:v1+s20+$0x0], $0xffff  }
0x54: {  	v6 =	vld.idx.msk [tilespmem:v2+s20+$0x0], $0xffff;
	_ =	sdelay $0x1  }
0x55: {  	s11 =	sadd.s32 $0x2, s10  }
0x56: {  	s10 =	sadd.s32 $0x3, s10;
	v2 =	vmul.f32 v3, v3;
	v3 =	vor.u32 s11, v0  }
.Ltmp0:
0x57: {  	v1 =	vor.u32 s10, v0;
	(pc) =	sbr.rel @p0 .LBB2_2-.Ltmp0, $3  }
0x58: {  	v2 =	vadd.f32 v4, v2  }
0x59: {  	v4 =	vsub.f32 v5, v6;
	_ =	sdelay $0x1  }
0x5a: {  	[tilespmem:v3+s24+$0x0] =	vst.idx.msk $0xffff, v4;
	v3 =	vmul.f32 v4, v4  }
0x5b: {  	_ =	sdelay $0x1  }
0x5c: {  	v2 =	vadd.f32 v3, v2;
	_ =	sdelay $0x1  }
0x5d: {  	[tilespmem:v1+s24+$0x0] =	vst.idx.msk $0xffff, v2  }
0x5e: {  	_ =	swait.ge [sflag:s25], $0x2800  }
0x5f: {  	[sflag:s25] =	ssyncset.done $0x0  }
0x60: {  	[sflag:s25] =	ssyncadd.s32 $0xFFFFD800  }
0x61: {  	_ =	swait.ge [sflag:s25], $0x2800  }
0x62: {  	[sflag:s25] =	ssyncset.done $0x0  }
0x63: {  	s9 =	simm.s32 $0x0;
	[sflag:s25] =	ssyncadd.s32 $0xFFFFD800  }
0x64: {  	s10 =	simm.s32 $0x40;
	v1 =	vld [tilespmem:s9+$0x9F00]  }
.LBB2_4:
0x65: {  	p0 =	sne.s32 s10, $0x9FC0;
	v2 =	vld [tilespmem:s9+$0x4F00];
	_ =	sdelay $0x2  }
.Ltmp1:
0x66: {  	(pc) =	sbr.rel @p0 .LBB2_4-.Ltmp1, $4  }
0x67: {  	_ = 	snop  }
0x68: {  	v2 =	vadd.f32 v1, v2  }
0x69: {  	s11 =	sshra.s32 s10, $0x2  }
0x6a: {  	s10 =	sadd.s32 $0x40, s10;
	v1 =	vld [tilespmem:s11+$0x9F00];
	[tilespmem:s9+$0x4F00] =	vst v2;
	s9 =	smov.u32 s11  }
0x6b: {  	v2 =	vld [tilespmem:s9+$0x4F00];
	_ =	sdelay $0x4  }
0x6c: {  	v1 =	vadd.f32 v1, v2;
	_ =	sdelay $0x1  }
0x6d: {  	s13 =	simm.s32 $0x0;
	s10 =	rddreg [dreg:$0x7];
	[tilespmem:s9+$0x4F00] =	vst v1  }
0x6e: {  	[hbm4b:s10+s13] =	stream.linear.scatter [tilespmem:s22], [sflag:$0x2], $0x2800, $0x38;
	[tilespmem:$0x18E80] =	vst v63  }
0x6f: {  	s14 =	rddreg [dreg:$0x8]  }
0x70: {  	[hbm4b:s14+s13] =	stream.linear.scatter [tilespmem:s24], [sflag:$0x4], $0x140, $0x38;
	[tilespmem:$0x18E80] =	vst v63  }
0x71: {  	_ = 	snop  }
0x72: {  	[tilespmem:s26], [sflag:$0x1] =	stream.indirect.gather [hbm4b:s2+s21], $0x80, s21, s21, $0xb8;
	[tilespmem:$0x18E80] =	vst v63  }
0x73: {  	s15 =	simm.s32 $0x27D0;
	s16 =	simm.s32 $0x0  }
0x74: {  	[tilespmem:s29], [sflag:$0x1] =	stream.indirect.gather [hbm4b:s3+s21], $0x80, s15, s21, $0xb8;
	[tilespmem:$0x18E80] =	vst v63  }
0x75: {  	v1 =	vld [tilespmem:s16+$0x50]  }
0x76: {  	v2 =	vld [tilespmem:s16+$0x27D0];
	_ =	sdelay $0x3  }
0x77: {  	v1 =	vshll.u32 v1, $0x2  }
0x78: {  	v2 =	vshll.u32 v2, $0x2;
	_ =	sdelay $0x3  }
0x79: {  	v3 =	vld.idx.msk [tilespmem:v1+s20+$0x0], $0xffff  }
0x7a: {  	v4 =	vld.idx.msk [tilespmem:v2+s20+$0x0], $0xffff;
	_ =	sdelay $0x1  }
0x7b: {  	v5 =	vor.u32 s13, v0  }
0x7c: {  	v6 =	vor.u32 $0x1, v1  }
0x7d: {  	v7 =	vor.u32 $0x1, v2  }
0x7e: {  	v3 =	vsub.f32 v3, v4;
	_ =	sdelay $0x1  }
0x7f: {  	[tilespmem:v5+s30+$0x0] =	vst.idx.msk $0xffff, v3  }
0x80: {  	v4 =	vld.idx.msk [tilespmem:v6+s20+$0x0], $0xffff  }
0x81: {  	v5 =	vld.idx.msk [tilespmem:v7+s20+$0x0], $0xffff  }
0x82: {  	s17 =	simm.s32 $0x1  }
0x83: {  	v62 =	vor.u32 s17, v0  }
0x84: {  	v1 =	vor.u32 $0x2, v1  }
0x85: {  	v2 =	vor.u32 $0x2, v2  }
0x86: {  	v4 =	vsub.f32 v4, v5;
	_ =	sdelay $0x1  }
0x87: {  	[tilespmem:v62+s30+$0x0] =	vst.idx.msk $0xffff, v4  }
0x88: {  	v1 =	vld.idx.msk [tilespmem:v1+s20+$0x0], $0xffff  }
0x89: {  	v2 =	vld.idx.msk [tilespmem:v2+s20+$0x0], $0xffff  }
0x8a: {  	s18 =	simm.s32 $0x2  }
0x8b: {  	v5 =	vor.u32 s18, v0;
	_ =	sdelay $0x2  }
0x8c: {  	s19 =	simm.s32 $0x3;
	v3 =	vmul.f32 v3, v3;
	v4 =	vmul.f32 v4, v4;
	v63 =	vsub.f32 v1, v2  }
0x8d: {  	v1 =	vor.u32 s19, v0  }
0x8e: {  	s9 =	simm.s32 $0x40;
	v2 =	vadd.f32 v4, v3;
	[tilespmem:v5+s30+$0x0] =	vst.idx.msk $0xffff, v63;
	v3 =	vmul.f32 v63, v63  }
.LBB2_6:
0x8f: {  	p0 =	sne.s32 s9, $0x100;
	s10 =	smov.u32 s9;
	s9 =	sadd.s32 $0x40, s9  }
0x90: {  	v2 =	vadd.f32 v3, v2;
	_ =	sdelay $0x1  }
0x91: {  	s11 =	sshra.s32 s10, $0x2;
	[tilespmem:v1+s30+$0x0] =	vst.idx.msk $0xffff, v2  }
0x92: {  	v1 =	vld [tilespmem:s11+$0x50]  }
0x93: {  	v2 =	vld [tilespmem:s11+$0x27D0];
	_ =	sdelay $0x3  }
0x94: {  	v1 =	vshll.u32 v1, $0x2  }
0x95: {  	v2 =	vshll.u32 v2, $0x2;
	_ =	sdelay $0x3  }
0x96: {  	v3 =	vld.idx.msk [tilespmem:v1+s20+$0x0], $0xffff  }
0x97: {  	v4 =	vld.idx.msk [tilespmem:v2+s20+$0x0], $0xffff;
	_ =	sdelay $0x1  }
0x98: {  	v5 =	vor.u32 s10, v0;
	_ =	sdelay $0x1  }
0x99: {  	v6 =	vor.u32 $0x1, v1;
	v7 =	vor.u32 $0x1, v2;
	_ =	sdelay $0x1  }
0x9a: {  	v3 =	vsub.f32 v3, v4;
	_ =	sdelay $0x1  }
0x9b: {  	[tilespmem:v5+s30+$0x0] =	vst.idx.msk $0xffff, v3  }
0x9c: {  	v4 =	vld.idx.msk [tilespmem:v6+s20+$0x0], $0xffff  }
0x9d: {  	s11 =	sadd.s32 $0x1, s10;
	v5 =	vld.idx.msk [tilespmem:v7+s20+$0x0], $0xffff  }
0x9e: {  	v6 =	vor.u32 s11, v0;
	_ =	sdelay $0x2  }
0x9f: {  	v1 =	vor.u32 $0x2, v1;
	v2 =	vor.u32 $0x2, v2;
	_ =	sdelay $0x1  }
0xa0: {  	v4 =	vsub.f32 v4, v5;
	_ =	sdelay $0x1  }
0xa1: {  	[tilespmem:v6+s30+$0x0] =	vst.idx.msk $0xffff, v4;
	v4 =	vmul.f32 v4, v4  }
0xa2: {  	v5 =	vld.idx.msk [tilespmem:v1+s20+$0x0], $0xffff  }
0xa3: {  	v6 =	vld.idx.msk [tilespmem:v2+s20+$0x0], $0xffff;
	_ =	sdelay $0x1  }
0xa4: {  	s11 =	sadd.s32 $0x2, s10  }
0xa5: {  	s10 =	sadd.s32 $0x3, s10;
	v2 =	vmul.f32 v3, v3;
	v3 =	vor.u32 s11, v0  }
.Ltmp2:
0xa6: {  	v1 =	vor.u32 s10, v0;
	(pc) =	sbr.rel @p0 .LBB2_6-.Ltmp2, $3  }
0xa7: {  	v2 =	vadd.f32 v4, v2  }
0xa8: {  	v4 =	vsub.f32 v5, v6;
	_ =	sdelay $0x1  }
0xa9: {  	[tilespmem:v3+s30+$0x0] =	vst.idx.msk $0xffff, v4;
	v3 =	vmul.f32 v4, v4  }
0xaa: {  	_ =	sdelay $0x1  }
0xab: {  	v2 =	vadd.f32 v3, v2;
	_ =	sdelay $0x1  }
0xac: {  	[tilespmem:v1+s30+$0x0] =	vst.idx.msk $0xffff, v2  }
0xad: {  	_ =	swait.ge [sflag:s25], $0x2800  }
0xae: {  	[sflag:s25] =	ssyncset.done $0x0  }
0xaf: {  	[sflag:s25] =	ssyncadd.s32 $0xFFFFD800  }
0xb0: {  	_ =	swait.ge [sflag:s25], $0x2800  }
0xb1: {  	[sflag:s25] =	ssyncset.done $0x0  }
0xb2: {  	s9 =	simm.s32 $0x0;
	[sflag:s25] =	ssyncadd.s32 $0xFFFFD800  }
0xb3: {  	s10 =	simm.s32 $0x40;
	v1 =	vld [tilespmem:s9+$0xC700]  }
.LBB2_8:
0xb4: {  	p0 =	sne.s32 s10, $0x9FC0;
	v2 =	vld [tilespmem:s9+$0x7700];
	_ =	sdelay $0x2  }
.Ltmp3:
0xb5: {  	(pc) =	sbr.rel @p0 .LBB2_8-.Ltmp3, $4  }
0xb6: {  	_ = 	snop  }
0xb7: {  	v2 =	vadd.f32 v1, v2  }
0xb8: {  	s11 =	sshra.s32 s10, $0x2  }
0xb9: {  	s10 =	sadd.s32 $0x40, s10;
	v1 =	vld [tilespmem:s11+$0xC700];
	[tilespmem:s9+$0x7700] =	vst v2;
	s9 =	smov.u32 s11  }
0xba: {  	v2 =	vld [tilespmem:s9+$0x7700];
	_ =	sdelay $0x4  }
0xbb: {  	v1 =	vadd.f32 v1, v2;
	_ =	sdelay $0x1  }
0xbc: {  	s10 =	rddreg [dreg:$0x9];
	[tilespmem:s9+$0x7700] =	vst v1;
	s9 =	simm.s32 $0x0  }
0xbd: {  	[hbm4b:s10+s9] =	stream.linear.scatter [tilespmem:s26], [sflag:$0x3], $0x2800, $0x38;
	[tilespmem:$0x18E80] =	vst v63  }
0xbe: {  	s19 =	rddreg [dreg:$0xa];
	s11 =	simm.s32 $0xF0;
	s12 =	simm.s32 $0x2870  }
0xbf: {  	[hbm4b:s19+s9] =	stream.linear.scatter [tilespmem:s30], [sflag:$0x5], $0x140, $0x38;
	[tilespmem:$0x18E80] =	vst v63  }
0xc0: {  	s13 =	simm.s32 $0x0;
	s10 =	simm.s32 $0xA0;
	s19 =	simm.s32 $0x2820  }
.LBB2_10:
0xc1: {  	_ =	swait.ge [sflag:s31], $0x2800  }
0xc2: {  	[sflag:s31] =	ssyncset.done $0x0  }
0xc3: {  	[sflag:s31] =	ssyncadd.s32 $0xFFFFD800  }
0xc4: {  	s14 =	smul.u32 $0xA0, s13;
	_ =	swait.ge [sflag:s1], $0x140  }
0xc5: {  	v1 =	vmov s10;
	[sflag:s1] =	ssyncset.done $0x0  }
0xc6: {  	v2 =	vmov s19;
	s15 =	sadd.s32 $0xA0, s14;
	[sflag:s1] =	ssyncadd.s32 $0xFFFFFEC0  }
0xc7: {  	[tilespmem:s22], [sflag:$0x1] =	stream.indirect.gather [hbm4b:s2+s21], $0x80, s15, s21, $0xb8;
	[tilespmem:$0x18E80] =	vst v63  }
0xc8: {  	s18 =	simm.s32 $0x0;
	s16 =	sadd.s32 $0x2820, s14  }
0xc9: {  	[tilespmem:s23], [sflag:$0x1] =	stream.indirect.gather [hbm4b:s3+s21], $0x80, s16, s21, $0xb8;
	[tilespmem:$0x18E80] =	vst v63  }
0xca: {  	v3 =	vld.idx.msk [tilespmem:v1+s18+$0x0 ss:$0x1], $0xffff  }
0xcb: {  	v4 =	vld.idx.msk [tilespmem:v2+s18+$0x0 ss:$0x1], $0xffff;
	_ =	sdelay $0x3  }
0xcc: {  	v3 =	vshll.u32 v3, $0x2  }
0xcd: {  	v4 =	vshll.u32 v4, $0x2;
	_ =	sdelay $0x3  }
0xce: {  	v5 =	vld.idx.msk [tilespmem:v3+s20+$0x0], $0xffff  }
0xcf: {  	v6 =	vld.idx.msk [tilespmem:v4+s20+$0x0], $0xffff;
	_ =	sdelay $0x1  }
0xd0: {  	v7 =	vor.u32 s9, v0  }
0xd1: {  	v8 =	vor.u32 $0x1, v3  }
0xd2: {  	v9 =	vor.u32 $0x1, v4  }
0xd3: {  	v5 =	vsub.f32 v5, v6;
	_ =	sdelay $0x1  }
0xd4: {  	[tilespmem:v7+s24+$0x0] =	vst.idx.msk $0xffff, v5  }
0xd5: {  	v6 =	vld.idx.msk [tilespmem:v8+s20+$0x0], $0xffff  }
0xd6: {  	v7 =	vld.idx.msk [tilespmem:v9+s20+$0x0], $0xffff  }
0xd7: {  	s17 =	simm.s32 $0x1  }
0xd8: {  	v62 =	vor.u32 s17, v0  }
0xd9: {  	v3 =	vor.u32 $0x2, v3  }
0xda: {  	v4 =	vor.u32 $0x2, v4  }
0xdb: {  	v6 =	vsub.f32 v6, v7;
	_ =	sdelay $0x1  }
0xdc: {  	[tilespmem:v62+s24+$0x0] =	vst.idx.msk $0xffff, v6  }
0xdd: {  	v3 =	vld.idx.msk [tilespmem:v3+s20+$0x0], $0xffff  }
0xde: {  	v4 =	vld.idx.msk [tilespmem:v4+s20+$0x0], $0xffff  }
0xdf: {  	s18 =	simm.s32 $0x2  }
0xe0: {  	v7 =	vor.u32 s18, v0;
	_ =	sdelay $0x2  }
0xe1: {  	s17 =	simm.s32 $0x3;
	v5 =	vmul.f32 v5, v5;
	v6 =	vmul.f32 v6, v6;
	v63 =	vsub.f32 v3, v4  }
0xe2: {  	v3 =	vor.u32 s17, v0  }
0xe3: {  	s16 =	simm.s32 $0x40;
	v4 =	vadd.f32 v6, v5;
	[tilespmem:v7+s24+$0x0] =	vst.idx.msk $0xffff, v63;
	v5 =	vmul.f32 v63, v63  }
.LBB2_11:
0xe4: {  	p0 =	sne.s32 s16, $0x100;
	s17 =	smov.u32 s16;
	s16 =	sadd.s32 $0x40, s16  }
0xe5: {  	v4 =	vadd.f32 v5, v4;
	_ =	sdelay $0x1  }
0xe6: {  	s18 =	sshra.s32 s17, $0x2;
	[tilespmem:v3+s24+$0x0] =	vst.idx.msk $0xffff, v4  }
0xe7: {  	v3 =	vld.idx.msk [tilespmem:v1+s18+$0x0 ss:$0x1], $0xffff  }
0xe8: {  	v4 =	vld.idx.msk [tilespmem:v2+s18+$0x0 ss:$0x1], $0xffff;
	_ =	sdelay $0x4  }
0xe9: {  	v3 =	vshll.u32 v3, $0x2  }
0xea: {  	v4 =	vshll.u32 v4, $0x2;
	_ =	sdelay $0x3  }
0xeb: {  	v5 =	vld.idx.msk [tilespmem:v3+s20+$0x0], $0xffff  }
0xec: {  	v6 =	vld.idx.msk [tilespmem:v4+s20+$0x0], $0xffff;
	_ =	sdelay $0x1  }
0xed: {  	v7 =	vor.u32 s17, v0;
	_ =	sdelay $0x1  }
0xee: {  	v8 =	vor.u32 $0x1, v3;
	v9 =	vor.u32 $0x1, v4;
	_ =	sdelay $0x1  }
0xef: {  	v5 =	vsub.f32 v5, v6;
	_ =	sdelay $0x1  }
0xf0: {  	[tilespmem:v7+s24+$0x0] =	vst.idx.msk $0xffff, v5  }
0xf1: {  	v6 =	vld.idx.msk [tilespmem:v8+s20+$0x0], $0xffff  }
0xf2: {  	s18 =	sadd.s32 $0x1, s17;
	v7 =	vld.idx.msk [tilespmem:v9+s20+$0x0], $0xffff  }
0xf3: {  	v8 =	vor.u32 s18, v0;
	_ =	sdelay $0x2  }
0xf4: {  	v3 =	vor.u32 $0x2, v3;
	v4 =	vor.u32 $0x2, v4;
	_ =	sdelay $0x1  }
0xf5: {  	v6 =	vsub.f32 v6, v7;
	_ =	sdelay $0x1  }
0xf6: {  	[tilespmem:v8+s24+$0x0] =	vst.idx.msk $0xffff, v6;
	v6 =	vmul.f32 v6, v6  }
0xf7: {  	v7 =	vld.idx.msk [tilespmem:v3+s20+$0x0], $0xffff  }
0xf8: {  	v8 =	vld.idx.msk [tilespmem:v4+s20+$0x0], $0xffff;
	_ =	sdelay $0x1  }
0xf9: {  	s18 =	sadd.s32 $0x2, s17  }
0xfa: {  	s17 =	sadd.s32 $0x3, s17;
	v4 =	vmul.f32 v5, v5;
	v5 =	vor.u32 s18, v0  }
.Ltmp4:
0xfb: {  	v3 =	vor.u32 s17, v0;
	(pc) =	sbr.rel @p0 .LBB2_11-.Ltmp4, $3  }
0xfc: {  	v4 =	vadd.f32 v6, v4  }
0xfd: {  	v6 =	vsub.f32 v7, v8;
	_ =	sdelay $0x1  }
0xfe: {  	[tilespmem:v5+s24+$0x0] =	vst.idx.msk $0xffff, v6;
	v5 =	vmul.f32 v6, v6  }
0xff: {  	_ =	sdelay $0x1  }
0x100: {  	v1 =	vadd.f32 v5, v4;
	_ =	sdelay $0x1  }
0x101: {  	[tilespmem:v3+s24+$0x0] =	vst.idx.msk $0xffff, v1  }
0x102: {  	_ =	swait.ge [sflag:s25], $0x2800  }
0x103: {  	[sflag:s25] =	ssyncset.done $0x0  }
0x104: {  	[sflag:s25] =	ssyncadd.s32 $0xFFFFD800  }
0x105: {  	_ =	swait.ge [sflag:s25], $0x2800  }
0x106: {  	[sflag:s25] =	ssyncset.done $0x0  }
0x107: {  	s16 =	simm.s32 $0x0;
	[sflag:s25] =	ssyncadd.s32 $0xFFFFD800  }
0x108: {  	s17 =	simm.s32 $0x40;
	v1 =	vld [tilespmem:s16+$0x9F00]  }
.LBB2_13:
0x109: {  	p0 =	sne.s32 s17, $0x9FC0;
	v2 =	vld [tilespmem:s16+$0x4F00];
	_ =	sdelay $0x2  }
.Ltmp5:
0x10a: {  	(pc) =	sbr.rel @p0 .LBB2_13-.Ltmp5, $4  }
0x10b: {  	_ = 	snop  }
0x10c: {  	v2 =	vadd.f32 v1, v2  }
0x10d: {  	s18 =	sshra.s32 s17, $0x2  }
0x10e: {  	s17 =	sadd.s32 $0x40, s17;
	v1 =	vld [tilespmem:s18+$0x9F00];
	[tilespmem:s16+$0x4F00] =	vst v2;
	s16 =	smov.u32 s18  }
0x10f: {  	v2 =	vld [tilespmem:s16+$0x4F00];
	_ =	sdelay $0x4  }
0x110: {  	s15 =	sadd.s32 s4, s15;
	v1 =	vadd.f32 v1, v2  }
0x111: {  	s17 =	sshll.u32 s15, $0x4;
	s15 =	sshrl.u32 s15, $0x1  }
0x112: {  	s18 =	sadd.s32 s7, s17;
	s17 =	simm.s32 $0x0;
	s15 =	sand.u32 $0x1FFFFFF8, s15;
	[tilespmem:s16+$0x4F00] =	vst v1  }
0x113: {  	[hbm4b:s18+s17] =	stream.linear.scatter [tilespmem:s22], [sflag:$0x2], $0x2800, $0x38;
	[tilespmem:$0x18E80] =	vst v63  }
0x114: {  	s15 =	sadd.s32 s8, s15  }
0x115: {  	[hbm4b:s15+s17] =	stream.linear.scatter [tilespmem:s24], [sflag:$0x4], $0x140, $0x38;
	[tilespmem:$0x18E80] =	vst v63  }
0x116: {  	_ =	swait.ge [sflag:s0], $0x2800  }
0x117: {  	[sflag:s0] =	ssyncset.done $0x0  }
0x118: {  	[sflag:s0] =	ssyncadd.s32 $0xFFFFD800  }
0x119: {  	_ =	swait.ge [sflag:s28], $0x140  }
0x11a: {  	v1 =	vmov s11;
	[sflag:s28] =	ssyncset.done $0x0  }
0x11b: {  	v2 =	vmov s12;
	s15 =	sadd.s32 $0xF0, s14;
	[sflag:s28] =	ssyncadd.s32 $0xFFFFFEC0  }
0x11c: {  	[tilespmem:s26], [sflag:$0x1] =	stream.indirect.gather [hbm4b:s2+s21], $0x80, s15, s21, $0xb8;
	[tilespmem:$0x18E80] =	vst v63  }
0x11d: {  	s16 =	sadd.s32 $0x2870, s14;
	s18 =	simm.s32 $0x0  }
0x11e: {  	[tilespmem:s29], [sflag:$0x1] =	stream.indirect.gather [hbm4b:s3+s21], $0x80, s16, s21, $0xb8;
	[tilespmem:$0x18E80] =	vst v63  }
0x11f: {  	v3 =	vld.idx.msk [tilespmem:v1+s18+$0x0 ss:$0x1], $0xffff  }
0x120: {  	v4 =	vld.idx.msk [tilespmem:v2+s18+$0x0 ss:$0x1], $0xffff;
	_ =	sdelay $0x3  }
0x121: {  	v3 =	vshll.u32 v3, $0x2  }
0x122: {  	v4 =	vshll.u32 v4, $0x2;
	_ =	sdelay $0x3  }
0x123: {  	v5 =	vld.idx.msk [tilespmem:v3+s20+$0x0], $0xffff  }
0x124: {  	v6 =	vld.idx.msk [tilespmem:v4+s20+$0x0], $0xffff;
	_ =	sdelay $0x1  }
0x125: {  	v7 =	vor.u32 s17, v0  }
0x126: {  	v8 =	vor.u32 $0x1, v3  }
0x127: {  	v9 =	vor.u32 $0x1, v4  }
0x128: {  	v5 =	vsub.f32 v5, v6;
	_ =	sdelay $0x1  }
0x129: {  	[tilespmem:v7+s30+$0x0] =	vst.idx.msk $0xffff, v5  }
0x12a: {  	v6 =	vld.idx.msk [tilespmem:v8+s20+$0x0], $0xffff  }
0x12b: {  	v7 =	vld.idx.msk [tilespmem:v9+s20+$0x0], $0xffff  }
0x12c: {  	s16 =	simm.s32 $0x1  }
0x12d: {  	v62 =	vor.u32 s16, v0  }
0x12e: {  	v3 =	vor.u32 $0x2, v3  }
0x12f: {  	v4 =	vor.u32 $0x2, v4  }
0x130: {  	v6 =	vsub.f32 v6, v7;
	_ =	sdelay $0x1  }
0x131: {  	[tilespmem:v62+s30+$0x0] =	vst.idx.msk $0xffff, v6  }
0x132: {  	v3 =	vld.idx.msk [tilespmem:v3+s20+$0x0], $0xffff  }
0x133: {  	v4 =	vld.idx.msk [tilespmem:v4+s20+$0x0], $0xffff  }
0x134: {  	s17 =	simm.s32 $0x2  }
0x135: {  	v7 =	vor.u32 s17, v0;
	_ =	sdelay $0x2  }
0x136: {  	s18 =	simm.s32 $0x3;
	v5 =	vmul.f32 v5, v5;
	v6 =	vmul.f32 v6, v6;
	v63 =	vsub.f32 v3, v4  }
0x137: {  	v3 =	vor.u32 s18, v0  }
0x138: {  	s14 =	simm.s32 $0x40;
	v4 =	vadd.f32 v6, v5;
	[tilespmem:v7+s30+$0x0] =	vst.idx.msk $0xffff, v63;
	v5 =	vmul.f32 v63, v63  }
.LBB2_15:
0x139: {  	p0 =	sne.s32 s14, $0x100;
	s16 =	smov.u32 s14;
	s14 =	sadd.s32 $0x40, s14  }
0x13a: {  	v4 =	vadd.f32 v5, v4;
	_ =	sdelay $0x1  }
0x13b: {  	s17 =	sshra.s32 s16, $0x2;
	[tilespmem:v3+s30+$0x0] =	vst.idx.msk $0xffff, v4  }
0x13c: {  	v3 =	vld.idx.msk [tilespmem:v1+s17+$0x0 ss:$0x1], $0xffff  }
0x13d: {  	v4 =	vld.idx.msk [tilespmem:v2+s17+$0x0 ss:$0x1], $0xffff;
	_ =	sdelay $0x4  }
0x13e: {  	v3 =	vshll.u32 v3, $0x2  }
0x13f: {  	v4 =	vshll.u32 v4, $0x2;
	_ =	sdelay $0x3  }
0x140: {  	v5 =	vld.idx.msk [tilespmem:v3+s20+$0x0], $0xffff  }
0x141: {  	v6 =	vld.idx.msk [tilespmem:v4+s20+$0x0], $0xffff;
	_ =	sdelay $0x1  }
0x142: {  	v7 =	vor.u32 s16, v0;
	_ =	sdelay $0x1  }
0x143: {  	v8 =	vor.u32 $0x1, v3;
	v9 =	vor.u32 $0x1, v4;
	_ =	sdelay $0x1  }
0x144: {  	v5 =	vsub.f32 v5, v6;
	_ =	sdelay $0x1  }
0x145: {  	[tilespmem:v7+s30+$0x0] =	vst.idx.msk $0xffff, v5  }
0x146: {  	v6 =	vld.idx.msk [tilespmem:v8+s20+$0x0], $0xffff  }
0x147: {  	s17 =	sadd.s32 $0x1, s16;
	v7 =	vld.idx.msk [tilespmem:v9+s20+$0x0], $0xffff  }
0x148: {  	v8 =	vor.u32 s17, v0;
	_ =	sdelay $0x2  }
0x149: {  	v3 =	vor.u32 $0x2, v3;
	v4 =	vor.u32 $0x2, v4;
	_ =	sdelay $0x1  }
0x14a: {  	v6 =	vsub.f32 v6, v7;
	_ =	sdelay $0x1  }
0x14b: {  	[tilespmem:v8+s30+$0x0] =	vst.idx.msk $0xffff, v6;
	v6 =	vmul.f32 v6, v6  }
0x14c: {  	v7 =	vld.idx.msk [tilespmem:v3+s20+$0x0], $0xffff  }
0x14d: {  	v8 =	vld.idx.msk [tilespmem:v4+s20+$0x0], $0xffff;
	_ =	sdelay $0x1  }
0x14e: {  	s17 =	sadd.s32 $0x2, s16  }
0x14f: {  	s16 =	sadd.s32 $0x3, s16;
	v4 =	vmul.f32 v5, v5;
	v5 =	vor.u32 s17, v0  }
.Ltmp6:
0x150: {  	v3 =	vor.u32 s16, v0;
	(pc) =	sbr.rel @p0 .LBB2_15-.Ltmp6, $3  }
0x151: {  	v4 =	vadd.f32 v6, v4  }
0x152: {  	v6 =	vsub.f32 v7, v8;
	_ =	sdelay $0x1  }
0x153: {  	[tilespmem:v5+s30+$0x0] =	vst.idx.msk $0xffff, v6;
	v5 =	vmul.f32 v6, v6  }
0x154: {  	_ =	sdelay $0x1  }
0x155: {  	v1 =	vadd.f32 v5, v4;
	_ =	sdelay $0x1  }
0x156: {  	[tilespmem:v3+s30+$0x0] =	vst.idx.msk $0xffff, v1  }
0x157: {  	_ =	swait.ge [sflag:s25], $0x2800  }
0x158: {  	[sflag:s25] =	ssyncset.done $0x0  }
0x159: {  	[sflag:s25] =	ssyncadd.s32 $0xFFFFD800  }
0x15a: {  	_ =	swait.ge [sflag:s25], $0x2800  }
0x15b: {  	[sflag:s25] =	ssyncset.done $0x0  }
0x15c: {  	s14 =	simm.s32 $0x0;
	[sflag:s25] =	ssyncadd.s32 $0xFFFFD800  }
0x15d: {  	s16 =	simm.s32 $0x40;
	v1 =	vld [tilespmem:s14+$0xC700]  }
.LBB2_17:
0x15e: {  	p0 =	sne.s32 s16, $0x9FC0;
	v2 =	vld [tilespmem:s14+$0x7700];
	_ =	sdelay $0x2  }
.Ltmp7:
0x15f: {  	(pc) =	sbr.rel @p0 .LBB2_17-.Ltmp7, $4  }
0x160: {  	_ = 	snop  }
0x161: {  	v2 =	vadd.f32 v1, v2  }
0x162: {  	s17 =	sshra.s32 s16, $0x2  }
0x163: {  	s16 =	sadd.s32 $0x40, s16;
	v1 =	vld [tilespmem:s17+$0xC700];
	[tilespmem:s14+$0x7700] =	vst v2;
	s14 =	smov.u32 s17  }
0x164: {  	v2 =	vld [tilespmem:s14+$0x7700];
	_ =	sdelay $0x3  }
0x165: {  	s13 =	sadd.s32 $0x1, s13  }
0x166: {  	s15 =	sadd.s32 s4, s15;
	p0 =	sne.s32 s13, $0x3D;
	v1 =	vadd.f32 v1, v2  }
.Ltmp8:
0x167: {  	s10 =	sadd.s32 $0xA0, s10;
	s16 =	sshll.u32 s15, $0x4;
	(pc) =	sbr.rel @p0 .LBB2_10-.Ltmp8, $4  }
0x168: {  	s19 =	sadd.s32 $0xA0, s19;
	s18 =	sshrl.u32 s15, $0x1;
	s17 =	sadd.s32 s7, s16;
	[tilespmem:s14+$0x7700] =	vst v1  }
0x169: {  	[hbm4b:s17+s5] =	stream.linear.scatter [tilespmem:s26], [sflag:$0x3], $0x2800, $0x38;
	[tilespmem:$0x18E80] =	vst v63  }
0x16a: {  	s11 =	sadd.s32 $0xA0, s11;
	s12 =	sadd.s32 $0xA0, s12;
	s14 =	sadd.s32 s8, s18  }
0x16b: {  	[hbm4b:s14+s5] =	stream.linear.scatter [tilespmem:s30], [sflag:$0x5], $0x140, $0x38;
	[tilespmem:$0x18E80] =	vst v63  }
0x16c: {  	_ =	swait.ge [sflag:s31], $0x2800  }
0x16d: {  	[sflag:s31] =	ssyncset.done $0x0  }
0x16e: {  	[sflag:s31] =	ssyncadd.s32 $0xFFFFD800  }
0x16f: {  	_ =	swait.ge [sflag:s1], $0x140  }
0x170: {  	[sflag:s1] =	ssyncset.done $0x0  }
0x171: {  	s9 =	simm.s32 $0x26C0;
	[sflag:s1] =	ssyncadd.s32 $0xFFFFFEC0  }
0x172: {  	[tilespmem:s22], [sflag:$0x1] =	stream.indirect.gather [hbm4b:s2+s21], $0x80, s9, s21, $0xb8;
	[tilespmem:$0x18E80] =	vst v63  }
0x173: {  	s15 =	simm.s32 $0x4E40;
	s16 =	simm.s32 $0x0  }
0x174: {  	[tilespmem:s23], [sflag:$0x1] =	stream.indirect.gather [hbm4b:s3+s21], $0x80, s15, s21, $0xb8;
	[tilespmem:$0x18E80] =	vst v63  }
0x175: {  	v1 =	vld [tilespmem:s16+$0x26C0]  }
0x176: {  	v2 =	vld [tilespmem:s16+$0x4E40];
	_ =	sdelay $0x3  }
0x177: {  	v1 =	vshll.u32 v1, $0x2  }
0x178: {  	v2 =	vshll.u32 v2, $0x2;
	_ =	sdelay $0x3  }
0x179: {  	v3 =	vld.idx.msk [tilespmem:v1+s20+$0x0], $0xffff  }
0x17a: {  	v4 =	vld.idx.msk [tilespmem:v2+s20+$0x0], $0xffff  }
0x17b: {  	s17 =	simm.s32 $0x0  }
0x17c: {  	v5 =	vor.u32 s17, v0  }
0x17d: {  	v6 =	vor.u32 $0x1, v1  }
0x17e: {  	v7 =	vor.u32 $0x1, v2  }
0x17f: {  	v3 =	vsub.f32 v3, v4;
	_ =	sdelay $0x1  }
0x180: {  	[tilespmem:v5+s24+$0x0] =	vst.idx.msk $0xffff, v3  }
0x181: {  	v4 =	vld.idx.msk [tilespmem:v6+s20+$0x0], $0xffff  }
0x182: {  	v5 =	vld.idx.msk [tilespmem:v7+s20+$0x0], $0xffff  }
0x183: {  	s18 =	simm.s32 $0x1  }
0x184: {  	v62 =	vor.u32 s18, v0  }
0x185: {  	v1 =	vor.u32 $0x2, v1  }
0x186: {  	v2 =	vor.u32 $0x2, v2  }
0x187: {  	v4 =	vsub.f32 v4, v5;
	_ =	sdelay $0x1  }
0x188: {  	[tilespmem:v62+s24+$0x0] =	vst.idx.msk $0xffff, v4  }
0x189: {  	v1 =	vld.idx.msk [tilespmem:v1+s20+$0x0], $0xffff  }
0x18a: {  	v2 =	vld.idx.msk [tilespmem:v2+s20+$0x0], $0xffff  }
0x18b: {  	s19 =	simm.s32 $0x2  }
0x18c: {  	v5 =	vor.u32 s19, v0;
	_ =	sdelay $0x2  }
0x18d: {  	s10 =	simm.s32 $0x3;
	v3 =	vmul.f32 v3, v3;
	v4 =	vmul.f32 v4, v4;
	v63 =	vsub.f32 v1, v2  }
0x18e: {  	v1 =	vor.u32 s10, v0  }
0x18f: {  	s9 =	simm.s32 $0x40;
	v2 =	vadd.f32 v4, v3;
	[tilespmem:v5+s24+$0x0] =	vst.idx.msk $0xffff, v63;
	v3 =	vmul.f32 v63, v63  }
.LBB2_20:
0x190: {  	p0 =	sne.s32 s9, $0x100;
	s10 =	smov.u32 s9;
	s9 =	sadd.s32 $0x40, s9  }
0x191: {  	v2 =	vadd.f32 v3, v2;
	_ =	sdelay $0x1  }
0x192: {  	s11 =	sshra.s32 s10, $0x2;
	[tilespmem:v1+s24+$0x0] =	vst.idx.msk $0xffff, v2  }
0x193: {  	v1 =	vld [tilespmem:s11+$0x26C0]  }
0x194: {  	v2 =	vld [tilespmem:s11+$0x4E40];
	_ =	sdelay $0x3  }
0x195: {  	v1 =	vshll.u32 v1, $0x2  }
0x196: {  	v2 =	vshll.u32 v2, $0x2;
	_ =	sdelay $0x3  }
0x197: {  	v3 =	vld.idx.msk [tilespmem:v1+s20+$0x0], $0xffff  }
0x198: {  	v4 =	vld.idx.msk [tilespmem:v2+s20+$0x0], $0xffff;
	_ =	sdelay $0x1  }
0x199: {  	v5 =	vor.u32 s10, v0;
	_ =	sdelay $0x1  }
0x19a: {  	v6 =	vor.u32 $0x1, v1;
	v7 =	vor.u32 $0x1, v2;
	_ =	sdelay $0x1  }
0x19b: {  	v3 =	vsub.f32 v3, v4;
	_ =	sdelay $0x1  }
0x19c: {  	[tilespmem:v5+s24+$0x0] =	vst.idx.msk $0xffff, v3  }
0x19d: {  	v4 =	vld.idx.msk [tilespmem:v6+s20+$0x0], $0xffff  }
0x19e: {  	s11 =	sadd.s32 $0x1, s10;
	v5 =	vld.idx.msk [tilespmem:v7+s20+$0x0], $0xffff  }
0x19f: {  	v6 =	vor.u32 s11, v0;
	_ =	sdelay $0x2  }
0x1a0: {  	v1 =	vor.u32 $0x2, v1;
	v2 =	vor.u32 $0x2, v2;
	_ =	sdelay $0x1  }
0x1a1: {  	v4 =	vsub.f32 v4, v5;
	_ =	sdelay $0x1  }
0x1a2: {  	[tilespmem:v6+s24+$0x0] =	vst.idx.msk $0xffff, v4;
	v4 =	vmul.f32 v4, v4  }
0x1a3: {  	v5 =	vld.idx.msk [tilespmem:v1+s20+$0x0], $0xffff  }
0x1a4: {  	v6 =	vld.idx.msk [tilespmem:v2+s20+$0x0], $0xffff;
	_ =	sdelay $0x1  }
0x1a5: {  	s11 =	sadd.s32 $0x2, s10  }
0x1a6: {  	s10 =	sadd.s32 $0x3, s10;
	v2 =	vmul.f32 v3, v3;
	v3 =	vor.u32 s11, v0  }
.Ltmp9:
0x1a7: {  	v1 =	vor.u32 s10, v0;
	(pc) =	sbr.rel @p0 .LBB2_20-.Ltmp9, $3  }
0x1a8: {  	v2 =	vadd.f32 v4, v2  }
0x1a9: {  	v4 =	vsub.f32 v5, v6;
	_ =	sdelay $0x1  }
0x1aa: {  	[tilespmem:v3+s24+$0x0] =	vst.idx.msk $0xffff, v4;
	v3 =	vmul.f32 v4, v4  }
0x1ab: {  	_ =	sdelay $0x1  }
0x1ac: {  	v2 =	vadd.f32 v3, v2;
	_ =	sdelay $0x1  }
0x1ad: {  	[tilespmem:v1+s24+$0x0] =	vst.idx.msk $0xffff, v2  }
0x1ae: {  	_ =	swait.ge [sflag:s25], $0x2800  }
0x1af: {  	[sflag:s25] =	ssyncset.done $0x0  }
0x1b0: {  	[sflag:s25] =	ssyncadd.s32 $0xFFFFD800  }
0x1b1: {  	_ =	swait.ge [sflag:s25], $0x2800  }
0x1b2: {  	[sflag:s25] =	ssyncset.done $0x0  }
0x1b3: {  	s9 =	simm.s32 $0x0;
	[sflag:s25] =	ssyncadd.s32 $0xFFFFD800  }
0x1b4: {  	s10 =	simm.s32 $0x40;
	v1 =	vld [tilespmem:s9+$0x9F00]  }
.LBB2_22:
0x1b5: {  	p0 =	sne.s32 s10, $0x9FC0;
	v2 =	vld [tilespmem:s9+$0x4F00];
	_ =	sdelay $0x2  }
.Ltmp10:
0x1b6: {  	(pc) =	sbr.rel @p0 .LBB2_22-.Ltmp10, $4  }
0x1b7: {  	_ = 	snop  }
0x1b8: {  	v2 =	vadd.f32 v1, v2  }
0x1b9: {  	s11 =	sshra.s32 s10, $0x2  }
0x1ba: {  	s10 =	sadd.s32 $0x40, s10;
	v1 =	vld [tilespmem:s11+$0x9F00];
	[tilespmem:s9+$0x4F00] =	vst v2;
	s9 =	smov.u32 s11  }
0x1bb: {  	v2 =	vld [tilespmem:s9+$0x4F00];
	_ =	sdelay $0x4  }
0x1bc: {  	v1 =	vadd.f32 v1, v2;
	_ =	sdelay $0x1  }
0x1bd: {  	s17 =	rddreg [dreg:$0xb];
	[tilespmem:s9+$0x4F00] =	vst v1  }
0x1be: {  	[hbm4b:s17+s5] =	stream.linear.scatter [tilespmem:s22], [sflag:$0x2], $0x2800, $0x38;
	[tilespmem:$0x18E80] =	vst v63  }
0x1bf: {  	s18 =	rddreg [dreg:$0xc]  }
0x1c0: {  	[hbm4b:s18+s5] =	stream.linear.scatter [tilespmem:s24], [sflag:$0x4], $0x140, $0x38;
	[tilespmem:$0x18E80] =	vst v63  }
0x1c1: {  	_ =	swait.ge [sflag:s31], $0x2800  }
0x1c2: {  	[sflag:s31] =	ssyncset.done $0x0  }
0x1c3: {  	[sflag:s31] =	ssyncadd.s32 $0xFFFFD800  }
0x1c4: {  	_ =	swait.ge [sflag:s1], $0x140  }
0x1c5: {  	[sflag:s1] =	ssyncset.done $0x0  }
0x1c6: {  	[sflag:s1] =	ssyncadd.s32 $0xFFFFFEC0  }
0x1c7: {  	_ =	swait.ge [sflag:s0], $0x2800  }
0x1c8: {  	[sflag:s0] =	ssyncset.done $0x0  }
0x1c9: {  	[sflag:s0] =	ssyncadd.s32 $0xFFFFD800  }
0x1ca: {  	_ =	swait.ge [sflag:s28], $0x140  }
0x1cb: {  	s6 =	sadd.s32 $0x1, s6;
	s19 =	rddreg [dreg:$0xd]  }
0x1cc: {  	p0 =	sne.s32 s6, s19  }
.Ltmp11:
0x1cd: {  	_ = 	snop;
	(pc) =	sbr.rel @p0 .LBB2_1-.Ltmp11, $3  }
0x1ce: {  	_ =	sdelay $0x1  }
0x1cf: {  	[sflag:s28] =	ssyncset.done $0x0  }
0x1d0: {  	[sflag:s28] =	ssyncadd.s32 $0xFFFFFEC0  }
0x1d1: {  	_ =	sfence.sel $0x180000  }
0x1d2: {  	[bflag:$0x0] =	sbarrier.arrive $0xFFFF  }
0x1d3: {  	_ =	strace $0x90000047  }
0x1d4: {  	s0 =	stileid.u32;
	[bflag:$0x2] =	sbarrier.arrive $0xFFFF  }
0x1d5: {  	p0 =	sne.s32 s0, $0x0;
	s0 =	rddreg [dreg:$0x3]  }
0x1d6: {  	s0 =	sadd.s32 @!p0 $0x100000, s0  }
0x1d7: {  	[sflag:s0] =	ssyncadd.tile.s32 @!p0 $0x1;
	_ =	shalt  }
.Lfunc_end2:
_tile_overlayer_lowered:
.L_overlay_start_2:
0x1d8: {  	(tag) =	ssettag $0x2  }
0x1d9: {  	s0 =	rddreg [dreg:$0x0];
	s2 =	stileid.u32  }
0x1da: {  	s1 =	rddreg [dreg:$0x1];
	p0 =	sne.s32 s2, $0x0  }
0x1db: {  	s3 =	rddreg [dreg:$0x2];
	[bflag:$0x3] =	sbarrier.arrive $0xFFFF;
	s2 =	simm.s32 @!p0 $0x1C06  }
0x1dc: {  	[timem:s3], [sflag:s2] =	dma.local @!p0 [hbm:s0], s1  }
0x1dd: {  	s0 =	simm.s32 @!p0 $0x6  }
0x1de: {  	_ =	swait.ge @!p0 [sflag:s0], s1  }
0x1df: {  	s1 =	ssub.s32 @!p0 $0x0, s1;
	[sflag:s0] =	ssyncset.done @!p0 $0x0  }
0x1e0: {  	[sflag:s0] =	ssyncadd.s32 @!p0 s1  }
0x1e1: {  	[bflag:$0x3] =	sbarrier.arrive $0xFFFF  }
0x1e2: {  	_ =	shalt  }

</sc_bundles>
